<compile_context>
chip_gen: v7x
topology: tpu7x:2x2x1
jax: 0.10.2.dev20260603
libtpu: 0.0.44.dev20260713+nightly
codegen_flags: <defaults>
</compile_context>

<pallas_src>
import functools

import jax
import jax.numpy as jnp
from jax import lax
from jax.experimental import pallas as pl
from jax.experimental.pallas import tpu as pltpu
from jax.experimental.pallas import tpu_sc as plsc

B, C, D = 1024, 512, 64
NC, NS, L = 2, 16, 16
NW = NC * NS
BPW = B // NW
NTILE = B * C // 8
TPR = C // 8


def _sqrt_body(a_ref, o_ref):
    o_ref[...] = jnp.sqrt(a_ref[...])


def _sqrt_tc(a):
    n = a.shape[0] // 128
    return pl.pallas_call(
        _sqrt_body,
        grid=(4,),
        in_specs=[pl.BlockSpec((n // 4, 128), lambda i: (i, 0))],
        out_specs=pl.BlockSpec((n // 4, 128), lambda i: (i, 0)),
        out_shape=jax.ShapeDtypeStruct((n, 128), jnp.float32),
    )(a.reshape(n, 128)).reshape(a.shape)


_mesh = plsc.VectorSubcoreMesh(core_axis_name="c", subcore_axis_name="s")


@functools.partial(
    pl.kernel,
    out_type=[
        jax.ShapeDtypeStruct((B * C,), jnp.float32),
        jax.ShapeDtypeStruct((B,), jnp.int32),
        jax.ShapeDtypeStruct((B * D,), jnp.float32),
    ],
    mesh=_mesh,
    compiler_params=pltpu.CompilerParams(needs_layout_passes=False),
    scratch_types=[
        pltpu.VMEM((TPR, 8, D), jnp.float32),
        pltpu.VMEM((C,), jnp.float32),
        pltpu.VMEM((BPW,), jnp.int32),
        pltpu.VMEM((BPW * D,), jnp.float32),
        pltpu.SemaphoreType.DMA,
    ],
)
def _sc_norms(x46_hbm, clssq_hbm, idx_hbm, masked_hbm,
              slab_v, clsrow_v, idx_v, out_v, sem):
    wid = lax.axis_index("s") * NC + lax.axis_index("c")
    base = wid * BPW
    lane = lax.broadcasted_iota(jnp.int32, (L,), 0)

    for g in range(BPW // L):

        def row_body(rr, acc):
            r = g * L + rr
            gr = base + r
            pltpu.sync_copy(x46_hbm.at[gr], slab_v)

            def grp(t2, carry):
                best_s, best_c = carry
                a16 = jnp.zeros((L,), jnp.float32)
                for u in range(L):
                    tidx = 2 * t2 + (u // 8)
                    v0 = slab_v[tidx, u % 8, pl.ds(0, L)]
                    v1 = slab_v[tidx, u % 8, pl.ds(L, L)]
                    v2 = slab_v[tidx, u % 8, pl.ds(2 * L, L)]
                    v3 = slab_v[tidx, u % 8, pl.ds(3 * L, L)]
                    s = jnp.sum(v0 * v0 + v1 * v1 + v2 * v2 + v3 * v3)
                    a16 = jnp.where(lane == u, s, a16)
                    cc = t2 * L + u
                    take = s > best_s
                    best_s = jnp.where(take, s, best_s)
                    best_c = jnp.where(take, cc, best_c)
                clsrow_v[pl.ds(t2 * L, L)] = a16
                return best_s, best_c

            _, cstar = lax.fori_loop(0, C // L, grp,
                                     (jnp.float32(-1.0), jnp.int32(0)))
            pltpu.sync_copy(clsrow_v, clssq_hbm.at[pl.ds(gr * C, C)])
            for m in range(D // L):
                out_v[pl.ds(r * D + m * L, L)] = (
                    slab_v[cstar >> 3, cstar & 7, pl.ds(m * L, L)])
            return jnp.where(lane == rr, cstar, acc)

        acc = lax.fori_loop(0, L, row_body, jnp.zeros((L,), jnp.int32))
        idx_v[pl.ds(g * L, L)] = acc

    pltpu.sync_copy(idx_v, idx_hbm.at[pl.ds(base, BPW)])
    pltpu.sync_copy(out_v, masked_hbm.at[pl.ds(base * D, BPW * D)])


def kernel(x):
    x46 = x.reshape(B, TPR, 8, D)
    clssq, idx, masked = _sc_norms(x46)
    cls = _sqrt_tc(clssq)
    return masked.reshape(B, 1, D), idx, cls.reshape(B, C)

# --- scband reference (transcript-rebuilt; emitter-appended) ---
"""Pipeline reference for scband-mask-cid-49813030699228 (READ-ONLY COPY).

The authoritative reference and input builder live on the scoring server;
editing this copy changes nothing except your own understanding.
"""

import jax, jax.numpy as jnp
import numpy as np


def setup_inputs(seed: int = 0) -> dict:
    key = jax.random.key(seed)
    x = jax.random.normal(key, (1024, 512, 64), dtype=jnp.float32)
    return {"x": x}


def reference(x):
    # classes = L2 norm over capsule dim (dim=2) -> [B, C]
    classes = jnp.sqrt(jnp.sum(x * x, axis=2))
    # target is None path: pick index of max-norm capsule per batch element
    max_len_indices = jnp.argmax(classes, axis=-1)  # [B]
    # gather the winning capsule per row: masked[i] = x[i, max_len_indices[i], :]
    masked = jnp.take_along_axis(x, max_len_indices[:, None, None], axis=1)  # [B, 1, D]
    # torch .squeeze(-1) is a no-op here since last dim D=64 != 1
    return masked, max_len_indices, classes

if __name__ == "__main__":
    import jax
    _d = setup_inputs()
    print(jax.jit(kernel)(*tuple(_d.values())))

</pallas_src>

<mosaic_0001>
#map = affine_map<(d0, d1) -> (0, 0, 0, 0)>
#map1 = affine_map<(d0, d1) -> (0)>
module attributes {stable_mosaic.version = 14 : i64} {
  func.func @_sc_norms(%arg0: i32, %arg1: i32, %arg2: memref<1024x64x8x64xf32, #tpu.memory_space<hbm>>, %arg3: memref<524288xf32, #tpu.memory_space<hbm>>, %arg4: memref<1024xi32, #tpu.memory_space<hbm>>, %arg5: memref<65536xf32, #tpu.memory_space<hbm>>, %arg6: memref<64x8x64xf32, #tpu.memory_space<vmem>>, %arg7: memref<512xf32, #tpu.memory_space<vmem>>, %arg8: memref<32xi32, #tpu.memory_space<vmem>>, %arg9: memref<2048xf32, #tpu.memory_space<vmem>>, %arg10: memref<!tpu.dma_semaphore, #tpu.memory_space<semaphore_mem>>) attributes {dimension_semantics = [#tpu.dimension_semantics<core_parallel>, #tpu.dimension_semantics<subcore_parallel>], iteration_bounds = array<i64: 2, 16>, scalar_prefetch = 0 : i64, scratch_operands = 5 : i64, tpu.core_type = #tpu.core_type<sc_vector_subcore>, window_params = [{transform_indices = #map}, {transform_indices = #map1}, {transform_indices = #map1}, {transform_indices = #map1}]} {
    %mul3A = arith.constant 2 : i32
    %mul3A_0 = arith.muli %arg1, %mul3A : i32
    %add3A = arith.addi %mul3A_0, %arg0 : i32
    %mul3A_1 = arith.constant 32 : i32
    %mul3A_2 = arith.muli %add3A, %mul3A_1 : i32
    %iota3A = tpu.iota {dimensions = array<i32: 0>} : vector<16xi32>
    %broadcast_in_dim3A = arith.constant 0 : i32
    %broadcast_in_dim3A_3 = vector.broadcast %broadcast_in_dim3A : i32 to vector<16xi32>
    %scan3A = arith.constant 0 : i32
    %scan3A_4 = arith.constant 16 : i32
    %scan3A_5 = arith.addi %scan3A, %scan3A_4 : i32
    %scan3A_6 = arith.constant 1 : i32
    %scan3A_7 = scf.for %scan3A_22 = %scan3A to %scan3A_5 step %scan3A_6 iter_args(%scan3A_23 = %broadcast_in_dim3A_3) -> (vector<16xi32>)  : i32 {
      %add3A_24 = arith.constant 0 : i32
      %add3A_25 = arith.addi %add3A_24, %scan3A_22 : i32
      %add3A_26 = arith.addi %mul3A_2, %add3A_25 : i32
      "tpu.region"() ({
        %run_scoped3A = tpu.sem_alloc : memref<!tpu.dma_semaphore, #tpu.memory_space<semaphore_mem>>
        %dma_start3A = arith.constant 0 : i32
        %dma_start3A_92 = arith.constant 0 : i32
        %dma_start3A_93 = arith.constant 0 : i32
        %dma_start3A_94 = tpu.memref_slice %arg2[%add3A_26, %dma_start3A, %dma_start3A_92, %dma_start3A_93] : memref<1024x64x8x64xf32, #tpu.memory_space<hbm>> -> memref<1x64x8x64xf32, #tpu.memory_space<hbm>>
        %dma_start3A_95 = tpu.memref_squeeze %dma_start3A_94 : memref<1x64x8x64xf32, #tpu.memory_space<hbm>> -> memref<64x8x64xf32, #tpu.memory_space<hbm>>
        %dma_start3A_96 = arith.constant 0 : i32
        %dma_start3A_97 = arith.constant 0 : i32
        %dma_start3A_98 = arith.constant 0 : i32
        %dma_start3A_99 = tpu.memref_slice %arg2[%add3A_26, %dma_start3A_96, %dma_start3A_97, %dma_start3A_98] : memref<1024x64x8x64xf32, #tpu.memory_space<hbm>> -> memref<1x64x8x64xf32, #tpu.memory_space<hbm>>
        %dma_start3A_100 = tpu.memref_squeeze %dma_start3A_99 : memref<1x64x8x64xf32, #tpu.memory_space<hbm>> -> memref<64x8x64xf32, #tpu.memory_space<hbm>>
        tpu.enqueue_dma source(%dma_start3A_100 : memref<64x8x64xf32, #tpu.memory_space<hbm>>) target(%arg6 : memref<64x8x64xf32, #tpu.memory_space<vmem>>) target_semaphore(%run_scoped3A : memref<!tpu.dma_semaphore, #tpu.memory_space<semaphore_mem>>)
        %dma_wait3A = arith.constant 0 : i32
        %dma_wait3A_101 = arith.constant 0 : i32
        %dma_wait3A_102 = arith.constant 0 : i32
        %dma_wait3A_103 = tpu.memref_slice %arg2[%add3A_26, %dma_wait3A, %dma_wait3A_101, %dma_wait3A_102] : memref<1024x64x8x64xf32, #tpu.memory_space<hbm>> -> memref<1x64x8x64xf32, #tpu.memory_space<hbm>>
        %dma_wait3A_104 = tpu.memref_squeeze %dma_wait3A_103 : memref<1x64x8x64xf32, #tpu.memory_space<hbm>> -> memref<64x8x64xf32, #tpu.memory_space<hbm>>
        %dma_wait3A_105 = arith.constant 0 : i32
        %dma_wait3A_106 = arith.constant 0 : i32
        %dma_wait3A_107 = arith.constant 0 : i32
        %dma_wait3A_108 = tpu.memref_slice %arg2[%add3A_26, %dma_wait3A_105, %dma_wait3A_106, %dma_wait3A_107] : memref<1024x64x8x64xf32, #tpu.memory_space<hbm>> -> memref<1x64x8x64xf32, #tpu.memory_space<hbm>>
        %dma_wait3A_109 = tpu.memref_squeeze %dma_wait3A_108 : memref<1x64x8x64xf32, #tpu.memory_space<hbm>> -> memref<64x8x64xf32, #tpu.memory_space<hbm>>
        tpu.wait_dma2 semaphore(%run_scoped3A : memref<!tpu.dma_semaphore, #tpu.memory_space<semaphore_mem>>) src(%dma_wait3A_109 : memref<64x8x64xf32, #tpu.memory_space<hbm>>) dst(%arg6 : memref<64x8x64xf32, #tpu.memory_space<vmem>>)
        tpu.yield
      }) : () -> ()
      %scan3A_27 = arith.constant -1.000000e+00 : f32
      %scan3A_28 = arith.constant 0 : i32
      %scan3A_29 = arith.constant 0 : i32
      %scan3A_30 = arith.constant 32 : i32
      %scan3A_31 = arith.addi %scan3A_29, %scan3A_30 : i32
      %scan3A_32 = arith.constant 1 : i32
      %scan3A_33:2 = scf.for %scan3A_92 = %scan3A_29 to %scan3A_31 step %scan3A_32 iter_args(%scan3A_93 = %scan3A_27, %scan3A_94 = %scan3A_28) -> (f32, i32)  : i32 {
        %broadcast_in_dim3A_95 = arith.constant 0.000000e+00 : f32
        %broadcast_in_dim3A_96 = vector.broadcast %broadcast_in_dim3A_95 : f32 to vector<16xf32>
        %mul3A_97 = arith.constant 2 : i32
        %mul3A_98 = arith.muli %mul3A_97, %scan3A_92 : i32
        %add3A_99 = arith.constant 0 : i32
        %add3A_100 = arith.addi %mul3A_98, %add3A_99 : i32
        %get3A_101 = arith.constant 0 : i32
        %get3A_102 = arith.index_cast %add3A_100 : i32 to index
        %get3A_103 = arith.index_cast %get3A_101 : i32 to index
        %get3A_104 = arith.constant 0 : index
        %get3A_105 = tpu.vector_load %arg6[%get3A_102, %get3A_103, %get3A_104] {strides = array<i32>} : memref<64x8x64xf32, #tpu.memory_space<vmem>>, vector<16xf32>,
        %get3A_106 = arith.constant 0 : i32
        %get3A_107 = arith.index_cast %add3A_100 : i32 to index
        %get3A_108 = arith.index_cast %get3A_106 : i32 to index
        %get3A_109 = arith.constant 16 : index
        %get3A_110 = tpu.vector_load %arg6[%get3A_107, %get3A_108, %get3A_109] {strides = array<i32>} : memref<64x8x64xf32, #tpu.memory_space<vmem>>, vector<16xf32>,
        %get3A_111 = arith.constant 0 : i32
        %get3A_112 = arith.index_cast %add3A_100 : i32 to index
        %get3A_113 = arith.index_cast %get3A_111 : i32 to index
        %get3A_114 = arith.constant 32 : index
        %get3A_115 = tpu.vector_load %arg6[%get3A_112, %get3A_113, %get3A_114] {strides = array<i32>} : memref<64x8x64xf32, #tpu.memory_space<vmem>>, vector<16xf32>,
        %get3A_116 = arith.constant 0 : i32
        %get3A_117 = arith.index_cast %add3A_100 : i32 to index
        %get3A_118 = arith.index_cast %get3A_116 : i32 to index
        %get3A_119 = arith.constant 48 : index
        %get3A_120 = tpu.vector_load %arg6[%get3A_117, %get3A_118, %get3A_119] {strides = array<i32>} : memref<64x8x64xf32, #tpu.memory_space<vmem>>, vector<16xf32>,
        %mul3A_121 = arith.mulf %get3A_105, %get3A_105 : vector<16xf32>
        %mul3A_122 = arith.mulf %get3A_110, %get3A_110 : vector<16xf32>
        %add3A_123 = arith.addf %mul3A_121, %mul3A_122 : vector<16xf32>
        %mul3A_124 = arith.mulf %get3A_115, %get3A_115 : vector<16xf32>
        %add3A_125 = arith.addf %add3A_123, %mul3A_124 : vector<16xf32>
        %mul3A_126 = arith.mulf %get3A_120, %get3A_120 : vector<16xf32>
        %add3A_127 = arith.addf %add3A_125, %mul3A_126 : vector<16xf32>
        %reduce_sum3A = arith.constant true
        %reduce_sum3A_128 = vector.broadcast %reduce_sum3A : i1 to vector<16xi1>
        %reduce_sum3A_129 = tpu.scan <sum>, %add3A_127 masked %reduce_sum3A_128 : vector<16xf32>, vector<16xi1> -> vector<16xf32>
        %reduce_sum3A_130 = vector.extract %reduce_sum3A_129[15] : f32 from vector<16xf32>
        %eq3A_131 = arith.constant 0 : i32
        %eq3A_132 = vector.broadcast %eq3A_131 : i32 to vector<16xi32>
        %eq3A_133 = arith.cmpi eq, %iota3A, %eq3A_132 : vector<16xi32>
        %broadcast_in_dim3A_134 = vector.broadcast %reduce_sum3A_130 : f32 to vector<16xf32>
        %select_n3A_135 = arith.select %eq3A_133, %broadcast_in_dim3A_134, %broadcast_in_dim3A_96 : vector<16xi1>, vector<16xf32>
        %mul3A_136 = arith.constant 16 : i32
        %mul3A_137 = arith.muli %scan3A_92, %mul3A_136 : i32
        %add3A_138 = arith.constant 0 : i32
        %add3A_139 = arith.addi %mul3A_137, %add3A_138 : i32
        %gt3A = arith.cmpf ogt, %reduce_sum3A_130, %scan3A_93 : f32
        %select_n3A_140 = arith.select %gt3A, %reduce_sum3A_130, %scan3A_93 : f32
        %select_n3A_141 = arith.select %gt3A, %add3A_139, %scan3A_94 : i32
        %mul3A_142 = arith.constant 2 : i32
        %mul3A_143 = arith.muli %mul3A_142, %scan3A_92 : i32
        %add3A_144 = arith.constant 0 : i32
        %add3A_145 = arith.addi %mul3A_143, %add3A_144 : i32
        %get3A_146 = arith.constant 1 : i32
        %get3A_147 = arith.index_cast %add3A_145 : i32 to index
        %get3A_148 = arith.index_cast %get3A_146 : i32 to index
        %get3A_149 = arith.constant 0 : index
        %get3A_150 = tpu.vector_load %arg6[%get3A_147, %get3A_148, %get3A_149] {strides = array<i32>} : memref<64x8x64xf32, #tpu.memory_space<vmem>>, vector<16xf32>,
        %get3A_151 = arith.constant 1 : i32
        %get3A_152 = arith.index_cast %add3A_145 : i32 to index
        %get3A_153 = arith.index_cast %get3A_151 : i32 to index
        %get3A_154 = arith.constant 16 : index
        %get3A_155 = tpu.vector_load %arg6[%get3A_152, %get3A_153, %get3A_154] {strides = array<i32>} : memref<64x8x64xf32, #tpu.memory_space<vmem>>, vector<16xf32>,
        %get3A_156 = arith.constant 1 : i32
        %get3A_157 = arith.index_cast %add3A_145 : i32 to index
        %get3A_158 = arith.index_cast %get3A_156 : i32 to index
        %get3A_159 = arith.constant 32 : index
        %get3A_160 = tpu.vector_load %arg6[%get3A_157, %get3A_158, %get3A_159] {strides = array<i32>} : memref<64x8x64xf32, #tpu.memory_space<vmem>>, vector<16xf32>,
        %get3A_161 = arith.constant 1 : i32
        %get3A_162 = arith.index_cast %add3A_145 : i32 to index
        %get3A_163 = arith.index_cast %get3A_161 : i32 to index
        %get3A_164 = arith.constant 48 : index
        %get3A_165 = tpu.vector_load %arg6[%get3A_162, %get3A_163, %get3A_164] {strides = array<i32>} : memref<64x8x64xf32, #tpu.memory_space<vmem>>, vector<16xf32>,
        %mul3A_166 = arith.mulf %get3A_150, %get3A_150 : vector<16xf32>
        %mul3A_167 = arith.mulf %get3A_155, %get3A_155 : vector<16xf32>
        %add3A_168 = arith.addf %mul3A_166, %mul3A_167 : vector<16xf32>
        %mul3A_169 = arith.mulf %get3A_160, %get3A_160 : vector<16xf32>
        %add3A_170 = arith.addf %add3A_168, %mul3A_169 : vector<16xf32>
        %mul3A_171 = arith.mulf %get3A_165, %get3A_165 : vector<16xf32>
        %add3A_172 = arith.addf %add3A_170, %mul3A_171 : vector<16xf32>
        %reduce_sum3A_173 = arith.constant true
        %reduce_sum3A_174 = vector.broadcast %reduce_sum3A_173 : i1 to vector<16xi1>
        %reduce_sum3A_175 = tpu.scan <sum>, %add3A_172 masked %reduce_sum3A_174 : vector<16xf32>, vector<16xi1> -> vector<16xf32>
        %reduce_sum3A_176 = vector.extract %reduce_sum3A_175[15] : f32 from vector<16xf32>
        %eq3A_177 = arith.constant 1 : i32
        %eq3A_178 = vector.broadcast %eq3A_177 : i32 to vector<16xi32>
        %eq3A_179 = arith.cmpi eq, %iota3A, %eq3A_178 : vector<16xi32>
        %broadcast_in_dim3A_180 = vector.broadcast %reduce_sum3A_176 : f32 to vector<16xf32>
        %select_n3A_181 = arith.select %eq3A_179, %broadcast_in_dim3A_180, %select_n3A_135 : vector<16xi1>, vector<16xf32>
        %mul3A_182 = arith.constant 16 : i32
        %mul3A_183 = arith.muli %scan3A_92, %mul3A_182 : i32
        %add3A_184 = arith.constant 1 : i32
        %add3A_185 = arith.addi %mul3A_183, %add3A_184 : i32
        %gt3A_186 = arith.cmpf ogt, %reduce_sum3A_176, %select_n3A_140 : f32
        %select_n3A_187 = arith.select %gt3A_186, %reduce_sum3A_176, %select_n3A_140 : f32
        %select_n3A_188 = arith.select %gt3A_186, %add3A_185, %select_n3A_141 : i32
        %mul3A_189 = arith.constant 2 : i32
        %mul3A_190 = arith.muli %mul3A_189, %scan3A_92 : i32
        %add3A_191 = arith.constant 0 : i32
        %add3A_192 = arith.addi %mul3A_190, %add3A_191 : i32
        %get3A_193 = arith.constant 2 : i32
        %get3A_194 = arith.index_cast %add3A_192 : i32 to index
        %get3A_195 = arith.index_cast %get3A_193 : i32 to index
        %get3A_196 = arith.constant 0 : index
        %get3A_197 = tpu.vector_load %arg6[%get3A_194, %get3A_195, %get3A_196] {strides = array<i32>} : memref<64x8x64xf32, #tpu.memory_space<vmem>>, vector<16xf32>,
        %get3A_198 = arith.constant 2 : i32
        %get3A_199 = arith.index_cast %add3A_192 : i32 to index
        %get3A_200 = arith.index_cast %get3A_198 : i32 to index
        %get3A_201 = arith.constant 16 : index
        %get3A_202 = tpu.vector_load %arg6[%get3A_199, %get3A_200, %get3A_201] {strides = array<i32>} : memref<64x8x64xf32, #tpu.memory_space<vmem>>, vector<16xf32>,
        %get3A_203 = arith.constant 2 : i32
        %get3A_204 = arith.index_cast %add3A_192 : i32 to index
        %get3A_205 = arith.index_cast %get3A_203 : i32 to index
        %get3A_206 = arith.constant 32 : index
        %get3A_207 = tpu.vector_load %arg6[%get3A_204, %get3A_205, %get3A_206] {strides = array<i32>} : memref<64x8x64xf32, #tpu.memory_space<vmem>>, vector<16xf32>,
        %get3A_208 = arith.constant 2 : i32
        %get3A_209 = arith.index_cast %add3A_192 : i32 to index
        %get3A_210 = arith.index_cast %get3A_208 : i32 to index
        %get3A_211 = arith.constant 48 : index
        %get3A_212 = tpu.vector_load %arg6[%get3A_209, %get3A_210, %get3A_211] {strides = array<i32>} : memref<64x8x64xf32, #tpu.memory_space<vmem>>, vector<16xf32>,
        %mul3A_213 = arith.mulf %get3A_197, %get3A_197 : vector<16xf32>
        %mul3A_214 = arith.mulf %get3A_202, %get3A_202 : vector<16xf32>
        %add3A_215 = arith.addf %mul3A_213, %mul3A_214 : vector<16xf32>
        %mul3A_216 = arith.mulf %get3A_207, %get3A_207 : vector<16xf32>
        %add3A_217 = arith.addf %add3A_215, %mul3A_216 : vector<16xf32>
        %mul3A_218 = arith.mulf %get3A_212, %get3A_212 : vector<16xf32>
        %add3A_219 = arith.addf %add3A_217, %mul3A_218 : vector<16xf32>
        %reduce_sum3A_220 = arith.constant true
        %reduce_sum3A_221 = vector.broadcast %reduce_sum3A_220 : i1 to vector<16xi1>
        %reduce_sum3A_222 = tpu.scan <sum>, %add3A_219 masked %reduce_sum3A_221 : vector<16xf32>, vector<16xi1> -> vector<16xf32>
        %reduce_sum3A_223 = vector.extract %reduce_sum3A_222[15] : f32 from vector<16xf32>
        %eq3A_224 = arith.constant 2 : i32
        %eq3A_225 = vector.broadcast %eq3A_224 : i32 to vector<16xi32>
        %eq3A_226 = arith.cmpi eq, %iota3A, %eq3A_225 : vector<16xi32>
        %broadcast_in_dim3A_227 = vector.broadcast %reduce_sum3A_223 : f32 to vector<16xf32>
        %select_n3A_228 = arith.select %eq3A_226, %broadcast_in_dim3A_227, %select_n3A_181 : vector<16xi1>, vector<16xf32>
        %mul3A_229 = arith.constant 16 : i32
        %mul3A_230 = arith.muli %scan3A_92, %mul3A_229 : i32
        %add3A_231 = arith.constant 2 : i32
        %add3A_232 = arith.addi %mul3A_230, %add3A_231 : i32
        %gt3A_233 = arith.cmpf ogt, %reduce_sum3A_223, %select_n3A_187 : f32
        %select_n3A_234 = arith.select %gt3A_233, %reduce_sum3A_223, %select_n3A_187 : f32
        %select_n3A_235 = arith.select %gt3A_233, %add3A_232, %select_n3A_188 : i32
        %mul3A_236 = arith.constant 2 : i32
        %mul3A_237 = arith.muli %mul3A_236, %scan3A_92 : i32
        %add3A_238 = arith.constant 0 : i32
        %add3A_239 = arith.addi %mul3A_237, %add3A_238 : i32
        %get3A_240 = arith.constant 3 : i32
        %get3A_241 = arith.index_cast %add3A_239 : i32 to index
        %get3A_242 = arith.index_cast %get3A_240 : i32 to index
        %get3A_243 = arith.constant 0 : index
        %get3A_244 = tpu.vector_load %arg6[%get3A_241, %get3A_242, %get3A_243] {strides = array<i32>} : memref<64x8x64xf32, #tpu.memory_space<vmem>>, vector<16xf32>,
        %get3A_245 = arith.constant 3 : i32
        %get3A_246 = arith.index_cast %add3A_239 : i32 to index
        %get3A_247 = arith.index_cast %get3A_245 : i32 to index
        %get3A_248 = arith.constant 16 : index
        %get3A_249 = tpu.vector_load %arg6[%get3A_246, %get3A_247, %get3A_248] {strides = array<i32>} : memref<64x8x64xf32, #tpu.memory_space<vmem>>, vector<16xf32>,
        %get3A_250 = arith.constant 3 : i32
        %get3A_251 = arith.index_cast %add3A_239 : i32 to index
        %get3A_252 = arith.index_cast %get3A_250 : i32 to index
        %get3A_253 = arith.constant 32 : index
        %get3A_254 = tpu.vector_load %arg6[%get3A_251, %get3A_252, %get3A_253] {strides = array<i32>} : memref<64x8x64xf32, #tpu.memory_space<vmem>>, vector<16xf32>,
        %get3A_255 = arith.constant 3 : i32
        %get3A_256 = arith.index_cast %add3A_239 : i32 to index
        %get3A_257 = arith.index_cast %get3A_255 : i32 to index
        %get3A_258 = arith.constant 48 : index
        %get3A_259 = tpu.vector_load %arg6[%get3A_256, %get3A_257, %get3A_258] {strides = array<i32>} : memref<64x8x64xf32, #tpu.memory_space<vmem>>, vector<16xf32>,
        %mul3A_260 = arith.mulf %get3A_244, %get3A_244 : vector<16xf32>
        %mul3A_261 = arith.mulf %get3A_249, %get3A_249 : vector<16xf32>
        %add3A_262 = arith.addf %mul3A_260, %mul3A_261 : vector<16xf32>
        %mul3A_263 = arith.mulf %get3A_254, %get3A_254 : vector<16xf32>
        %add3A_264 = arith.addf %add3A_262, %mul3A_263 : vector<16xf32>
        %mul3A_265 = arith.mulf %get3A_259, %get3A_259 : vector<16xf32>
        %add3A_266 = arith.addf %add3A_264, %mul3A_265 : vector<16xf32>
        %reduce_sum3A_267 = arith.constant true
        %reduce_sum3A_268 = vector.broadcast %reduce_sum3A_267 : i1 to vector<16xi1>
        %reduce_sum3A_269 = tpu.scan <sum>, %add3A_266 masked %reduce_sum3A_268 : vector<16xf32>, vector<16xi1> -> vector<16xf32>
        %reduce_sum3A_270 = vector.extract %reduce_sum3A_269[15] : f32 from vector<16xf32>
        %eq3A_271 = arith.constant 3 : i32
        %eq3A_272 = vector.broadcast %eq3A_271 : i32 to vector<16xi32>
        %eq3A_273 = arith.cmpi eq, %iota3A, %eq3A_272 : vector<16xi32>
        %broadcast_in_dim3A_274 = vector.broadcast %reduce_sum3A_270 : f32 to vector<16xf32>
        %select_n3A_275 = arith.select %eq3A_273, %broadcast_in_dim3A_274, %select_n3A_228 : vector<16xi1>, vector<16xf32>
        %mul3A_276 = arith.constant 16 : i32
        %mul3A_277 = arith.muli %scan3A_92, %mul3A_276 : i32
        %add3A_278 = arith.constant 3 : i32
        %add3A_279 = arith.addi %mul3A_277, %add3A_278 : i32
        %gt3A_280 = arith.cmpf ogt, %reduce_sum3A_270, %select_n3A_234 : f32
        %select_n3A_281 = arith.select %gt3A_280, %reduce_sum3A_270, %select_n3A_234 : f32
        %select_n3A_282 = arith.select %gt3A_280, %add3A_279, %select_n3A_235 : i32
        %mul3A_283 = arith.constant 2 : i32
        %mul3A_284 = arith.muli %mul3A_283, %scan3A_92 : i32
        %add3A_285 = arith.constant 0 : i32
        %add3A_286 = arith.addi %mul3A_284, %add3A_285 : i32
        %get3A_287 = arith.constant 4 : i32
        %get3A_288 = arith.index_cast %add3A_286 : i32 to index
        %get3A_289 = arith.index_cast %get3A_287 : i32 to index
        %get3A_290 = arith.constant 0 : index
        %get3A_291 = tpu.vector_load %arg6[%get3A_288, %get3A_289, %get3A_290] {strides = array<i32>} : memref<64x8x64xf32, #tpu.memory_space<vmem>>, vector<16xf32>,
        %get3A_292 = arith.constant 4 : i32
        %get3A_293 = arith.index_cast %add3A_286 : i32 to index
        %get3A_294 = arith.index_cast %get3A_292 : i32 to index
        %get3A_295 = arith.constant 16 : index
        %get3A_296 = tpu.vector_load %arg6[%get3A_293, %get3A_294, %get3A_295] {strides = array<i32>} : memref<64x8x64xf32, #tpu.memory_space<vmem>>, vector<16xf32>,
        %get3A_297 = arith.constant 4 : i32
        %get3A_298 = arith.index_cast %add3A_286 : i32 to index
        %get3A_299 = arith.index_cast %get3A_297 : i32 to index
        %get3A_300 = arith.constant 32 : index
        %get3A_301 = tpu.vector_load %arg6[%get3A_298, %get3A_299, %get3A_300] {strides = array<i32>} : memref<64x8x64xf32, #tpu.memory_space<vmem>>, vector<16xf32>,
        %get3A_302 = arith.constant 4 : i32
        %get3A_303 = arith.index_cast %add3A_286 : i32 to index
        %get3A_304 = arith.index_cast %get3A_302 : i32 to index
        %get3A_305 = arith.constant 48 : index
        %get3A_306 = tpu.vector_load %arg6[%get3A_303, %get3A_304, %get3A_305] {strides = array<i32>} : memref<64x8x64xf32, #tpu.memory_space<vmem>>, vector<16xf32>,
        %mul3A_307 = arith.mulf %get3A_291, %get3A_291 : vector<16xf32>
        %mul3A_308 = arith.mulf %get3A_296, %get3A_296 : vector<16xf32>
        %add3A_309 = arith.addf %mul3A_307, %mul3A_308 : vector<16xf32>
        %mul3A_310 = arith.mulf %get3A_301, %get3A_301 : vector<16xf32>
        %add3A_311 = arith.addf %add3A_309, %mul3A_310 : vector<16xf32>
        %mul3A_312 = arith.mulf %get3A_306, %get3A_306 : vector<16xf32>
        %add3A_313 = arith.addf %add3A_311, %mul3A_312 : vector<16xf32>
        %reduce_sum3A_314 = arith.constant true
        %reduce_sum3A_315 = vector.broadcast %reduce_sum3A_314 : i1 to vector<16xi1>
        %reduce_sum3A_316 = tpu.scan <sum>, %add3A_313 masked %reduce_sum3A_315 : vector<16xf32>, vector<16xi1> -> vector<16xf32>
        %reduce_sum3A_317 = vector.extract %reduce_sum3A_316[15] : f32 from vector<16xf32>
        %eq3A_318 = arith.constant 4 : i32
        %eq3A_319 = vector.broadcast %eq3A_318 : i32 to vector<16xi32>
        %eq3A_320 = arith.cmpi eq, %iota3A, %eq3A_319 : vector<16xi32>
        %broadcast_in_dim3A_321 = vector.broadcast %reduce_sum3A_317 : f32 to vector<16xf32>
        %select_n3A_322 = arith.select %eq3A_320, %broadcast_in_dim3A_321, %select_n3A_275 : vector<16xi1>, vector<16xf32>
        %mul3A_323 = arith.constant 16 : i32
        %mul3A_324 = arith.muli %scan3A_92, %mul3A_323 : i32
        %add3A_325 = arith.constant 4 : i32
        %add3A_326 = arith.addi %mul3A_324, %add3A_325 : i32
        %gt3A_327 = arith.cmpf ogt, %reduce_sum3A_317, %select_n3A_281 : f32
        %select_n3A_328 = arith.select %gt3A_327, %reduce_sum3A_317, %select_n3A_281 : f32
        %select_n3A_329 = arith.select %gt3A_327, %add3A_326, %select_n3A_282 : i32
        %mul3A_330 = arith.constant 2 : i32
        %mul3A_331 = arith.muli %mul3A_330, %scan3A_92 : i32
        %add3A_332 = arith.constant 0 : i32
        %add3A_333 = arith.addi %mul3A_331, %add3A_332 : i32
        %get3A_334 = arith.constant 5 : i32
        %get3A_335 = arith.index_cast %add3A_333 : i32 to index
        %get3A_336 = arith.index_cast %get3A_334 : i32 to index
        %get3A_337 = arith.constant 0 : index
        %get3A_338 = tpu.vector_load %arg6[%get3A_335, %get3A_336, %get3A_337] {strides = array<i32>} : memref<64x8x64xf32, #tpu.memory_space<vmem>>, vector<16xf32>,
        %get3A_339 = arith.constant 5 : i32
        %get3A_340 = arith.index_cast %add3A_333 : i32 to index
        %get3A_341 = arith.index_cast %get3A_339 : i32 to index
        %get3A_342 = arith.constant 16 : index
        %get3A_343 = tpu.vector_load %arg6[%get3A_340, %get3A_341, %get3A_342] {strides = array<i32>} : memref<64x8x64xf32, #tpu.memory_space<vmem>>, vector<16xf32>,
        %get3A_344 = arith.constant 5 : i32
        %get3A_345 = arith.index_cast %add3A_333 : i32 to index
        %get3A_346 = arith.index_cast %get3A_344 : i32 to index
        %get3A_347 = arith.constant 32 : index
        %get3A_348 = tpu.vector_load %arg6[%get3A_345, %get3A_346, %get3A_347] {strides = array<i32>} : memref<64x8x64xf32, #tpu.memory_space<vmem>>, vector<16xf32>,
        %get3A_349 = arith.constant 5 : i32
        %get3A_350 = arith.index_cast %add3A_333 : i32 to index
        %get3A_351 = arith.index_cast %get3A_349 : i32 to index
        %get3A_352 = arith.constant 48 : index
        %get3A_353 = tpu.vector_load %arg6[%get3A_350, %get3A_351, %get3A_352] {strides = array<i32>} : memref<64x8x64xf32, #tpu.memory_space<vmem>>, vector<16xf32>,
        %mul3A_354 = arith.mulf %get3A_338, %get3A_338 : vector<16xf32>
        %mul3A_355 = arith.mulf %get3A_343, %get3A_343 : vector<16xf32>
        %add3A_356 = arith.addf %mul3A_354, %mul3A_355 : vector<16xf32>
        %mul3A_357 = arith.mulf %get3A_348, %get3A_348 : vector<16xf32>
        %add3A_358 = arith.addf %add3A_356, %mul3A_357 : vector<16xf32>
        %mul3A_359 = arith.mulf %get3A_353, %get3A_353 : vector<16xf32>
        %add3A_360 = arith.addf %add3A_358, %mul3A_359 : vector<16xf32>
        %reduce_sum3A_361 = arith.constant true
        %reduce_sum3A_362 = vector.broadcast %reduce_sum3A_361 : i1 to vector<16xi1>
        %reduce_sum3A_363 = tpu.scan <sum>, %add3A_360 masked %reduce_sum3A_362 : vector<16xf32>, vector<16xi1> -> vector<16xf32>
        %reduce_sum3A_364 = vector.extract %reduce_sum3A_363[15] : f32 from vector<16xf32>
        %eq3A_365 = arith.constant 5 : i32
        %eq3A_366 = vector.broadcast %eq3A_365 : i32 to vector<16xi32>
        %eq3A_367 = arith.cmpi eq, %iota3A, %eq3A_366 : vector<16xi32>
        %broadcast_in_dim3A_368 = vector.broadcast %reduce_sum3A_364 : f32 to vector<16xf32>
        %select_n3A_369 = arith.select %eq3A_367, %broadcast_in_dim3A_368, %select_n3A_322 : vector<16xi1>, vector<16xf32>
        %mul3A_370 = arith.constant 16 : i32
        %mul3A_371 = arith.muli %scan3A_92, %mul3A_370 : i32
        %add3A_372 = arith.constant 5 : i32
        %add3A_373 = arith.addi %mul3A_371, %add3A_372 : i32
        %gt3A_374 = arith.cmpf ogt, %reduce_sum3A_364, %select_n3A_328 : f32
        %select_n3A_375 = arith.select %gt3A_374, %reduce_sum3A_364, %select_n3A_328 : f32
        %select_n3A_376 = arith.select %gt3A_374, %add3A_373, %select_n3A_329 : i32
        %mul3A_377 = arith.constant 2 : i32
        %mul3A_378 = arith.muli %mul3A_377, %scan3A_92 : i32
        %add3A_379 = arith.constant 0 : i32
        %add3A_380 = arith.addi %mul3A_378, %add3A_379 : i32
        %get3A_381 = arith.constant 6 : i32
        %get3A_382 = arith.index_cast %add3A_380 : i32 to index
        %get3A_383 = arith.index_cast %get3A_381 : i32 to index
        %get3A_384 = arith.constant 0 : index
        %get3A_385 = tpu.vector_load %arg6[%get3A_382, %get3A_383, %get3A_384] {strides = array<i32>} : memref<64x8x64xf32, #tpu.memory_space<vmem>>, vector<16xf32>,
        %get3A_386 = arith.constant 6 : i32
        %get3A_387 = arith.index_cast %add3A_380 : i32 to index
        %get3A_388 = arith.index_cast %get3A_386 : i32 to index
        %get3A_389 = arith.constant 16 : index
        %get3A_390 = tpu.vector_load %arg6[%get3A_387, %get3A_388, %get3A_389] {strides = array<i32>} : memref<64x8x64xf32, #tpu.memory_space<vmem>>, vector<16xf32>,
        %get3A_391 = arith.constant 6 : i32
        %get3A_392 = arith.index_cast %add3A_380 : i32 to index
        %get3A_393 = arith.index_cast %get3A_391 : i32 to index
        %get3A_394 = arith.constant 32 : index
        %get3A_395 = tpu.vector_load %arg6[%get3A_392, %get3A_393, %get3A_394] {strides = array<i32>} : memref<64x8x64xf32, #tpu.memory_space<vmem>>, vector<16xf32>,
        %get3A_396 = arith.constant 6 : i32
        %get3A_397 = arith.index_cast %add3A_380 : i32 to index
        %get3A_398 = arith.index_cast %get3A_396 : i32 to index
        %get3A_399 = arith.constant 48 : index
        %get3A_400 = tpu.vector_load %arg6[%get3A_397, %get3A_398, %get3A_399] {strides = array<i32>} : memref<64x8x64xf32, #tpu.memory_space<vmem>>, vector<16xf32>,
        %mul3A_401 = arith.mulf %get3A_385, %get3A_385 : vector<16xf32>
        %mul3A_402 = arith.mulf %get3A_390, %get3A_390 : vector<16xf32>
        %add3A_403 = arith.addf %mul3A_401, %mul3A_402 : vector<16xf32>
        %mul3A_404 = arith.mulf %get3A_395, %get3A_395 : vector<16xf32>
        %add3A_405 = arith.addf %add3A_403, %mul3A_404 : vector<16xf32>
        %mul3A_406 = arith.mulf %get3A_400, %get3A_400 : vector<16xf32>
        %add3A_407 = arith.addf %add3A_405, %mul3A_406 : vector<16xf32>
        %reduce_sum3A_408 = arith.constant true
        %reduce_sum3A_409 = vector.broadcast %reduce_sum3A_408 : i1 to vector<16xi1>
        %reduce_sum3A_410 = tpu.scan <sum>, %add3A_407 masked %reduce_sum3A_409 : vector<16xf32>, vector<16xi1> -> vector<16xf32>
        %reduce_sum3A_411 = vector.extract %reduce_sum3A_410[15] : f32 from vector<16xf32>
        %eq3A_412 = arith.constant 6 : i32
        %eq3A_413 = vector.broadcast %eq3A_412 : i32 to vector<16xi32>
        %eq3A_414 = arith.cmpi eq, %iota3A, %eq3A_413 : vector<16xi32>
        %broadcast_in_dim3A_415 = vector.broadcast %reduce_sum3A_411 : f32 to vector<16xf32>
        %select_n3A_416 = arith.select %eq3A_414, %broadcast_in_dim3A_415, %select_n3A_369 : vector<16xi1>, vector<16xf32>
        %mul3A_417 = arith.constant 16 : i32
        %mul3A_418 = arith.muli %scan3A_92, %mul3A_417 : i32
        %add3A_419 = arith.constant 6 : i32
        %add3A_420 = arith.addi %mul3A_418, %add3A_419 : i32
        %gt3A_421 = arith.cmpf ogt, %reduce_sum3A_411, %select_n3A_375 : f32
        %select_n3A_422 = arith.select %gt3A_421, %reduce_sum3A_411, %select_n3A_375 : f32
        %select_n3A_423 = arith.select %gt3A_421, %add3A_420, %select_n3A_376 : i32
        %mul3A_424 = arith.constant 2 : i32
        %mul3A_425 = arith.muli %mul3A_424, %scan3A_92 : i32
        %add3A_426 = arith.constant 0 : i32
        %add3A_427 = arith.addi %mul3A_425, %add3A_426 : i32
        %get3A_428 = arith.constant 7 : i32
        %get3A_429 = arith.index_cast %add3A_427 : i32 to index
        %get3A_430 = arith.index_cast %get3A_428 : i32 to index
        %get3A_431 = arith.constant 0 : index
        %get3A_432 = tpu.vector_load %arg6[%get3A_429, %get3A_430, %get3A_431] {strides = array<i32>} : memref<64x8x64xf32, #tpu.memory_space<vmem>>, vector<16xf32>,
        %get3A_433 = arith.constant 7 : i32
        %get3A_434 = arith.index_cast %add3A_427 : i32 to index
        %get3A_435 = arith.index_cast %get3A_433 : i32 to index
        %get3A_436 = arith.constant 16 : index
        %get3A_437 = tpu.vector_load %arg6[%get3A_434, %get3A_435, %get3A_436] {strides = array<i32>} : memref<64x8x64xf32, #tpu.memory_space<vmem>>, vector<16xf32>,
        %get3A_438 = arith.constant 7 : i32
        %get3A_439 = arith.index_cast %add3A_427 : i32 to index
        %get3A_440 = arith.index_cast %get3A_438 : i32 to index
        %get3A_441 = arith.constant 32 : index
        %get3A_442 = tpu.vector_load %arg6[%get3A_439, %get3A_440, %get3A_441] {strides = array<i32>} : memref<64x8x64xf32, #tpu.memory_space<vmem>>, vector<16xf32>,
        %get3A_443 = arith.constant 7 : i32
        %get3A_444 = arith.index_cast %add3A_427 : i32 to index
        %get3A_445 = arith.index_cast %get3A_443 : i32 to index
        %get3A_446 = arith.constant 48 : index
        %get3A_447 = tpu.vector_load %arg6[%get3A_444, %get3A_445, %get3A_446] {strides = array<i32>} : memref<64x8x64xf32, #tpu.memory_space<vmem>>, vector<16xf32>,
        %mul3A_448 = arith.mulf %get3A_432, %get3A_432 : vector<16xf32>
        %mul3A_449 = arith.mulf %get3A_437, %get3A_437 : vector<16xf32>
        %add3A_450 = arith.addf %mul3A_448, %mul3A_449 : vector<16xf32>
        %mul3A_451 = arith.mulf %get3A_442, %get3A_442 : vector<16xf32>
        %add3A_452 = arith.addf %add3A_450, %mul3A_451 : vector<16xf32>
        %mul3A_453 = arith.mulf %get3A_447, %get3A_447 : vector<16xf32>
        %add3A_454 = arith.addf %add3A_452, %mul3A_453 : vector<16xf32>
        %reduce_sum3A_455 = arith.constant true
        %reduce_sum3A_456 = vector.broadcast %reduce_sum3A_455 : i1 to vector<16xi1>
        %reduce_sum3A_457 = tpu.scan <sum>, %add3A_454 masked %reduce_sum3A_456 : vector<16xf32>, vector<16xi1> -> vector<16xf32>
        %reduce_sum3A_458 = vector.extract %reduce_sum3A_457[15] : f32 from vector<16xf32>
        %eq3A_459 = arith.constant 7 : i32
        %eq3A_460 = vector.broadcast %eq3A_459 : i32 to vector<16xi32>
        %eq3A_461 = arith.cmpi eq, %iota3A, %eq3A_460 : vector<16xi32>
        %broadcast_in_dim3A_462 = vector.broadcast %reduce_sum3A_458 : f32 to vector<16xf32>
        %select_n3A_463 = arith.select %eq3A_461, %broadcast_in_dim3A_462, %select_n3A_416 : vector<16xi1>, vector<16xf32>
        %mul3A_464 = arith.constant 16 : i32
        %mul3A_465 = arith.muli %scan3A_92, %mul3A_464 : i32
        %add3A_466 = arith.constant 7 : i32
        %add3A_467 = arith.addi %mul3A_465, %add3A_466 : i32
        %gt3A_468 = arith.cmpf ogt, %reduce_sum3A_458, %select_n3A_422 : f32
        %select_n3A_469 = arith.select %gt3A_468, %reduce_sum3A_458, %select_n3A_422 : f32
        %select_n3A_470 = arith.select %gt3A_468, %add3A_467, %select_n3A_423 : i32
        %mul3A_471 = arith.constant 2 : i32
        %mul3A_472 = arith.muli %mul3A_471, %scan3A_92 : i32
        %add3A_473 = arith.constant 1 : i32
        %add3A_474 = arith.addi %mul3A_472, %add3A_473 : i32
        %get3A_475 = arith.constant 0 : i32
        %get3A_476 = arith.index_cast %add3A_474 : i32 to index
        %get3A_477 = arith.index_cast %get3A_475 : i32 to index
        %get3A_478 = arith.constant 0 : index
        %get3A_479 = tpu.vector_load %arg6[%get3A_476, %get3A_477, %get3A_478] {strides = array<i32>} : memref<64x8x64xf32, #tpu.memory_space<vmem>>, vector<16xf32>,
        %get3A_480 = arith.constant 0 : i32
        %get3A_481 = arith.index_cast %add3A_474 : i32 to index
        %get3A_482 = arith.index_cast %get3A_480 : i32 to index
        %get3A_483 = arith.constant 16 : index
        %get3A_484 = tpu.vector_load %arg6[%get3A_481, %get3A_482, %get3A_483] {strides = array<i32>} : memref<64x8x64xf32, #tpu.memory_space<vmem>>, vector<16xf32>,
        %get3A_485 = arith.constant 0 : i32
        %get3A_486 = arith.index_cast %add3A_474 : i32 to index
        %get3A_487 = arith.index_cast %get3A_485 : i32 to index
        %get3A_488 = arith.constant 32 : index
        %get3A_489 = tpu.vector_load %arg6[%get3A_486, %get3A_487, %get3A_488] {strides = array<i32>} : memref<64x8x64xf32, #tpu.memory_space<vmem>>, vector<16xf32>,
        %get3A_490 = arith.constant 0 : i32
        %get3A_491 = arith.index_cast %add3A_474 : i32 to index
        %get3A_492 = arith.index_cast %get3A_490 : i32 to index
        %get3A_493 = arith.constant 48 : index
        %get3A_494 = tpu.vector_load %arg6[%get3A_491, %get3A_492, %get3A_493] {strides = array<i32>} : memref<64x8x64xf32, #tpu.memory_space<vmem>>, vector<16xf32>,
        %mul3A_495 = arith.mulf %get3A_479, %get3A_479 : vector<16xf32>
        %mul3A_496 = arith.mulf %get3A_484, %get3A_484 : vector<16xf32>
        %add3A_497 = arith.addf %mul3A_495, %mul3A_496 : vector<16xf32>
        %mul3A_498 = arith.mulf %get3A_489, %get3A_489 : vector<16xf32>
        %add3A_499 = arith.addf %add3A_497, %mul3A_498 : vector<16xf32>
        %mul3A_500 = arith.mulf %get3A_494, %get3A_494 : vector<16xf32>
        %add3A_501 = arith.addf %add3A_499, %mul3A_500 : vector<16xf32>
        %reduce_sum3A_502 = arith.constant true
        %reduce_sum3A_503 = vector.broadcast %reduce_sum3A_502 : i1 to vector<16xi1>
        %reduce_sum3A_504 = tpu.scan <sum>, %add3A_501 masked %reduce_sum3A_503 : vector<16xf32>, vector<16xi1> -> vector<16xf32>
        %reduce_sum3A_505 = vector.extract %reduce_sum3A_504[15] : f32 from vector<16xf32>
        %eq3A_506 = arith.constant 8 : i32
        %eq3A_507 = vector.broadcast %eq3A_506 : i32 to vector<16xi32>
        %eq3A_508 = arith.cmpi eq, %iota3A, %eq3A_507 : vector<16xi32>
        %broadcast_in_dim3A_509 = vector.broadcast %reduce_sum3A_505 : f32 to vector<16xf32>
        %select_n3A_510 = arith.select %eq3A_508, %broadcast_in_dim3A_509, %select_n3A_463 : vector<16xi1>, vector<16xf32>
        %mul3A_511 = arith.constant 16 : i32
        %mul3A_512 = arith.muli %scan3A_92, %mul3A_511 : i32
        %add3A_513 = arith.constant 8 : i32
        %add3A_514 = arith.addi %mul3A_512, %add3A_513 : i32
        %gt3A_515 = arith.cmpf ogt, %reduce_sum3A_505, %select_n3A_469 : f32
        %select_n3A_516 = arith.select %gt3A_515, %reduce_sum3A_505, %select_n3A_469 : f32
        %select_n3A_517 = arith.select %gt3A_515, %add3A_514, %select_n3A_470 : i32
        %mul3A_518 = arith.constant 2 : i32
        %mul3A_519 = arith.muli %mul3A_518, %scan3A_92 : i32
        %add3A_520 = arith.constant 1 : i32
        %add3A_521 = arith.addi %mul3A_519, %add3A_520 : i32
        %get3A_522 = arith.constant 1 : i32
        %get3A_523 = arith.index_cast %add3A_521 : i32 to index
        %get3A_524 = arith.index_cast %get3A_522 : i32 to index
        %get3A_525 = arith.constant 0 : index
        %get3A_526 = tpu.vector_load %arg6[%get3A_523, %get3A_524, %get3A_525] {strides = array<i32>} : memref<64x8x64xf32, #tpu.memory_space<vmem>>, vector<16xf32>,
        %get3A_527 = arith.constant 1 : i32
        %get3A_528 = arith.index_cast %add3A_521 : i32 to index
        %get3A_529 = arith.index_cast %get3A_527 : i32 to index
        %get3A_530 = arith.constant 16 : index
        %get3A_531 = tpu.vector_load %arg6[%get3A_528, %get3A_529, %get3A_530] {strides = array<i32>} : memref<64x8x64xf32, #tpu.memory_space<vmem>>, vector<16xf32>,
        %get3A_532 = arith.constant 1 : i32
        %get3A_533 = arith.index_cast %add3A_521 : i32 to index
        %get3A_534 = arith.index_cast %get3A_532 : i32 to index
        %get3A_535 = arith.constant 32 : index
        %get3A_536 = tpu.vector_load %arg6[%get3A_533, %get3A_534, %get3A_535] {strides = array<i32>} : memref<64x8x64xf32, #tpu.memory_space<vmem>>, vector<16xf32>,
        %get3A_537 = arith.constant 1 : i32
        %get3A_538 = arith.index_cast %add3A_521 : i32 to index
        %get3A_539 = arith.index_cast %get3A_537 : i32 to index
        %get3A_540 = arith.constant 48 : index
        %get3A_541 = tpu.vector_load %arg6[%get3A_538, %get3A_539, %get3A_540] {strides = array<i32>} : memref<64x8x64xf32, #tpu.memory_space<vmem>>, vector<16xf32>,
        %mul3A_542 = arith.mulf %get3A_526, %get3A_526 : vector<16xf32>
        %mul3A_543 = arith.mulf %get3A_531, %get3A_531 : vector<16xf32>
        %add3A_544 = arith.addf %mul3A_542, %mul3A_543 : vector<16xf32>
        %mul3A_545 = arith.mulf %get3A_536, %get3A_536 : vector<16xf32>
        %add3A_546 = arith.addf %add3A_544, %mul3A_545 : vector<16xf32>
        %mul3A_547 = arith.mulf %get3A_541, %get3A_541 : vector<16xf32>
        %add3A_548 = arith.addf %add3A_546, %mul3A_547 : vector<16xf32>
        %reduce_sum3A_549 = arith.constant true
        %reduce_sum3A_550 = vector.broadcast %reduce_sum3A_549 : i1 to vector<16xi1>
        %reduce_sum3A_551 = tpu.scan <sum>, %add3A_548 masked %reduce_sum3A_550 : vector<16xf32>, vector<16xi1> -> vector<16xf32>
        %reduce_sum3A_552 = vector.extract %reduce_sum3A_551[15] : f32 from vector<16xf32>
        %eq3A_553 = arith.constant 9 : i32
        %eq3A_554 = vector.broadcast %eq3A_553 : i32 to vector<16xi32>
        %eq3A_555 = arith.cmpi eq, %iota3A, %eq3A_554 : vector<16xi32>
        %broadcast_in_dim3A_556 = vector.broadcast %reduce_sum3A_552 : f32 to vector<16xf32>
        %select_n3A_557 = arith.select %eq3A_555, %broadcast_in_dim3A_556, %select_n3A_510 : vector<16xi1>, vector<16xf32>
        %mul3A_558 = arith.constant 16 : i32
        %mul3A_559 = arith.muli %scan3A_92, %mul3A_558 : i32
        %add3A_560 = arith.constant 9 : i32
        %add3A_561 = arith.addi %mul3A_559, %add3A_560 : i32
        %gt3A_562 = arith.cmpf ogt, %reduce_sum3A_552, %select_n3A_516 : f32
        %select_n3A_563 = arith.select %gt3A_562, %reduce_sum3A_552, %select_n3A_516 : f32
        %select_n3A_564 = arith.select %gt3A_562, %add3A_561, %select_n3A_517 : i32
        %mul3A_565 = arith.constant 2 : i32
        %mul3A_566 = arith.muli %mul3A_565, %scan3A_92 : i32
        %add3A_567 = arith.constant 1 : i32
        %add3A_568 = arith.addi %mul3A_566, %add3A_567 : i32
        %get3A_569 = arith.constant 2 : i32
        %get3A_570 = arith.index_cast %add3A_568 : i32 to index
        %get3A_571 = arith.index_cast %get3A_569 : i32 to index
        %get3A_572 = arith.constant 0 : index
        %get3A_573 = tpu.vector_load %arg6[%get3A_570, %get3A_571, %get3A_572] {strides = array<i32>} : memref<64x8x64xf32, #tpu.memory_space<vmem>>, vector<16xf32>,
        %get3A_574 = arith.constant 2 : i32
        %get3A_575 = arith.index_cast %add3A_568 : i32 to index
        %get3A_576 = arith.index_cast %get3A_574 : i32 to index
        %get3A_577 = arith.constant 16 : index
        %get3A_578 = tpu.vector_load %arg6[%get3A_575, %get3A_576, %get3A_577] {strides = array<i32>} : memref<64x8x64xf32, #tpu.memory_space<vmem>>, vector<16xf32>,
        %get3A_579 = arith.constant 2 : i32
        %get3A_580 = arith.index_cast %add3A_568 : i32 to index
        %get3A_581 = arith.index_cast %get3A_579 : i32 to index
        %get3A_582 = arith.constant 32 : index
        %get3A_583 = tpu.vector_load %arg6[%get3A_580, %get3A_581, %get3A_582] {strides = array<i32>} : memref<64x8x64xf32, #tpu.memory_space<vmem>>, vector<16xf32>,
        %get3A_584 = arith.constant 2 : i32
        %get3A_585 = arith.index_cast %add3A_568 : i32 to index
        %get3A_586 = arith.index_cast %get3A_584 : i32 to index
        %get3A_587 = arith.constant 48 : index
        %get3A_588 = tpu.vector_load %arg6[%get3A_585, %get3A_586, %get3A_587] {strides = array<i32>} : memref<64x8x64xf32, #tpu.memory_space<vmem>>, vector<16xf32>,
        %mul3A_589 = arith.mulf %get3A_573, %get3A_573 : vector<16xf32>
        %mul3A_590 = arith.mulf %get3A_578, %get3A_578 : vector<16xf32>
        %add3A_591 = arith.addf %mul3A_589, %mul3A_590 : vector<16xf32>
        %mul3A_592 = arith.mulf %get3A_583, %get3A_583 : vector<16xf32>
        %add3A_593 = arith.addf %add3A_591, %mul3A_592 : vector<16xf32>
        %mul3A_594 = arith.mulf %get3A_588, %get3A_588 : vector<16xf32>
        %add3A_595 = arith.addf %add3A_593, %mul3A_594 : vector<16xf32>
        %reduce_sum3A_596 = arith.constant true
        %reduce_sum3A_597 = vector.broadcast %reduce_sum3A_596 : i1 to vector<16xi1>
        %reduce_sum3A_598 = tpu.scan <sum>, %add3A_595 masked %reduce_sum3A_597 : vector<16xf32>, vector<16xi1> -> vector<16xf32>
        %reduce_sum3A_599 = vector.extract %reduce_sum3A_598[15] : f32 from vector<16xf32>
        %eq3A_600 = arith.constant 10 : i32
        %eq3A_601 = vector.broadcast %eq3A_600 : i32 to vector<16xi32>
        %eq3A_602 = arith.cmpi eq, %iota3A, %eq3A_601 : vector<16xi32>
        %broadcast_in_dim3A_603 = vector.broadcast %reduce_sum3A_599 : f32 to vector<16xf32>
        %select_n3A_604 = arith.select %eq3A_602, %broadcast_in_dim3A_603, %select_n3A_557 : vector<16xi1>, vector<16xf32>
        %mul3A_605 = arith.constant 16 : i32
        %mul3A_606 = arith.muli %scan3A_92, %mul3A_605 : i32
        %add3A_607 = arith.constant 10 : i32
        %add3A_608 = arith.addi %mul3A_606, %add3A_607 : i32
        %gt3A_609 = arith.cmpf ogt, %reduce_sum3A_599, %select_n3A_563 : f32
        %select_n3A_610 = arith.select %gt3A_609, %reduce_sum3A_599, %select_n3A_563 : f32
        %select_n3A_611 = arith.select %gt3A_609, %add3A_608, %select_n3A_564 : i32
        %mul3A_612 = arith.constant 2 : i32
        %mul3A_613 = arith.muli %mul3A_612, %scan3A_92 : i32
        %add3A_614 = arith.constant 1 : i32
        %add3A_615 = arith.addi %mul3A_613, %add3A_614 : i32
        %get3A_616 = arith.constant 3 : i32
        %get3A_617 = arith.index_cast %add3A_615 : i32 to index
        %get3A_618 = arith.index_cast %get3A_616 : i32 to index
        %get3A_619 = arith.constant 0 : index
        %get3A_620 = tpu.vector_load %arg6[%get3A_617, %get3A_618, %get3A_619] {strides = array<i32>} : memref<64x8x64xf32, #tpu.memory_space<vmem>>, vector<16xf32>,
        %get3A_621 = arith.constant 3 : i32
        %get3A_622 = arith.index_cast %add3A_615 : i32 to index
        %get3A_623 = arith.index_cast %get3A_621 : i32 to index
        %get3A_624 = arith.constant 16 : index
        %get3A_625 = tpu.vector_load %arg6[%get3A_622, %get3A_623, %get3A_624] {strides = array<i32>} : memref<64x8x64xf32, #tpu.memory_space<vmem>>, vector<16xf32>,
        %get3A_626 = arith.constant 3 : i32
        %get3A_627 = arith.index_cast %add3A_615 : i32 to index
        %get3A_628 = arith.index_cast %get3A_626 : i32 to index
        %get3A_629 = arith.constant 32 : index
        %get3A_630 = tpu.vector_load %arg6[%get3A_627, %get3A_628, %get3A_629] {strides = array<i32>} : memref<64x8x64xf32, #tpu.memory_space<vmem>>, vector<16xf32>,
        %get3A_631 = arith.constant 3 : i32
        %get3A_632 = arith.index_cast %add3A_615 : i32 to index
        %get3A_633 = arith.index_cast %get3A_631 : i32 to index
        %get3A_634 = arith.constant 48 : index
        %get3A_635 = tpu.vector_load %arg6[%get3A_632, %get3A_633, %get3A_634] {strides = array<i32>} : memref<64x8x64xf32, #tpu.memory_space<vmem>>, vector<16xf32>,
        %mul3A_636 = arith.mulf %get3A_620, %get3A_620 : vector<16xf32>
        %mul3A_637 = arith.mulf %get3A_625, %get3A_625 : vector<16xf32>
        %add3A_638 = arith.addf %mul3A_636, %mul3A_637 : vector<16xf32>
        %mul3A_639 = arith.mulf %get3A_630, %get3A_630 : vector<16xf32>
        %add3A_640 = arith.addf %add3A_638, %mul3A_639 : vector<16xf32>
        %mul3A_641 = arith.mulf %get3A_635, %get3A_635 : vector<16xf32>
        %add3A_642 = arith.addf %add3A_640, %mul3A_641 : vector<16xf32>
        %reduce_sum3A_643 = arith.constant true
        %reduce_sum3A_644 = vector.broadcast %reduce_sum3A_643 : i1 to vector<16xi1>
        %reduce_sum3A_645 = tpu.scan <sum>, %add3A_642 masked %reduce_sum3A_644 : vector<16xf32>, vector<16xi1> -> vector<16xf32>
        %reduce_sum3A_646 = vector.extract %reduce_sum3A_645[15] : f32 from vector<16xf32>
        %eq3A_647 = arith.constant 11 : i32
        %eq3A_648 = vector.broadcast %eq3A_647 : i32 to vector<16xi32>
        %eq3A_649 = arith.cmpi eq, %iota3A, %eq3A_648 : vector<16xi32>
        %broadcast_in_dim3A_650 = vector.broadcast %reduce_sum3A_646 : f32 to vector<16xf32>
        %select_n3A_651 = arith.select %eq3A_649, %broadcast_in_dim3A_650, %select_n3A_604 : vector<16xi1>, vector<16xf32>
        %mul3A_652 = arith.constant 16 : i32
        %mul3A_653 = arith.muli %scan3A_92, %mul3A_652 : i32
        %add3A_654 = arith.constant 11 : i32
        %add3A_655 = arith.addi %mul3A_653, %add3A_654 : i32
        %gt3A_656 = arith.cmpf ogt, %reduce_sum3A_646, %select_n3A_610 : f32
        %select_n3A_657 = arith.select %gt3A_656, %reduce_sum3A_646, %select_n3A_610 : f32
        %select_n3A_658 = arith.select %gt3A_656, %add3A_655, %select_n3A_611 : i32
        %mul3A_659 = arith.constant 2 : i32
        %mul3A_660 = arith.muli %mul3A_659, %scan3A_92 : i32
        %add3A_661 = arith.constant 1 : i32
        %add3A_662 = arith.addi %mul3A_660, %add3A_661 : i32
        %get3A_663 = arith.constant 4 : i32
        %get3A_664 = arith.index_cast %add3A_662 : i32 to index
        %get3A_665 = arith.index_cast %get3A_663 : i32 to index
        %get3A_666 = arith.constant 0 : index
        %get3A_667 = tpu.vector_load %arg6[%get3A_664, %get3A_665, %get3A_666] {strides = array<i32>} : memref<64x8x64xf32, #tpu.memory_space<vmem>>, vector<16xf32>,
        %get3A_668 = arith.constant 4 : i32
        %get3A_669 = arith.index_cast %add3A_662 : i32 to index
        %get3A_670 = arith.index_cast %get3A_668 : i32 to index
        %get3A_671 = arith.constant 16 : index
        %get3A_672 = tpu.vector_load %arg6[%get3A_669, %get3A_670, %get3A_671] {strides = array<i32>} : memref<64x8x64xf32, #tpu.memory_space<vmem>>, vector<16xf32>,
        %get3A_673 = arith.constant 4 : i32
        %get3A_674 = arith.index_cast %add3A_662 : i32 to index
        %get3A_675 = arith.index_cast %get3A_673 : i32 to index
        %get3A_676 = arith.constant 32 : index
        %get3A_677 = tpu.vector_load %arg6[%get3A_674, %get3A_675, %get3A_676] {strides = array<i32>} : memref<64x8x64xf32, #tpu.memory_space<vmem>>, vector<16xf32>,
        %get3A_678 = arith.constant 4 : i32
        %get3A_679 = arith.index_cast %add3A_662 : i32 to index
        %get3A_680 = arith.index_cast %get3A_678 : i32 to index
        %get3A_681 = arith.constant 48 : index
        %get3A_682 = tpu.vector_load %arg6[%get3A_679, %get3A_680, %get3A_681] {strides = array<i32>} : memref<64x8x64xf32, #tpu.memory_space<vmem>>, vector<16xf32>,
        %mul3A_683 = arith.mulf %get3A_667, %get3A_667 : vector<16xf32>
        %mul3A_684 = arith.mulf %get3A_672, %get3A_672 : vector<16xf32>
        %add3A_685 = arith.addf %mul3A_683, %mul3A_684 : vector<16xf32>
        %mul3A_686 = arith.mulf %get3A_677, %get3A_677 : vector<16xf32>
        %add3A_687 = arith.addf %add3A_685, %mul3A_686 : vector<16xf32>
        %mul3A_688 = arith.mulf %get3A_682, %get3A_682 : vector<16xf32>
        %add3A_689 = arith.addf %add3A_687, %mul3A_688 : vector<16xf32>
        %reduce_sum3A_690 = arith.constant true
        %reduce_sum3A_691 = vector.broadcast %reduce_sum3A_690 : i1 to vector<16xi1>
        %reduce_sum3A_692 = tpu.scan <sum>, %add3A_689 masked %reduce_sum3A_691 : vector<16xf32>, vector<16xi1> -> vector<16xf32>
        %reduce_sum3A_693 = vector.extract %reduce_sum3A_692[15] : f32 from vector<16xf32>
        %eq3A_694 = arith.constant 12 : i32
        %eq3A_695 = vector.broadcast %eq3A_694 : i32 to vector<16xi32>
        %eq3A_696 = arith.cmpi eq, %iota3A, %eq3A_695 : vector<16xi32>
        %broadcast_in_dim3A_697 = vector.broadcast %reduce_sum3A_693 : f32 to vector<16xf32>
        %select_n3A_698 = arith.select %eq3A_696, %broadcast_in_dim3A_697, %select_n3A_651 : vector<16xi1>, vector<16xf32>
        %mul3A_699 = arith.constant 16 : i32
        %mul3A_700 = arith.muli %scan3A_92, %mul3A_699 : i32
        %add3A_701 = arith.constant 12 : i32
        %add3A_702 = arith.addi %mul3A_700, %add3A_701 : i32
        %gt3A_703 = arith.cmpf ogt, %reduce_sum3A_693, %select_n3A_657 : f32
        %select_n3A_704 = arith.select %gt3A_703, %reduce_sum3A_693, %select_n3A_657 : f32
        %select_n3A_705 = arith.select %gt3A_703, %add3A_702, %select_n3A_658 : i32
        %mul3A_706 = arith.constant 2 : i32
        %mul3A_707 = arith.muli %mul3A_706, %scan3A_92 : i32
        %add3A_708 = arith.constant 1 : i32
        %add3A_709 = arith.addi %mul3A_707, %add3A_708 : i32
        %get3A_710 = arith.constant 5 : i32
        %get3A_711 = arith.index_cast %add3A_709 : i32 to index
        %get3A_712 = arith.index_cast %get3A_710 : i32 to index
        %get3A_713 = arith.constant 0 : index
        %get3A_714 = tpu.vector_load %arg6[%get3A_711, %get3A_712, %get3A_713] {strides = array<i32>} : memref<64x8x64xf32, #tpu.memory_space<vmem>>, vector<16xf32>,
        %get3A_715 = arith.constant 5 : i32
        %get3A_716 = arith.index_cast %add3A_709 : i32 to index
        %get3A_717 = arith.index_cast %get3A_715 : i32 to index
        %get3A_718 = arith.constant 16 : index
        %get3A_719 = tpu.vector_load %arg6[%get3A_716, %get3A_717, %get3A_718] {strides = array<i32>} : memref<64x8x64xf32, #tpu.memory_space<vmem>>, vector<16xf32>,
        %get3A_720 = arith.constant 5 : i32
        %get3A_721 = arith.index_cast %add3A_709 : i32 to index
        %get3A_722 = arith.index_cast %get3A_720 : i32 to index
        %get3A_723 = arith.constant 32 : index
        %get3A_724 = tpu.vector_load %arg6[%get3A_721, %get3A_722, %get3A_723] {strides = array<i32>} : memref<64x8x64xf32, #tpu.memory_space<vmem>>, vector<16xf32>,
        %get3A_725 = arith.constant 5 : i32
        %get3A_726 = arith.index_cast %add3A_709 : i32 to index
        %get3A_727 = arith.index_cast %get3A_725 : i32 to index
        %get3A_728 = arith.constant 48 : index
        %get3A_729 = tpu.vector_load %arg6[%get3A_726, %get3A_727, %get3A_728] {strides = array<i32>} : memref<64x8x64xf32, #tpu.memory_space<vmem>>, vector<16xf32>,
        %mul3A_730 = arith.mulf %get3A_714, %get3A_714 : vector<16xf32>
        %mul3A_731 = arith.mulf %get3A_719, %get3A_719 : vector<16xf32>
        %add3A_732 = arith.addf %mul3A_730, %mul3A_731 : vector<16xf32>
        %mul3A_733 = arith.mulf %get3A_724, %get3A_724 : vector<16xf32>
        %add3A_734 = arith.addf %add3A_732, %mul3A_733 : vector<16xf32>
        %mul3A_735 = arith.mulf %get3A_729, %get3A_729 : vector<16xf32>
        %add3A_736 = arith.addf %add3A_734, %mul3A_735 : vector<16xf32>
        %reduce_sum3A_737 = arith.constant true
        %reduce_sum3A_738 = vector.broadcast %reduce_sum3A_737 : i1 to vector<16xi1>
        %reduce_sum3A_739 = tpu.scan <sum>, %add3A_736 masked %reduce_sum3A_738 : vector<16xf32>, vector<16xi1> -> vector<16xf32>
        %reduce_sum3A_740 = vector.extract %reduce_sum3A_739[15] : f32 from vector<16xf32>
        %eq3A_741 = arith.constant 13 : i32
        %eq3A_742 = vector.broadcast %eq3A_741 : i32 to vector<16xi32>
        %eq3A_743 = arith.cmpi eq, %iota3A, %eq3A_742 : vector<16xi32>
        %broadcast_in_dim3A_744 = vector.broadcast %reduce_sum3A_740 : f32 to vector<16xf32>
        %select_n3A_745 = arith.select %eq3A_743, %broadcast_in_dim3A_744, %select_n3A_698 : vector<16xi1>, vector<16xf32>
        %mul3A_746 = arith.constant 16 : i32
        %mul3A_747 = arith.muli %scan3A_92, %mul3A_746 : i32
        %add3A_748 = arith.constant 13 : i32
        %add3A_749 = arith.addi %mul3A_747, %add3A_748 : i32
        %gt3A_750 = arith.cmpf ogt, %reduce_sum3A_740, %select_n3A_704 : f32
        %select_n3A_751 = arith.select %gt3A_750, %reduce_sum3A_740, %select_n3A_704 : f32
        %select_n3A_752 = arith.select %gt3A_750, %add3A_749, %select_n3A_705 : i32
        %mul3A_753 = arith.constant 2 : i32
        %mul3A_754 = arith.muli %mul3A_753, %scan3A_92 : i32
        %add3A_755 = arith.constant 1 : i32
        %add3A_756 = arith.addi %mul3A_754, %add3A_755 : i32
        %get3A_757 = arith.constant 6 : i32
        %get3A_758 = arith.index_cast %add3A_756 : i32 to index
        %get3A_759 = arith.index_cast %get3A_757 : i32 to index
        %get3A_760 = arith.constant 0 : index
        %get3A_761 = tpu.vector_load %arg6[%get3A_758, %get3A_759, %get3A_760] {strides = array<i32>} : memref<64x8x64xf32, #tpu.memory_space<vmem>>, vector<16xf32>,
        %get3A_762 = arith.constant 6 : i32
        %get3A_763 = arith.index_cast %add3A_756 : i32 to index
        %get3A_764 = arith.index_cast %get3A_762 : i32 to index
        %get3A_765 = arith.constant 16 : index
        %get3A_766 = tpu.vector_load %arg6[%get3A_763, %get3A_764, %get3A_765] {strides = array<i32>} : memref<64x8x64xf32, #tpu.memory_space<vmem>>, vector<16xf32>,
        %get3A_767 = arith.constant 6 : i32
        %get3A_768 = arith.index_cast %add3A_756 : i32 to index
        %get3A_769 = arith.index_cast %get3A_767 : i32 to index
        %get3A_770 = arith.constant 32 : index
        %get3A_771 = tpu.vector_load %arg6[%get3A_768, %get3A_769, %get3A_770] {strides = array<i32>} : memref<64x8x64xf32, #tpu.memory_space<vmem>>, vector<16xf32>,
        %get3A_772 = arith.constant 6 : i32
        %get3A_773 = arith.index_cast %add3A_756 : i32 to index
        %get3A_774 = arith.index_cast %get3A_772 : i32 to index
        %get3A_775 = arith.constant 48 : index
        %get3A_776 = tpu.vector_load %arg6[%get3A_773, %get3A_774, %get3A_775] {strides = array<i32>} : memref<64x8x64xf32, #tpu.memory_space<vmem>>, vector<16xf32>,
        %mul3A_777 = arith.mulf %get3A_761, %get3A_761 : vector<16xf32>
        %mul3A_778 = arith.mulf %get3A_766, %get3A_766 : vector<16xf32>
        %add3A_779 = arith.addf %mul3A_777, %mul3A_778 : vector<16xf32>
        %mul3A_780 = arith.mulf %get3A_771, %get3A_771 : vector<16xf32>
        %add3A_781 = arith.addf %add3A_779, %mul3A_780 : vector<16xf32>
        %mul3A_782 = arith.mulf %get3A_776, %get3A_776 : vector<16xf32>
        %add3A_783 = arith.addf %add3A_781, %mul3A_782 : vector<16xf32>
        %reduce_sum3A_784 = arith.constant true
        %reduce_sum3A_785 = vector.broadcast %reduce_sum3A_784 : i1 to vector<16xi1>
        %reduce_sum3A_786 = tpu.scan <sum>, %add3A_783 masked %reduce_sum3A_785 : vector<16xf32>, vector<16xi1> -> vector<16xf32>
        %reduce_sum3A_787 = vector.extract %reduce_sum3A_786[15] : f32 from vector<16xf32>
        %eq3A_788 = arith.constant 14 : i32
        %eq3A_789 = vector.broadcast %eq3A_788 : i32 to vector<16xi32>
        %eq3A_790 = arith.cmpi eq, %iota3A, %eq3A_789 : vector<16xi32>
        %broadcast_in_dim3A_791 = vector.broadcast %reduce_sum3A_787 : f32 to vector<16xf32>
        %select_n3A_792 = arith.select %eq3A_790, %broadcast_in_dim3A_791, %select_n3A_745 : vector<16xi1>, vector<16xf32>
        %mul3A_793 = arith.constant 16 : i32
        %mul3A_794 = arith.muli %scan3A_92, %mul3A_793 : i32
        %add3A_795 = arith.constant 14 : i32
        %add3A_796 = arith.addi %mul3A_794, %add3A_795 : i32
        %gt3A_797 = arith.cmpf ogt, %reduce_sum3A_787, %select_n3A_751 : f32
        %select_n3A_798 = arith.select %gt3A_797, %reduce_sum3A_787, %select_n3A_751 : f32
        %select_n3A_799 = arith.select %gt3A_797, %add3A_796, %select_n3A_752 : i32
        %mul3A_800 = arith.constant 2 : i32
        %mul3A_801 = arith.muli %mul3A_800, %scan3A_92 : i32
        %add3A_802 = arith.constant 1 : i32
        %add3A_803 = arith.addi %mul3A_801, %add3A_802 : i32
        %get3A_804 = arith.constant 7 : i32
        %get3A_805 = arith.index_cast %add3A_803 : i32 to index
        %get3A_806 = arith.index_cast %get3A_804 : i32 to index
        %get3A_807 = arith.constant 0 : index
        %get3A_808 = tpu.vector_load %arg6[%get3A_805, %get3A_806, %get3A_807] {strides = array<i32>} : memref<64x8x64xf32, #tpu.memory_space<vmem>>, vector<16xf32>,
        %get3A_809 = arith.constant 7 : i32
        %get3A_810 = arith.index_cast %add3A_803 : i32 to index
        %get3A_811 = arith.index_cast %get3A_809 : i32 to index
        %get3A_812 = arith.constant 16 : index
        %get3A_813 = tpu.vector_load %arg6[%get3A_810, %get3A_811, %get3A_812] {strides = array<i32>} : memref<64x8x64xf32, #tpu.memory_space<vmem>>, vector<16xf32>,
        %get3A_814 = arith.constant 7 : i32
        %get3A_815 = arith.index_cast %add3A_803 : i32 to index
        %get3A_816 = arith.index_cast %get3A_814 : i32 to index
        %get3A_817 = arith.constant 32 : index
        %get3A_818 = tpu.vector_load %arg6[%get3A_815, %get3A_816, %get3A_817] {strides = array<i32>} : memref<64x8x64xf32, #tpu.memory_space<vmem>>, vector<16xf32>,
        %get3A_819 = arith.constant 7 : i32
        %get3A_820 = arith.index_cast %add3A_803 : i32 to index
        %get3A_821 = arith.index_cast %get3A_819 : i32 to index
        %get3A_822 = arith.constant 48 : index
        %get3A_823 = tpu.vector_load %arg6[%get3A_820, %get3A_821, %get3A_822] {strides = array<i32>} : memref<64x8x64xf32, #tpu.memory_space<vmem>>, vector<16xf32>,
        %mul3A_824 = arith.mulf %get3A_808, %get3A_808 : vector<16xf32>
        %mul3A_825 = arith.mulf %get3A_813, %get3A_813 : vector<16xf32>
        %add3A_826 = arith.addf %mul3A_824, %mul3A_825 : vector<16xf32>
        %mul3A_827 = arith.mulf %get3A_818, %get3A_818 : vector<16xf32>
        %add3A_828 = arith.addf %add3A_826, %mul3A_827 : vector<16xf32>
        %mul3A_829 = arith.mulf %get3A_823, %get3A_823 : vector<16xf32>
        %add3A_830 = arith.addf %add3A_828, %mul3A_829 : vector<16xf32>
        %reduce_sum3A_831 = arith.constant true
        %reduce_sum3A_832 = vector.broadcast %reduce_sum3A_831 : i1 to vector<16xi1>
        %reduce_sum3A_833 = tpu.scan <sum>, %add3A_830 masked %reduce_sum3A_832 : vector<16xf32>, vector<16xi1> -> vector<16xf32>
        %reduce_sum3A_834 = vector.extract %reduce_sum3A_833[15] : f32 from vector<16xf32>
        %eq3A_835 = arith.constant 15 : i32
        %eq3A_836 = vector.broadcast %eq3A_835 : i32 to vector<16xi32>
        %eq3A_837 = arith.cmpi eq, %iota3A, %eq3A_836 : vector<16xi32>
        %broadcast_in_dim3A_838 = vector.broadcast %reduce_sum3A_834 : f32 to vector<16xf32>
        %select_n3A_839 = arith.select %eq3A_837, %broadcast_in_dim3A_838, %select_n3A_792 : vector<16xi1>, vector<16xf32>
        %mul3A_840 = arith.constant 16 : i32
        %mul3A_841 = arith.muli %scan3A_92, %mul3A_840 : i32
        %add3A_842 = arith.constant 15 : i32
        %add3A_843 = arith.addi %mul3A_841, %add3A_842 : i32
        %gt3A_844 = arith.cmpf ogt, %reduce_sum3A_834, %select_n3A_798 : f32
        %select_n3A_845 = arith.select %gt3A_844, %reduce_sum3A_834, %select_n3A_798 : f32
        %select_n3A_846 = arith.select %gt3A_844, %add3A_843, %select_n3A_799 : i32
        %mul3A_847 = arith.constant 16 : i32
        %mul3A_848 = arith.muli %scan3A_92, %mul3A_847 : i32
        %swap3A_849 = arith.index_cast %mul3A_848 : i32 to index
        %swap3A_850 = tpu.vector_load %arg7[%swap3A_849] {strides = array<i32>} : memref<512xf32, #tpu.memory_space<vmem>>, vector<16xf32>,
        tpu.vector_store %arg7[%swap3A_849], %select_n3A_839 {strides = array<i32>} : memref<512xf32, #tpu.memory_space<vmem>>, vector<16xf32>,
        scf.yield %select_n3A_845, %select_n3A_846 : f32, i32
      }
      %scan3A_34 = arith.constant 32 : i32
      %mul3A_35 = arith.constant 512 : i32
      %mul3A_36 = arith.muli %add3A_26, %mul3A_35 : i32
      "tpu.region"() ({
        %run_scoped3A = tpu.sem_alloc : memref<!tpu.dma_semaphore, #tpu.memory_space<semaphore_mem>>
        %dma_start3A = tpu.memref_slice %arg3[%mul3A_36] : memref<524288xf32, #tpu.memory_space<hbm>> -> memref<512xf32, #tpu.memory_space<hbm>>
        %dma_start3A_92 = tpu.memref_slice %arg3[%mul3A_36] : memref<524288xf32, #tpu.memory_space<hbm>> -> memref<512xf32, #tpu.memory_space<hbm>>
        tpu.enqueue_dma source(%arg7 : memref<512xf32, #tpu.memory_space<vmem>>) target(%dma_start3A_92 : memref<512xf32, #tpu.memory_space<hbm>>) target_semaphore(%run_scoped3A : memref<!tpu.dma_semaphore, #tpu.memory_space<semaphore_mem>>)
        %dma_wait3A = tpu.memref_slice %arg3[%mul3A_36] : memref<524288xf32, #tpu.memory_space<hbm>> -> memref<512xf32, #tpu.memory_space<hbm>>
        %dma_wait3A_93 = tpu.memref_slice %arg3[%mul3A_36] : memref<524288xf32, #tpu.memory_space<hbm>> -> memref<512xf32, #tpu.memory_space<hbm>>
        tpu.wait_dma2 semaphore(%run_scoped3A : memref<!tpu.dma_semaphore, #tpu.memory_space<semaphore_mem>>) src(%arg7 : memref<512xf32, #tpu.memory_space<vmem>>) dst(%dma_wait3A_93 : memref<512xf32, #tpu.memory_space<hbm>>)
        tpu.yield
      }) : () -> ()
      %shift_right_arithmetic3A = arith.constant 3 : i32
      %shift_right_arithmetic3A_37 = arith.shrsi %scan3A_33#1, %shift_right_arithmetic3A : i32
      %and3A = arith.constant 7 : i32
      %and3A_38 = arith.andi %scan3A_33#1, %and3A : i32
      %get3A = arith.index_cast %shift_right_arithmetic3A_37 : i32 to index
      %get3A_39 = arith.index_cast %and3A_38 : i32 to index
      %get3A_40 = arith.constant 0 : index
      %get3A_41 = tpu.vector_load %arg6[%get3A, %get3A_39, %get3A_40] {strides = array<i32>} : memref<64x8x64xf32, #tpu.memory_space<vmem>>, vector<16xf32>,
      %mul3A_42 = arith.constant 64 : i32
      %mul3A_43 = arith.muli %add3A_25, %mul3A_42 : i32
      %add3A_44 = arith.constant 0 : i32
      %add3A_45 = arith.addi %mul3A_43, %add3A_44 : i32
      %swap3A_46 = arith.index_cast %add3A_45 : i32 to index
      %swap3A_47 = tpu.vector_load %arg9[%swap3A_46] {strides = array<i32>} : memref<2048xf32, #tpu.memory_space<vmem>>, vector<16xf32>,
      tpu.vector_store %arg9[%swap3A_46], %get3A_41 {strides = array<i32>} : memref<2048xf32, #tpu.memory_space<vmem>>, vector<16xf32>,
      %shift_right_arithmetic3A_48 = arith.constant 3 : i32
      %shift_right_arithmetic3A_49 = arith.shrsi %scan3A_33#1, %shift_right_arithmetic3A_48 : i32
      %and3A_50 = arith.constant 7 : i32
      %and3A_51 = arith.andi %scan3A_33#1, %and3A_50 : i32
      %get3A_52 = arith.index_cast %shift_right_arithmetic3A_49 : i32 to index
      %get3A_53 = arith.index_cast %and3A_51 : i32 to index
      %get3A_54 = arith.constant 16 : index
      %get3A_55 = tpu.vector_load %arg6[%get3A_52, %get3A_53, %get3A_54] {strides = array<i32>} : memref<64x8x64xf32, #tpu.memory_space<vmem>>, vector<16xf32>,
      %mul3A_56 = arith.constant 64 : i32
      %mul3A_57 = arith.muli %add3A_25, %mul3A_56 : i32
      %add3A_58 = arith.constant 16 : i32
      %add3A_59 = arith.addi %mul3A_57, %add3A_58 : i32
      %swap3A_60 = arith.index_cast %add3A_59 : i32 to index
      %swap3A_61 = tpu.vector_load %arg9[%swap3A_60] {strides = array<i32>} : memref<2048xf32, #tpu.memory_space<vmem>>, vector<16xf32>,
      tpu.vector_store %arg9[%swap3A_60], %get3A_55 {strides = array<i32>} : memref<2048xf32, #tpu.memory_space<vmem>>, vector<16xf32>,
      %shift_right_arithmetic3A_62 = arith.constant 3 : i32
      %shift_right_arithmetic3A_63 = arith.shrsi %scan3A_33#1, %shift_right_arithmetic3A_62 : i32
      %and3A_64 = arith.constant 7 : i32
      %and3A_65 = arith.andi %scan3A_33#1, %and3A_64 : i32
      %get3A_66 = arith.index_cast %shift_right_arithmetic3A_63 : i32 to index
      %get3A_67 = arith.index_cast %and3A_65 : i32 to index
      %get3A_68 = arith.constant 32 : index
      %get3A_69 = tpu.vector_load %arg6[%get3A_66, %get3A_67, %get3A_68] {strides = array<i32>} : memref<64x8x64xf32, #tpu.memory_space<vmem>>, vector<16xf32>,
      %mul3A_70 = arith.constant 64 : i32
      %mul3A_71 = arith.muli %add3A_25, %mul3A_70 : i32
      %add3A_72 = arith.constant 32 : i32
      %add3A_73 = arith.addi %mul3A_71, %add3A_72 : i32
      %swap3A_74 = arith.index_cast %add3A_73 : i32 to index
      %swap3A_75 = tpu.vector_load %arg9[%swap3A_74] {strides = array<i32>} : memref<2048xf32, #tpu.memory_space<vmem>>, vector<16xf32>,
      tpu.vector_store %arg9[%swap3A_74], %get3A_69 {strides = array<i32>} : memref<2048xf32, #tpu.memory_space<vmem>>, vector<16xf32>,
      %shift_right_arithmetic3A_76 = arith.constant 3 : i32
      %shift_right_arithmetic3A_77 = arith.shrsi %scan3A_33#1, %shift_right_arithmetic3A_76 : i32
      %and3A_78 = arith.constant 7 : i32
      %and3A_79 = arith.andi %scan3A_33#1, %and3A_78 : i32
      %get3A_80 = arith.index_cast %shift_right_arithmetic3A_77 : i32 to index
      %get3A_81 = arith.index_cast %and3A_79 : i32 to index
      %get3A_82 = arith.constant 48 : index
      %get3A_83 = tpu.vector_load %arg6[%get3A_80, %get3A_81, %get3A_82] {strides = array<i32>} : memref<64x8x64xf32, #tpu.memory_space<vmem>>, vector<16xf32>,
      %mul3A_84 = arith.constant 64 : i32
      %mul3A_85 = arith.muli %add3A_25, %mul3A_84 : i32
      %add3A_86 = arith.constant 48 : i32
      %add3A_87 = arith.addi %mul3A_85, %add3A_86 : i32
      %swap3A_88 = arith.index_cast %add3A_87 : i32 to index
      %swap3A_89 = tpu.vector_load %arg9[%swap3A_88] {strides = array<i32>} : memref<2048xf32, #tpu.memory_space<vmem>>, vector<16xf32>,
      tpu.vector_store %arg9[%swap3A_88], %get3A_83 {strides = array<i32>} : memref<2048xf32, #tpu.memory_space<vmem>>, vector<16xf32>,
      %eq3A = vector.broadcast %scan3A_22 : i32 to vector<16xi32>
      %eq3A_90 = arith.cmpi eq, %iota3A, %eq3A : vector<16xi32>
      %broadcast_in_dim3A_91 = vector.broadcast %scan3A_33#1 : i32 to vector<16xi32>
      %select_n3A = arith.select %eq3A_90, %broadcast_in_dim3A_91, %scan3A_23 : vector<16xi1>, vector<16xi32>
      scf.yield %select_n3A : vector<16xi32>
    }
    %scan3A_8 = arith.constant 16 : i32
    %swap3A = arith.constant 0 : index
    %swap3A_9 = tpu.vector_load %arg8[%swap3A] {strides = array<i32>} : memref<32xi32, #tpu.memory_space<vmem>>, vector<16xi32>,
    tpu.vector_store %arg8[%swap3A], %scan3A_7 {strides = array<i32>} : memref<32xi32, #tpu.memory_space<vmem>>, vector<16xi32>,
    %broadcast_in_dim3A_10 = arith.constant 0 : i32
    %broadcast_in_dim3A_11 = vector.broadcast %broadcast_in_dim3A_10 : i32 to vector<16xi32>
    %scan3A_12 = arith.constant 0 : i32
    %scan3A_13 = arith.constant 16 : i32
    %scan3A_14 = arith.addi %scan3A_12, %scan3A_13 : i32
    %scan3A_15 = arith.constant 1 : i32
    %scan3A_16 = scf.for %scan3A_22 = %scan3A_12 to %scan3A_14 step %scan3A_15 iter_args(%scan3A_23 = %broadcast_in_dim3A_11) -> (vector<16xi32>)  : i32 {
      %add3A_24 = arith.constant 16 : i32
      %add3A_25 = arith.addi %add3A_24, %scan3A_22 : i32
      %add3A_26 = arith.addi %mul3A_2, %add3A_25 : i32
      "tpu.region"() ({
        %run_scoped3A = tpu.sem_alloc : memref<!tpu.dma_semaphore, #tpu.memory_space<semaphore_mem>>
        %dma_start3A = arith.constant 0 : i32
        %dma_start3A_92 = arith.constant 0 : i32
        %dma_start3A_93 = arith.constant 0 : i32
        %dma_start3A_94 = tpu.memref_slice %arg2[%add3A_26, %dma_start3A, %dma_start3A_92, %dma_start3A_93] : memref<1024x64x8x64xf32, #tpu.memory_space<hbm>> -> memref<1x64x8x64xf32, #tpu.memory_space<hbm>>
        %dma_start3A_95 = tpu.memref_squeeze %dma_start3A_94 : memref<1x64x8x64xf32, #tpu.memory_space<hbm>> -> memref<64x8x64xf32, #tpu.memory_space<hbm>>
        %dma_start3A_96 = arith.constant 0 : i32
        %dma_start3A_97 = arith.constant 0 : i32
        %dma_start3A_98 = arith.constant 0 : i32
        %dma_start3A_99 = tpu.memref_slice %arg2[%add3A_26, %dma_start3A_96, %dma_start3A_97, %dma_start3A_98] : memref<1024x64x8x64xf32, #tpu.memory_space<hbm>> -> memref<1x64x8x64xf32, #tpu.memory_space<hbm>>
        %dma_start3A_100 = tpu.memref_squeeze %dma_start3A_99 : memref<1x64x8x64xf32, #tpu.memory_space<hbm>> -> memref<64x8x64xf32, #tpu.memory_space<hbm>>
        tpu.enqueue_dma source(%dma_start3A_100 : memref<64x8x64xf32, #tpu.memory_space<hbm>>) target(%arg6 : memref<64x8x64xf32, #tpu.memory_space<vmem>>) target_semaphore(%run_scoped3A : memref<!tpu.dma_semaphore, #tpu.memory_space<semaphore_mem>>)
        %dma_wait3A = arith.constant 0 : i32
        %dma_wait3A_101 = arith.constant 0 : i32
        %dma_wait3A_102 = arith.constant 0 : i32
        %dma_wait3A_103 = tpu.memref_slice %arg2[%add3A_26, %dma_wait3A, %dma_wait3A_101, %dma_wait3A_102] : memref<1024x64x8x64xf32, #tpu.memory_space<hbm>> -> memref<1x64x8x64xf32, #tpu.memory_space<hbm>>
        %dma_wait3A_104 = tpu.memref_squeeze %dma_wait3A_103 : memref<1x64x8x64xf32, #tpu.memory_space<hbm>> -> memref<64x8x64xf32, #tpu.memory_space<hbm>>
        %dma_wait3A_105 = arith.constant 0 : i32
        %dma_wait3A_106 = arith.constant 0 : i32
        %dma_wait3A_107 = arith.constant 0 : i32
        %dma_wait3A_108 = tpu.memref_slice %arg2[%add3A_26, %dma_wait3A_105, %dma_wait3A_106, %dma_wait3A_107] : memref<1024x64x8x64xf32, #tpu.memory_space<hbm>> -> memref<1x64x8x64xf32, #tpu.memory_space<hbm>>
        %dma_wait3A_109 = tpu.memref_squeeze %dma_wait3A_108 : memref<1x64x8x64xf32, #tpu.memory_space<hbm>> -> memref<64x8x64xf32, #tpu.memory_space<hbm>>
        tpu.wait_dma2 semaphore(%run_scoped3A : memref<!tpu.dma_semaphore, #tpu.memory_space<semaphore_mem>>) src(%dma_wait3A_109 : memref<64x8x64xf32, #tpu.memory_space<hbm>>) dst(%arg6 : memref<64x8x64xf32, #tpu.memory_space<vmem>>)
        tpu.yield
      }) : () -> ()
      %scan3A_27 = arith.constant -1.000000e+00 : f32
      %scan3A_28 = arith.constant 0 : i32
      %scan3A_29 = arith.constant 0 : i32
      %scan3A_30 = arith.constant 32 : i32
      %scan3A_31 = arith.addi %scan3A_29, %scan3A_30 : i32
      %scan3A_32 = arith.constant 1 : i32
      %scan3A_33:2 = scf.for %scan3A_92 = %scan3A_29 to %scan3A_31 step %scan3A_32 iter_args(%scan3A_93 = %scan3A_27, %scan3A_94 = %scan3A_28) -> (f32, i32)  : i32 {
        %broadcast_in_dim3A_95 = arith.constant 0.000000e+00 : f32
        %broadcast_in_dim3A_96 = vector.broadcast %broadcast_in_dim3A_95 : f32 to vector<16xf32>
        %mul3A_97 = arith.constant 2 : i32
        %mul3A_98 = arith.muli %mul3A_97, %scan3A_92 : i32
        %add3A_99 = arith.constant 0 : i32
        %add3A_100 = arith.addi %mul3A_98, %add3A_99 : i32
        %get3A_101 = arith.constant 0 : i32
        %get3A_102 = arith.index_cast %add3A_100 : i32 to index
        %get3A_103 = arith.index_cast %get3A_101 : i32 to index
        %get3A_104 = arith.constant 0 : index
        %get3A_105 = tpu.vector_load %arg6[%get3A_102, %get3A_103, %get3A_104] {strides = array<i32>} : memref<64x8x64xf32, #tpu.memory_space<vmem>>, vector<16xf32>,
        %get3A_106 = arith.constant 0 : i32
        %get3A_107 = arith.index_cast %add3A_100 : i32 to index
        %get3A_108 = arith.index_cast %get3A_106 : i32 to index
        %get3A_109 = arith.constant 16 : index
        %get3A_110 = tpu.vector_load %arg6[%get3A_107, %get3A_108, %get3A_109] {strides = array<i32>} : memref<64x8x64xf32, #tpu.memory_space<vmem>>, vector<16xf32>,
        %get3A_111 = arith.constant 0 : i32
        %get3A_112 = arith.index_cast %add3A_100 : i32 to index
        %get3A_113 = arith.index_cast %get3A_111 : i32 to index
        %get3A_114 = arith.constant 32 : index
        %get3A_115 = tpu.vector_load %arg6[%get3A_112, %get3A_113, %get3A_114] {strides = array<i32>} : memref<64x8x64xf32, #tpu.memory_space<vmem>>, vector<16xf32>,
        %get3A_116 = arith.constant 0 : i32
        %get3A_117 = arith.index_cast %add3A_100 : i32 to index
        %get3A_118 = arith.index_cast %get3A_116 : i32 to index
        %get3A_119 = arith.constant 48 : index
        %get3A_120 = tpu.vector_load %arg6[%get3A_117, %get3A_118, %get3A_119] {strides = array<i32>} : memref<64x8x64xf32, #tpu.memory_space<vmem>>, vector<16xf32>,
        %mul3A_121 = arith.mulf %get3A_105, %get3A_105 : vector<16xf32>
        %mul3A_122 = arith.mulf %get3A_110, %get3A_110 : vector<16xf32>
        %add3A_123 = arith.addf %mul3A_121, %mul3A_122 : vector<16xf32>
        %mul3A_124 = arith.mulf %get3A_115, %get3A_115 : vector<16xf32>
        %add3A_125 = arith.addf %add3A_123, %mul3A_124 : vector<16xf32>
        %mul3A_126 = arith.mulf %get3A_120, %get3A_120 : vector<16xf32>
        %add3A_127 = arith.addf %add3A_125, %mul3A_126 : vector<16xf32>
        %reduce_sum3A = arith.constant true
        %reduce_sum3A_128 = vector.broadcast %reduce_sum3A : i1 to vector<16xi1>
        %reduce_sum3A_129 = tpu.scan <sum>, %add3A_127 masked %reduce_sum3A_128 : vector<16xf32>, vector<16xi1> -> vector<16xf32>
        %reduce_sum3A_130 = vector.extract %reduce_sum3A_129[15] : f32 from vector<16xf32>
        %eq3A_131 = arith.constant 0 : i32
        %eq3A_132 = vector.broadcast %eq3A_131 : i32 to vector<16xi32>
        %eq3A_133 = arith.cmpi eq, %iota3A, %eq3A_132 : vector<16xi32>
        %broadcast_in_dim3A_134 = vector.broadcast %reduce_sum3A_130 : f32 to vector<16xf32>
        %select_n3A_135 = arith.select %eq3A_133, %broadcast_in_dim3A_134, %broadcast_in_dim3A_96 : vector<16xi1>, vector<16xf32>
        %mul3A_136 = arith.constant 16 : i32
        %mul3A_137 = arith.muli %scan3A_92, %mul3A_136 : i32
        %add3A_138 = arith.constant 0 : i32
        %add3A_139 = arith.addi %mul3A_137, %add3A_138 : i32
        %gt3A = arith.cmpf ogt, %reduce_sum3A_130, %scan3A_93 : f32
        %select_n3A_140 = arith.select %gt3A, %reduce_sum3A_130, %scan3A_93 : f32
        %select_n3A_141 = arith.select %gt3A, %add3A_139, %scan3A_94 : i32
        %mul3A_142 = arith.constant 2 : i32
        %mul3A_143 = arith.muli %mul3A_142, %scan3A_92 : i32
        %add3A_144 = arith.constant 0 : i32
        %add3A_145 = arith.addi %mul3A_143, %add3A_144 : i32
        %get3A_146 = arith.constant 1 : i32
        %get3A_147 = arith.index_cast %add3A_145 : i32 to index
        %get3A_148 = arith.index_cast %get3A_146 : i32 to index
        %get3A_149 = arith.constant 0 : index
        %get3A_150 = tpu.vector_load %arg6[%get3A_147, %get3A_148, %get3A_149] {strides = array<i32>} : memref<64x8x64xf32, #tpu.memory_space<vmem>>, vector<16xf32>,
        %get3A_151 = arith.constant 1 : i32
        %get3A_152 = arith.index_cast %add3A_145 : i32 to index
        %get3A_153 = arith.index_cast %get3A_151 : i32 to index
        %get3A_154 = arith.constant 16 : index
        %get3A_155 = tpu.vector_load %arg6[%get3A_152, %get3A_153, %get3A_154] {strides = array<i32>} : memref<64x8x64xf32, #tpu.memory_space<vmem>>, vector<16xf32>,
        %get3A_156 = arith.constant 1 : i32
        %get3A_157 = arith.index_cast %add3A_145 : i32 to index
        %get3A_158 = arith.index_cast %get3A_156 : i32 to index
        %get3A_159 = arith.constant 32 : index
        %get3A_160 = tpu.vector_load %arg6[%get3A_157, %get3A_158, %get3A_159] {strides = array<i32>} : memref<64x8x64xf32, #tpu.memory_space<vmem>>, vector<16xf32>,
        %get3A_161 = arith.constant 1 : i32
        %get3A_162 = arith.index_cast %add3A_145 : i32 to index
        %get3A_163 = arith.index_cast %get3A_161 : i32 to index
        %get3A_164 = arith.constant 48 : index
        %get3A_165 = tpu.vector_load %arg6[%get3A_162, %get3A_163, %get3A_164] {strides = array<i32>} : memref<64x8x64xf32, #tpu.memory_space<vmem>>, vector<16xf32>,
        %mul3A_166 = arith.mulf %get3A_150, %get3A_150 : vector<16xf32>
        %mul3A_167 = arith.mulf %get3A_155, %get3A_155 : vector<16xf32>
        %add3A_168 = arith.addf %mul3A_166, %mul3A_167 : vector<16xf32>
        %mul3A_169 = arith.mulf %get3A_160, %get3A_160 : vector<16xf32>
        %add3A_170 = arith.addf %add3A_168, %mul3A_169 : vector<16xf32>
        %mul3A_171 = arith.mulf %get3A_165, %get3A_165 : vector<16xf32>
        %add3A_172 = arith.addf %add3A_170, %mul3A_171 : vector<16xf32>
        %reduce_sum3A_173 = arith.constant true
        %reduce_sum3A_174 = vector.broadcast %reduce_sum3A_173 : i1 to vector<16xi1>
        %reduce_sum3A_175 = tpu.scan <sum>, %add3A_172 masked %reduce_sum3A_174 : vector<16xf32>, vector<16xi1> -> vector<16xf32>
        %reduce_sum3A_176 = vector.extract %reduce_sum3A_175[15] : f32 from vector<16xf32>
        %eq3A_177 = arith.constant 1 : i32
        %eq3A_178 = vector.broadcast %eq3A_177 : i32 to vector<16xi32>
        %eq3A_179 = arith.cmpi eq, %iota3A, %eq3A_178 : vector<16xi32>
        %broadcast_in_dim3A_180 = vector.broadcast %reduce_sum3A_176 : f32 to vector<16xf32>
        %select_n3A_181 = arith.select %eq3A_179, %broadcast_in_dim3A_180, %select_n3A_135 : vector<16xi1>, vector<16xf32>
        %mul3A_182 = arith.constant 16 : i32
        %mul3A_183 = arith.muli %scan3A_92, %mul3A_182 : i32
        %add3A_184 = arith.constant 1 : i32
        %add3A_185 = arith.addi %mul3A_183, %add3A_184 : i32
        %gt3A_186 = arith.cmpf ogt, %reduce_sum3A_176, %select_n3A_140 : f32
        %select_n3A_187 = arith.select %gt3A_186, %reduce_sum3A_176, %select_n3A_140 : f32
        %select_n3A_188 = arith.select %gt3A_186, %add3A_185, %select_n3A_141 : i32
        %mul3A_189 = arith.constant 2 : i32
        %mul3A_190 = arith.muli %mul3A_189, %scan3A_92 : i32
        %add3A_191 = arith.constant 0 : i32
        %add3A_192 = arith.addi %mul3A_190, %add3A_191 : i32
        %get3A_193 = arith.constant 2 : i32
        %get3A_194 = arith.index_cast %add3A_192 : i32 to index
        %get3A_195 = arith.index_cast %get3A_193 : i32 to index
        %get3A_196 = arith.constant 0 : index
        %get3A_197 = tpu.vector_load %arg6[%get3A_194, %get3A_195, %get3A_196] {strides = array<i32>} : memref<64x8x64xf32, #tpu.memory_space<vmem>>, vector<16xf32>,
        %get3A_198 = arith.constant 2 : i32
        %get3A_199 = arith.index_cast %add3A_192 : i32 to index
        %get3A_200 = arith.index_cast %get3A_198 : i32 to index
        %get3A_201 = arith.constant 16 : index
        %get3A_202 = tpu.vector_load %arg6[%get3A_199, %get3A_200, %get3A_201] {strides = array<i32>} : memref<64x8x64xf32, #tpu.memory_space<vmem>>, vector<16xf32>,
        %get3A_203 = arith.constant 2 : i32
        %get3A_204 = arith.index_cast %add3A_192 : i32 to index
        %get3A_205 = arith.index_cast %get3A_203 : i32 to index
        %get3A_206 = arith.constant 32 : index
        %get3A_207 = tpu.vector_load %arg6[%get3A_204, %get3A_205, %get3A_206] {strides = array<i32>} : memref<64x8x64xf32, #tpu.memory_space<vmem>>, vector<16xf32>,
        %get3A_208 = arith.constant 2 : i32
        %get3A_209 = arith.index_cast %add3A_192 : i32 to index
        %get3A_210 = arith.index_cast %get3A_208 : i32 to index
        %get3A_211 = arith.constant 48 : index
        %get3A_212 = tpu.vector_load %arg6[%get3A_209, %get3A_210, %get3A_211] {strides = array<i32>} : memref<64x8x64xf32, #tpu.memory_space<vmem>>, vector<16xf32>,
        %mul3A_213 = arith.mulf %get3A_197, %get3A_197 : vector<16xf32>
        %mul3A_214 = arith.mulf %get3A_202, %get3A_202 : vector<16xf32>
        %add3A_215 = arith.addf %mul3A_213, %mul3A_214 : vector<16xf32>
        %mul3A_216 = arith.mulf %get3A_207, %get3A_207 : vector<16xf32>
        %add3A_217 = arith.addf %add3A_215, %mul3A_216 : vector<16xf32>
        %mul3A_218 = arith.mulf %get3A_212, %get3A_212 : vector<16xf32>
        %add3A_219 = arith.addf %add3A_217, %mul3A_218 : vector<16xf32>
        %reduce_sum3A_220 = arith.constant true
        %reduce_sum3A_221 = vector.broadcast %reduce_sum3A_220 : i1 to vector<16xi1>
        %reduce_sum3A_222 = tpu.scan <sum>, %add3A_219 masked %reduce_sum3A_221 : vector<16xf32>, vector<16xi1> -> vector<16xf32>
        %reduce_sum3A_223 = vector.extract %reduce_sum3A_222[15] : f32 from vector<16xf32>
        %eq3A_224 = arith.constant 2 : i32
        %eq3A_225 = vector.broadcast %eq3A_224 : i32 to vector<16xi32>
        %eq3A_226 = arith.cmpi eq, %iota3A, %eq3A_225 : vector<16xi32>
        %broadcast_in_dim3A_227 = vector.broadcast %reduce_sum3A_223 : f32 to vector<16xf32>
        %select_n3A_228 = arith.select %eq3A_226, %broadcast_in_dim3A_227, %select_n3A_181 : vector<16xi1>, vector<16xf32>
        %mul3A_229 = arith.constant 16 : i32
        %mul3A_230 = arith.muli %scan3A_92, %mul3A_229 : i32
        %add3A_231 = arith.constant 2 : i32
        %add3A_232 = arith.addi %mul3A_230, %add3A_231 : i32
        %gt3A_233 = arith.cmpf ogt, %reduce_sum3A_223, %select_n3A_187 : f32
        %select_n3A_234 = arith.select %gt3A_233, %reduce_sum3A_223, %select_n3A_187 : f32
        %select_n3A_235 = arith.select %gt3A_233, %add3A_232, %select_n3A_188 : i32
        %mul3A_236 = arith.constant 2 : i32
        %mul3A_237 = arith.muli %mul3A_236, %scan3A_92 : i32
        %add3A_238 = arith.constant 0 : i32
        %add3A_239 = arith.addi %mul3A_237, %add3A_238 : i32
        %get3A_240 = arith.constant 3 : i32
        %get3A_241 = arith.index_cast %add3A_239 : i32 to index
        %get3A_242 = arith.index_cast %get3A_240 : i32 to index
        %get3A_243 = arith.constant 0 : index
        %get3A_244 = tpu.vector_load %arg6[%get3A_241, %get3A_242, %get3A_243] {strides = array<i32>} : memref<64x8x64xf32, #tpu.memory_space<vmem>>, vector<16xf32>,
        %get3A_245 = arith.constant 3 : i32
        %get3A_246 = arith.index_cast %add3A_239 : i32 to index
        %get3A_247 = arith.index_cast %get3A_245 : i32 to index
        %get3A_248 = arith.constant 16 : index
        %get3A_249 = tpu.vector_load %arg6[%get3A_246, %get3A_247, %get3A_248] {strides = array<i32>} : memref<64x8x64xf32, #tpu.memory_space<vmem>>, vector<16xf32>,
        %get3A_250 = arith.constant 3 : i32
        %get3A_251 = arith.index_cast %add3A_239 : i32 to index
        %get3A_252 = arith.index_cast %get3A_250 : i32 to index
        %get3A_253 = arith.constant 32 : index
        %get3A_254 = tpu.vector_load %arg6[%get3A_251, %get3A_252, %get3A_253] {strides = array<i32>} : memref<64x8x64xf32, #tpu.memory_space<vmem>>, vector<16xf32>,
        %get3A_255 = arith.constant 3 : i32
        %get3A_256 = arith.index_cast %add3A_239 : i32 to index
        %get3A_257 = arith.index_cast %get3A_255 : i32 to index
        %get3A_258 = arith.constant 48 : index
        %get3A_259 = tpu.vector_load %arg6[%get3A_256, %get3A_257, %get3A_258] {strides = array<i32>} : memref<64x8x64xf32, #tpu.memory_space<vmem>>, vector<16xf32>,
        %mul3A_260 = arith.mulf %get3A_244, %get3A_244 : vector<16xf32>
        %mul3A_261 = arith.mulf %get3A_249, %get3A_249 : vector<16xf32>
        %add3A_262 = arith.addf %mul3A_260, %mul3A_261 : vector<16xf32>
        %mul3A_263 = arith.mulf %get3A_254, %get3A_254 : vector<16xf32>
        %add3A_264 = arith.addf %add3A_262, %mul3A_263 : vector<16xf32>
        %mul3A_265 = arith.mulf %get3A_259, %get3A_259 : vector<16xf32>
        %add3A_266 = arith.addf %add3A_264, %mul3A_265 : vector<16xf32>
        %reduce_sum3A_267 = arith.constant true
        %reduce_sum3A_268 = vector.broadcast %reduce_sum3A_267 : i1 to vector<16xi1>
        %reduce_sum3A_269 = tpu.scan <sum>, %add3A_266 masked %reduce_sum3A_268 : vector<16xf32>, vector<16xi1> -> vector<16xf32>
        %reduce_sum3A_270 = vector.extract %reduce_sum3A_269[15] : f32 from vector<16xf32>
        %eq3A_271 = arith.constant 3 : i32
        %eq3A_272 = vector.broadcast %eq3A_271 : i32 to vector<16xi32>
        %eq3A_273 = arith.cmpi eq, %iota3A, %eq3A_272 : vector<16xi32>
        %broadcast_in_dim3A_274 = vector.broadcast %reduce_sum3A_270 : f32 to vector<16xf32>
        %select_n3A_275 = arith.select %eq3A_273, %broadcast_in_dim3A_274, %select_n3A_228 : vector<16xi1>, vector<16xf32>
        %mul3A_276 = arith.constant 16 : i32
        %mul3A_277 = arith.muli %scan3A_92, %mul3A_276 : i32
        %add3A_278 = arith.constant 3 : i32
        %add3A_279 = arith.addi %mul3A_277, %add3A_278 : i32
        %gt3A_280 = arith.cmpf ogt, %reduce_sum3A_270, %select_n3A_234 : f32
        %select_n3A_281 = arith.select %gt3A_280, %reduce_sum3A_270, %select_n3A_234 : f32
        %select_n3A_282 = arith.select %gt3A_280, %add3A_279, %select_n3A_235 : i32
        %mul3A_283 = arith.constant 2 : i32
        %mul3A_284 = arith.muli %mul3A_283, %scan3A_92 : i32
        %add3A_285 = arith.constant 0 : i32
        %add3A_286 = arith.addi %mul3A_284, %add3A_285 : i32
        %get3A_287 = arith.constant 4 : i32
        %get3A_288 = arith.index_cast %add3A_286 : i32 to index
        %get3A_289 = arith.index_cast %get3A_287 : i32 to index
        %get3A_290 = arith.constant 0 : index
        %get3A_291 = tpu.vector_load %arg6[%get3A_288, %get3A_289, %get3A_290] {strides = array<i32>} : memref<64x8x64xf32, #tpu.memory_space<vmem>>, vector<16xf32>,
        %get3A_292 = arith.constant 4 : i32
        %get3A_293 = arith.index_cast %add3A_286 : i32 to index
        %get3A_294 = arith.index_cast %get3A_292 : i32 to index
        %get3A_295 = arith.constant 16 : index
        %get3A_296 = tpu.vector_load %arg6[%get3A_293, %get3A_294, %get3A_295] {strides = array<i32>} : memref<64x8x64xf32, #tpu.memory_space<vmem>>, vector<16xf32>,
        %get3A_297 = arith.constant 4 : i32
        %get3A_298 = arith.index_cast %add3A_286 : i32 to index
        %get3A_299 = arith.index_cast %get3A_297 : i32 to index
        %get3A_300 = arith.constant 32 : index
        %get3A_301 = tpu.vector_load %arg6[%get3A_298, %get3A_299, %get3A_300] {strides = array<i32>} : memref<64x8x64xf32, #tpu.memory_space<vmem>>, vector<16xf32>,
        %get3A_302 = arith.constant 4 : i32
        %get3A_303 = arith.index_cast %add3A_286 : i32 to index
        %get3A_304 = arith.index_cast %get3A_302 : i32 to index
        %get3A_305 = arith.constant 48 : index
        %get3A_306 = tpu.vector_load %arg6[%get3A_303, %get3A_304, %get3A_305] {strides = array<i32>} : memref<64x8x64xf32, #tpu.memory_space<vmem>>, vector<16xf32>,
        %mul3A_307 = arith.mulf %get3A_291, %get3A_291 : vector<16xf32>
        %mul3A_308 = arith.mulf %get3A_296, %get3A_296 : vector<16xf32>
        %add3A_309 = arith.addf %mul3A_307, %mul3A_308 : vector<16xf32>
        %mul3A_310 = arith.mulf %get3A_301, %get3A_301 : vector<16xf32>
        %add3A_311 = arith.addf %add3A_309, %mul3A_310 : vector<16xf32>
        %mul3A_312 = arith.mulf %get3A_306, %get3A_306 : vector<16xf32>
        %add3A_313 = arith.addf %add3A_311, %mul3A_312 : vector<16xf32>
        %reduce_sum3A_314 = arith.constant true
        %reduce_sum3A_315 = vector.broadcast %reduce_sum3A_314 : i1 to vector<16xi1>
        %reduce_sum3A_316 = tpu.scan <sum>, %add3A_313 masked %reduce_sum3A_315 : vector<16xf32>, vector<16xi1> -> vector<16xf32>
        %reduce_sum3A_317 = vector.extract %reduce_sum3A_316[15] : f32 from vector<16xf32>
        %eq3A_318 = arith.constant 4 : i32
        %eq3A_319 = vector.broadcast %eq3A_318 : i32 to vector<16xi32>
        %eq3A_320 = arith.cmpi eq, %iota3A, %eq3A_319 : vector<16xi32>
        %broadcast_in_dim3A_321 = vector.broadcast %reduce_sum3A_317 : f32 to vector<16xf32>
        %select_n3A_322 = arith.select %eq3A_320, %broadcast_in_dim3A_321, %select_n3A_275 : vector<16xi1>, vector<16xf32>
        %mul3A_323 = arith.constant 16 : i32
        %mul3A_324 = arith.muli %scan3A_92, %mul3A_323 : i32
        %add3A_325 = arith.constant 4 : i32
        %add3A_326 = arith.addi %mul3A_324, %add3A_325 : i32
        %gt3A_327 = arith.cmpf ogt, %reduce_sum3A_317, %select_n3A_281 : f32
        %select_n3A_328 = arith.select %gt3A_327, %reduce_sum3A_317, %select_n3A_281 : f32
        %select_n3A_329 = arith.select %gt3A_327, %add3A_326, %select_n3A_282 : i32
        %mul3A_330 = arith.constant 2 : i32
        %mul3A_331 = arith.muli %mul3A_330, %scan3A_92 : i32
        %add3A_332 = arith.constant 0 : i32
        %add3A_333 = arith.addi %mul3A_331, %add3A_332 : i32
        %get3A_334 = arith.constant 5 : i32
        %get3A_335 = arith.index_cast %add3A_333 : i32 to index
        %get3A_336 = arith.index_cast %get3A_334 : i32 to index
        %get3A_337 = arith.constant 0 : index
        %get3A_338 = tpu.vector_load %arg6[%get3A_335, %get3A_336, %get3A_337] {strides = array<i32>} : memref<64x8x64xf32, #tpu.memory_space<vmem>>, vector<16xf32>,
        %get3A_339 = arith.constant 5 : i32
        %get3A_340 = arith.index_cast %add3A_333 : i32 to index
        %get3A_341 = arith.index_cast %get3A_339 : i32 to index
        %get3A_342 = arith.constant 16 : index
        %get3A_343 = tpu.vector_load %arg6[%get3A_340, %get3A_341, %get3A_342] {strides = array<i32>} : memref<64x8x64xf32, #tpu.memory_space<vmem>>, vector<16xf32>,
        %get3A_344 = arith.constant 5 : i32
        %get3A_345 = arith.index_cast %add3A_333 : i32 to index
        %get3A_346 = arith.index_cast %get3A_344 : i32 to index
        %get3A_347 = arith.constant 32 : index
        %get3A_348 = tpu.vector_load %arg6[%get3A_345, %get3A_346, %get3A_347] {strides = array<i32>} : memref<64x8x64xf32, #tpu.memory_space<vmem>>, vector<16xf32>,
        %get3A_349 = arith.constant 5 : i32
        %get3A_350 = arith.index_cast %add3A_333 : i32 to index
        %get3A_351 = arith.index_cast %get3A_349 : i32 to index
        %get3A_352 = arith.constant 48 : index
        %get3A_353 = tpu.vector_load %arg6[%get3A_350, %get3A_351, %get3A_352] {strides = array<i32>} : memref<64x8x64xf32, #tpu.memory_space<vmem>>, vector<16xf32>,
        %mul3A_354 = arith.mulf %get3A_338, %get3A_338 : vector<16xf32>
        %mul3A_355 = arith.mulf %get3A_343, %get3A_343 : vector<16xf32>
        %add3A_356 = arith.addf %mul3A_354, %mul3A_355 : vector<16xf32>
        %mul3A_357 = arith.mulf %get3A_348, %get3A_348 : vector<16xf32>
        %add3A_358 = arith.addf %add3A_356, %mul3A_357 : vector<16xf32>
        %mul3A_359 = arith.mulf %get3A_353, %get3A_353 : vector<16xf32>
        %add3A_360 = arith.addf %add3A_358, %mul3A_359 : vector<16xf32>
        %reduce_sum3A_361 = arith.constant true
        %reduce_sum3A_362 = vector.broadcast %reduce_sum3A_361 : i1 to vector<16xi1>
        %reduce_sum3A_363 = tpu.scan <sum>, %add3A_360 masked %reduce_sum3A_362 : vector<16xf32>, vector<16xi1> -> vector<16xf32>
        %reduce_sum3A_364 = vector.extract %reduce_sum3A_363[15] : f32 from vector<16xf32>
        %eq3A_365 = arith.constant 5 : i32
        %eq3A_366 = vector.broadcast %eq3A_365 : i32 to vector<16xi32>
        %eq3A_367 = arith.cmpi eq, %iota3A, %eq3A_366 : vector<16xi32>
        %broadcast_in_dim3A_368 = vector.broadcast %reduce_sum3A_364 : f32 to vector<16xf32>
        %select_n3A_369 = arith.select %eq3A_367, %broadcast_in_dim3A_368, %select_n3A_322 : vector<16xi1>, vector<16xf32>
        %mul3A_370 = arith.constant 16 : i32
        %mul3A_371 = arith.muli %scan3A_92, %mul3A_370 : i32
        %add3A_372 = arith.constant 5 : i32
        %add3A_373 = arith.addi %mul3A_371, %add3A_372 : i32
        %gt3A_374 = arith.cmpf ogt, %reduce_sum3A_364, %select_n3A_328 : f32
        %select_n3A_375 = arith.select %gt3A_374, %reduce_sum3A_364, %select_n3A_328 : f32
        %select_n3A_376 = arith.select %gt3A_374, %add3A_373, %select_n3A_329 : i32
        %mul3A_377 = arith.constant 2 : i32
        %mul3A_378 = arith.muli %mul3A_377, %scan3A_92 : i32
        %add3A_379 = arith.constant 0 : i32
        %add3A_380 = arith.addi %mul3A_378, %add3A_379 : i32
        %get3A_381 = arith.constant 6 : i32
        %get3A_382 = arith.index_cast %add3A_380 : i32 to index
        %get3A_383 = arith.index_cast %get3A_381 : i32 to index
        %get3A_384 = arith.constant 0 : index
        %get3A_385 = tpu.vector_load %arg6[%get3A_382, %get3A_383, %get3A_384] {strides = array<i32>} : memref<64x8x64xf32, #tpu.memory_space<vmem>>, vector<16xf32>,
        %get3A_386 = arith.constant 6 : i32
        %get3A_387 = arith.index_cast %add3A_380 : i32 to index
        %get3A_388 = arith.index_cast %get3A_386 : i32 to index
        %get3A_389 = arith.constant 16 : index
        %get3A_390 = tpu.vector_load %arg6[%get3A_387, %get3A_388, %get3A_389] {strides = array<i32>} : memref<64x8x64xf32, #tpu.memory_space<vmem>>, vector<16xf32>,
        %get3A_391 = arith.constant 6 : i32
        %get3A_392 = arith.index_cast %add3A_380 : i32 to index
        %get3A_393 = arith.index_cast %get3A_391 : i32 to index
        %get3A_394 = arith.constant 32 : index
        %get3A_395 = tpu.vector_load %arg6[%get3A_392, %get3A_393, %get3A_394] {strides = array<i32>} : memref<64x8x64xf32, #tpu.memory_space<vmem>>, vector<16xf32>,
        %get3A_396 = arith.constant 6 : i32
        %get3A_397 = arith.index_cast %add3A_380 : i32 to index
        %get3A_398 = arith.index_cast %get3A_396 : i32 to index
        %get3A_399 = arith.constant 48 : index
        %get3A_400 = tpu.vector_load %arg6[%get3A_397, %get3A_398, %get3A_399] {strides = array<i32>} : memref<64x8x64xf32, #tpu.memory_space<vmem>>, vector<16xf32>,
        %mul3A_401 = arith.mulf %get3A_385, %get3A_385 : vector<16xf32>
        %mul3A_402 = arith.mulf %get3A_390, %get3A_390 : vector<16xf32>
        %add3A_403 = arith.addf %mul3A_401, %mul3A_402 : vector<16xf32>
        %mul3A_404 = arith.mulf %get3A_395, %get3A_395 : vector<16xf32>
        %add3A_405 = arith.addf %add3A_403, %mul3A_404 : vector<16xf32>
        %mul3A_406 = arith.mulf %get3A_400, %get3A_400 : vector<16xf32>
        %add3A_407 = arith.addf %add3A_405, %mul3A_406 : vector<16xf32>
        %reduce_sum3A_408 = arith.constant true
        %reduce_sum3A_409 = vector.broadcast %reduce_sum3A_408 : i1 to vector<16xi1>
        %reduce_sum3A_410 = tpu.scan <sum>, %add3A_407 masked %reduce_sum3A_409 : vector<16xf32>, vector<16xi1> -> vector<16xf32>
        %reduce_sum3A_411 = vector.extract %reduce_sum3A_410[15] : f32 from vector<16xf32>
        %eq3A_412 = arith.constant 6 : i32
        %eq3A_413 = vector.broadcast %eq3A_412 : i32 to vector<16xi32>
        %eq3A_414 = arith.cmpi eq, %iota3A, %eq3A_413 : vector<16xi32>
        %broadcast_in_dim3A_415 = vector.broadcast %reduce_sum3A_411 : f32 to vector<16xf32>
        %select_n3A_416 = arith.select %eq3A_414, %broadcast_in_dim3A_415, %select_n3A_369 : vector<16xi1>, vector<16xf32>
        %mul3A_417 = arith.constant 16 : i32
        %mul3A_418 = arith.muli %scan3A_92, %mul3A_417 : i32
        %add3A_419 = arith.constant 6 : i32
        %add3A_420 = arith.addi %mul3A_418, %add3A_419 : i32
        %gt3A_421 = arith.cmpf ogt, %reduce_sum3A_411, %select_n3A_375 : f32
        %select_n3A_422 = arith.select %gt3A_421, %reduce_sum3A_411, %select_n3A_375 : f32
        %select_n3A_423 = arith.select %gt3A_421, %add3A_420, %select_n3A_376 : i32
        %mul3A_424 = arith.constant 2 : i32
        %mul3A_425 = arith.muli %mul3A_424, %scan3A_92 : i32
        %add3A_426 = arith.constant 0 : i32
        %add3A_427 = arith.addi %mul3A_425, %add3A_426 : i32
        %get3A_428 = arith.constant 7 : i32
        %get3A_429 = arith.index_cast %add3A_427 : i32 to index
        %get3A_430 = arith.index_cast %get3A_428 : i32 to index
        %get3A_431 = arith.constant 0 : index
        %get3A_432 = tpu.vector_load %arg6[%get3A_429, %get3A_430, %get3A_431] {strides = array<i32>} : memref<64x8x64xf32, #tpu.memory_space<vmem>>, vector<16xf32>,
        %get3A_433 = arith.constant 7 : i32
        %get3A_434 = arith.index_cast %add3A_427 : i32 to index
        %get3A_435 = arith.index_cast %get3A_433 : i32 to index
        %get3A_436 = arith.constant 16 : index
        %get3A_437 = tpu.vector_load %arg6[%get3A_434, %get3A_435, %get3A_436] {strides = array<i32>} : memref<64x8x64xf32, #tpu.memory_space<vmem>>, vector<16xf32>,
        %get3A_438 = arith.constant 7 : i32
        %get3A_439 = arith.index_cast %add3A_427 : i32 to index
        %get3A_440 = arith.index_cast %get3A_438 : i32 to index
        %get3A_441 = arith.constant 32 : index
        %get3A_442 = tpu.vector_load %arg6[%get3A_439, %get3A_440, %get3A_441] {strides = array<i32>} : memref<64x8x64xf32, #tpu.memory_space<vmem>>, vector<16xf32>,
        %get3A_443 = arith.constant 7 : i32
        %get3A_444 = arith.index_cast %add3A_427 : i32 to index
        %get3A_445 = arith.index_cast %get3A_443 : i32 to index
        %get3A_446 = arith.constant 48 : index
        %get3A_447 = tpu.vector_load %arg6[%get3A_444, %get3A_445, %get3A_446] {strides = array<i32>} : memref<64x8x64xf32, #tpu.memory_space<vmem>>, vector<16xf32>,
        %mul3A_448 = arith.mulf %get3A_432, %get3A_432 : vector<16xf32>
        %mul3A_449 = arith.mulf %get3A_437, %get3A_437 : vector<16xf32>
        %add3A_450 = arith.addf %mul3A_448, %mul3A_449 : vector<16xf32>
        %mul3A_451 = arith.mulf %get3A_442, %get3A_442 : vector<16xf32>
        %add3A_452 = arith.addf %add3A_450, %mul3A_451 : vector<16xf32>
        %mul3A_453 = arith.mulf %get3A_447, %get3A_447 : vector<16xf32>
        %add3A_454 = arith.addf %add3A_452, %mul3A_453 : vector<16xf32>
        %reduce_sum3A_455 = arith.constant true
        %reduce_sum3A_456 = vector.broadcast %reduce_sum3A_455 : i1 to vector<16xi1>
        %reduce_sum3A_457 = tpu.scan <sum>, %add3A_454 masked %reduce_sum3A_456 : vector<16xf32>, vector<16xi1> -> vector<16xf32>
        %reduce_sum3A_458 = vector.extract %reduce_sum3A_457[15] : f32 from vector<16xf32>
        %eq3A_459 = arith.constant 7 : i32
        %eq3A_460 = vector.broadcast %eq3A_459 : i32 to vector<16xi32>
        %eq3A_461 = arith.cmpi eq, %iota3A, %eq3A_460 : vector<16xi32>
        %broadcast_in_dim3A_462 = vector.broadcast %reduce_sum3A_458 : f32 to vector<16xf32>
        %select_n3A_463 = arith.select %eq3A_461, %broadcast_in_dim3A_462, %select_n3A_416 : vector<16xi1>, vector<16xf32>
        %mul3A_464 = arith.constant 16 : i32
        %mul3A_465 = arith.muli %scan3A_92, %mul3A_464 : i32
        %add3A_466 = arith.constant 7 : i32
        %add3A_467 = arith.addi %mul3A_465, %add3A_466 : i32
        %gt3A_468 = arith.cmpf ogt, %reduce_sum3A_458, %select_n3A_422 : f32
        %select_n3A_469 = arith.select %gt3A_468, %reduce_sum3A_458, %select_n3A_422 : f32
        %select_n3A_470 = arith.select %gt3A_468, %add3A_467, %select_n3A_423 : i32
        %mul3A_471 = arith.constant 2 : i32
        %mul3A_472 = arith.muli %mul3A_471, %scan3A_92 : i32
        %add3A_473 = arith.constant 1 : i32
        %add3A_474 = arith.addi %mul3A_472, %add3A_473 : i32
        %get3A_475 = arith.constant 0 : i32
        %get3A_476 = arith.index_cast %add3A_474 : i32 to index
        %get3A_477 = arith.index_cast %get3A_475 : i32 to index
        %get3A_478 = arith.constant 0 : index
        %get3A_479 = tpu.vector_load %arg6[%get3A_476, %get3A_477, %get3A_478] {strides = array<i32>} : memref<64x8x64xf32, #tpu.memory_space<vmem>>, vector<16xf32>,
        %get3A_480 = arith.constant 0 : i32
        %get3A_481 = arith.index_cast %add3A_474 : i32 to index
        %get3A_482 = arith.index_cast %get3A_480 : i32 to index
        %get3A_483 = arith.constant 16 : index
        %get3A_484 = tpu.vector_load %arg6[%get3A_481, %get3A_482, %get3A_483] {strides = array<i32>} : memref<64x8x64xf32, #tpu.memory_space<vmem>>, vector<16xf32>,
        %get3A_485 = arith.constant 0 : i32
        %get3A_486 = arith.index_cast %add3A_474 : i32 to index
        %get3A_487 = arith.index_cast %get3A_485 : i32 to index
        %get3A_488 = arith.constant 32 : index
        %get3A_489 = tpu.vector_load %arg6[%get3A_486, %get3A_487, %get3A_488] {strides = array<i32>} : memref<64x8x64xf32, #tpu.memory_space<vmem>>, vector<16xf32>,
        %get3A_490 = arith.constant 0 : i32
        %get3A_491 = arith.index_cast %add3A_474 : i32 to index
        %get3A_492 = arith.index_cast %get3A_490 : i32 to index
        %get3A_493 = arith.constant 48 : index
        %get3A_494 = tpu.vector_load %arg6[%get3A_491, %get3A_492, %get3A_493] {strides = array<i32>} : memref<64x8x64xf32, #tpu.memory_space<vmem>>, vector<16xf32>,
        %mul3A_495 = arith.mulf %get3A_479, %get3A_479 : vector<16xf32>
        %mul3A_496 = arith.mulf %get3A_484, %get3A_484 : vector<16xf32>
        %add3A_497 = arith.addf %mul3A_495, %mul3A_496 : vector<16xf32>
        %mul3A_498 = arith.mulf %get3A_489, %get3A_489 : vector<16xf32>
        %add3A_499 = arith.addf %add3A_497, %mul3A_498 : vector<16xf32>
        %mul3A_500 = arith.mulf %get3A_494, %get3A_494 : vector<16xf32>
        %add3A_501 = arith.addf %add3A_499, %mul3A_500 : vector<16xf32>
        %reduce_sum3A_502 = arith.constant true
        %reduce_sum3A_503 = vector.broadcast %reduce_sum3A_502 : i1 to vector<16xi1>
        %reduce_sum3A_504 = tpu.scan <sum>, %add3A_501 masked %reduce_sum3A_503 : vector<16xf32>, vector<16xi1> -> vector<16xf32>
        %reduce_sum3A_505 = vector.extract %reduce_sum3A_504[15] : f32 from vector<16xf32>
        %eq3A_506 = arith.constant 8 : i32
        %eq3A_507 = vector.broadcast %eq3A_506 : i32 to vector<16xi32>
        %eq3A_508 = arith.cmpi eq, %iota3A, %eq3A_507 : vector<16xi32>
        %broadcast_in_dim3A_509 = vector.broadcast %reduce_sum3A_505 : f32 to vector<16xf32>
        %select_n3A_510 = arith.select %eq3A_508, %broadcast_in_dim3A_509, %select_n3A_463 : vector<16xi1>, vector<16xf32>
        %mul3A_511 = arith.constant 16 : i32
        %mul3A_512 = arith.muli %scan3A_92, %mul3A_511 : i32
        %add3A_513 = arith.constant 8 : i32
        %add3A_514 = arith.addi %mul3A_512, %add3A_513 : i32
        %gt3A_515 = arith.cmpf ogt, %reduce_sum3A_505, %select_n3A_469 : f32
        %select_n3A_516 = arith.select %gt3A_515, %reduce_sum3A_505, %select_n3A_469 : f32
        %select_n3A_517 = arith.select %gt3A_515, %add3A_514, %select_n3A_470 : i32
        %mul3A_518 = arith.constant 2 : i32
        %mul3A_519 = arith.muli %mul3A_518, %scan3A_92 : i32
        %add3A_520 = arith.constant 1 : i32
        %add3A_521 = arith.addi %mul3A_519, %add3A_520 : i32
        %get3A_522 = arith.constant 1 : i32
        %get3A_523 = arith.index_cast %add3A_521 : i32 to index
        %get3A_524 = arith.index_cast %get3A_522 : i32 to index
        %get3A_525 = arith.constant 0 : index
        %get3A_526 = tpu.vector_load %arg6[%get3A_523, %get3A_524, %get3A_525] {strides = array<i32>} : memref<64x8x64xf32, #tpu.memory_space<vmem>>, vector<16xf32>,
        %get3A_527 = arith.constant 1 : i32
        %get3A_528 = arith.index_cast %add3A_521 : i32 to index
        %get3A_529 = arith.index_cast %get3A_527 : i32 to index
        %get3A_530 = arith.constant 16 : index
        %get3A_531 = tpu.vector_load %arg6[%get3A_528, %get3A_529, %get3A_530] {strides = array<i32>} : memref<64x8x64xf32, #tpu.memory_space<vmem>>, vector<16xf32>,
        %get3A_532 = arith.constant 1 : i32
        %get3A_533 = arith.index_cast %add3A_521 : i32 to index
        %get3A_534 = arith.index_cast %get3A_532 : i32 to index
        %get3A_535 = arith.constant 32 : index
        %get3A_536 = tpu.vector_load %arg6[%get3A_533, %get3A_534, %get3A_535] {strides = array<i32>} : memref<64x8x64xf32, #tpu.memory_space<vmem>>, vector<16xf32>,
        %get3A_537 = arith.constant 1 : i32
        %get3A_538 = arith.index_cast %add3A_521 : i32 to index
        %get3A_539 = arith.index_cast %get3A_537 : i32 to index
        %get3A_540 = arith.constant 48 : index
        %get3A_541 = tpu.vector_load %arg6[%get3A_538, %get3A_539, %get3A_540] {strides = array<i32>} : memref<64x8x64xf32, #tpu.memory_space<vmem>>, vector<16xf32>,
        %mul3A_542 = arith.mulf %get3A_526, %get3A_526 : vector<16xf32>
        %mul3A_543 = arith.mulf %get3A_531, %get3A_531 : vector<16xf32>
        %add3A_544 = arith.addf %mul3A_542, %mul3A_543 : vector<16xf32>
        %mul3A_545 = arith.mulf %get3A_536, %get3A_536 : vector<16xf32>
        %add3A_546 = arith.addf %add3A_544, %mul3A_545 : vector<16xf32>
        %mul3A_547 = arith.mulf %get3A_541, %get3A_541 : vector<16xf32>
        %add3A_548 = arith.addf %add3A_546, %mul3A_547 : vector<16xf32>
        %reduce_sum3A_549 = arith.constant true
        %reduce_sum3A_550 = vector.broadcast %reduce_sum3A_549 : i1 to vector<16xi1>
        %reduce_sum3A_551 = tpu.scan <sum>, %add3A_548 masked %reduce_sum3A_550 : vector<16xf32>, vector<16xi1> -> vector<16xf32>
        %reduce_sum3A_552 = vector.extract %reduce_sum3A_551[15] : f32 from vector<16xf32>
        %eq3A_553 = arith.constant 9 : i32
        %eq3A_554 = vector.broadcast %eq3A_553 : i32 to vector<16xi32>
        %eq3A_555 = arith.cmpi eq, %iota3A, %eq3A_554 : vector<16xi32>
        %broadcast_in_dim3A_556 = vector.broadcast %reduce_sum3A_552 : f32 to vector<16xf32>
        %select_n3A_557 = arith.select %eq3A_555, %broadcast_in_dim3A_556, %select_n3A_510 : vector<16xi1>, vector<16xf32>
        %mul3A_558 = arith.constant 16 : i32
        %mul3A_559 = arith.muli %scan3A_92, %mul3A_558 : i32
        %add3A_560 = arith.constant 9 : i32
        %add3A_561 = arith.addi %mul3A_559, %add3A_560 : i32
        %gt3A_562 = arith.cmpf ogt, %reduce_sum3A_552, %select_n3A_516 : f32
        %select_n3A_563 = arith.select %gt3A_562, %reduce_sum3A_552, %select_n3A_516 : f32
        %select_n3A_564 = arith.select %gt3A_562, %add3A_561, %select_n3A_517 : i32
        %mul3A_565 = arith.constant 2 : i32
        %mul3A_566 = arith.muli %mul3A_565, %scan3A_92 : i32
        %add3A_567 = arith.constant 1 : i32
        %add3A_568 = arith.addi %mul3A_566, %add3A_567 : i32
        %get3A_569 = arith.constant 2 : i32
        %get3A_570 = arith.index_cast %add3A_568 : i32 to index
        %get3A_571 = arith.index_cast %get3A_569 : i32 to index
        %get3A_572 = arith.constant 0 : index
        %get3A_573 = tpu.vector_load %arg6[%get3A_570, %get3A_571, %get3A_572] {strides = array<i32>} : memref<64x8x64xf32, #tpu.memory_space<vmem>>, vector<16xf32>,
        %get3A_574 = arith.constant 2 : i32
        %get3A_575 = arith.index_cast %add3A_568 : i32 to index
        %get3A_576 = arith.index_cast %get3A_574 : i32 to index
        %get3A_577 = arith.constant 16 : index
        %get3A_578 = tpu.vector_load %arg6[%get3A_575, %get3A_576, %get3A_577] {strides = array<i32>} : memref<64x8x64xf32, #tpu.memory_space<vmem>>, vector<16xf32>,
        %get3A_579 = arith.constant 2 : i32
        %get3A_580 = arith.index_cast %add3A_568 : i32 to index
        %get3A_581 = arith.index_cast %get3A_579 : i32 to index
        %get3A_582 = arith.constant 32 : index
        %get3A_583 = tpu.vector_load %arg6[%get3A_580, %get3A_581, %get3A_582] {strides = array<i32>} : memref<64x8x64xf32, #tpu.memory_space<vmem>>, vector<16xf32>,
        %get3A_584 = arith.constant 2 : i32
        %get3A_585 = arith.index_cast %add3A_568 : i32 to index
        %get3A_586 = arith.index_cast %get3A_584 : i32 to index
        %get3A_587 = arith.constant 48 : index
        %get3A_588 = tpu.vector_load %arg6[%get3A_585, %get3A_586, %get3A_587] {strides = array<i32>} : memref<64x8x64xf32, #tpu.memory_space<vmem>>, vector<16xf32>,
        %mul3A_589 = arith.mulf %get3A_573, %get3A_573 : vector<16xf32>
        %mul3A_590 = arith.mulf %get3A_578, %get3A_578 : vector<16xf32>
        %add3A_591 = arith.addf %mul3A_589, %mul3A_590 : vector<16xf32>
        %mul3A_592 = arith.mulf %get3A_583, %get3A_583 : vector<16xf32>
        %add3A_593 = arith.addf %add3A_591, %mul3A_592 : vector<16xf32>
        %mul3A_594 = arith.mulf %get3A_588, %get3A_588 : vector<16xf32>
        %add3A_595 = arith.addf %add3A_593, %mul3A_594 : vector<16xf32>
        %reduce_sum3A_596 = arith.constant true
        %reduce_sum3A_597 = vector.broadcast %reduce_sum3A_596 : i1 to vector<16xi1>
        %reduce_sum3A_598 = tpu.scan <sum>, %add3A_595 masked %reduce_sum3A_597 : vector<16xf32>, vector<16xi1> -> vector<16xf32>
        %reduce_sum3A_599 = vector.extract %reduce_sum3A_598[15] : f32 from vector<16xf32>
        %eq3A_600 = arith.constant 10 : i32
        %eq3A_601 = vector.broadcast %eq3A_600 : i32 to vector<16xi32>
        %eq3A_602 = arith.cmpi eq, %iota3A, %eq3A_601 : vector<16xi32>
        %broadcast_in_dim3A_603 = vector.broadcast %reduce_sum3A_599 : f32 to vector<16xf32>
        %select_n3A_604 = arith.select %eq3A_602, %broadcast_in_dim3A_603, %select_n3A_557 : vector<16xi1>, vector<16xf32>
        %mul3A_605 = arith.constant 16 : i32
        %mul3A_606 = arith.muli %scan3A_92, %mul3A_605 : i32
        %add3A_607 = arith.constant 10 : i32
        %add3A_608 = arith.addi %mul3A_606, %add3A_607 : i32
        %gt3A_609 = arith.cmpf ogt, %reduce_sum3A_599, %select_n3A_563 : f32
        %select_n3A_610 = arith.select %gt3A_609, %reduce_sum3A_599, %select_n3A_563 : f32
        %select_n3A_611 = arith.select %gt3A_609, %add3A_608, %select_n3A_564 : i32
        %mul3A_612 = arith.constant 2 : i32
        %mul3A_613 = arith.muli %mul3A_612, %scan3A_92 : i32
        %add3A_614 = arith.constant 1 : i32
        %add3A_615 = arith.addi %mul3A_613, %add3A_614 : i32
        %get3A_616 = arith.constant 3 : i32
        %get3A_617 = arith.index_cast %add3A_615 : i32 to index
        %get3A_618 = arith.index_cast %get3A_616 : i32 to index
        %get3A_619 = arith.constant 0 : index
        %get3A_620 = tpu.vector_load %arg6[%get3A_617, %get3A_618, %get3A_619] {strides = array<i32>} : memref<64x8x64xf32, #tpu.memory_space<vmem>>, vector<16xf32>,
        %get3A_621 = arith.constant 3 : i32
        %get3A_622 = arith.index_cast %add3A_615 : i32 to index
        %get3A_623 = arith.index_cast %get3A_621 : i32 to index
        %get3A_624 = arith.constant 16 : index
        %get3A_625 = tpu.vector_load %arg6[%get3A_622, %get3A_623, %get3A_624] {strides = array<i32>} : memref<64x8x64xf32, #tpu.memory_space<vmem>>, vector<16xf32>,
        %get3A_626 = arith.constant 3 : i32
        %get3A_627 = arith.index_cast %add3A_615 : i32 to index
        %get3A_628 = arith.index_cast %get3A_626 : i32 to index
        %get3A_629 = arith.constant 32 : index
        %get3A_630 = tpu.vector_load %arg6[%get3A_627, %get3A_628, %get3A_629] {strides = array<i32>} : memref<64x8x64xf32, #tpu.memory_space<vmem>>, vector<16xf32>,
        %get3A_631 = arith.constant 3 : i32
        %get3A_632 = arith.index_cast %add3A_615 : i32 to index
        %get3A_633 = arith.index_cast %get3A_631 : i32 to index
        %get3A_634 = arith.constant 48 : index
        %get3A_635 = tpu.vector_load %arg6[%get3A_632, %get3A_633, %get3A_634] {strides = array<i32>} : memref<64x8x64xf32, #tpu.memory_space<vmem>>, vector<16xf32>,
        %mul3A_636 = arith.mulf %get3A_620, %get3A_620 : vector<16xf32>
        %mul3A_637 = arith.mulf %get3A_625, %get3A_625 : vector<16xf32>
        %add3A_638 = arith.addf %mul3A_636, %mul3A_637 : vector<16xf32>
        %mul3A_639 = arith.mulf %get3A_630, %get3A_630 : vector<16xf32>
        %add3A_640 = arith.addf %add3A_638, %mul3A_639 : vector<16xf32>
        %mul3A_641 = arith.mulf %get3A_635, %get3A_635 : vector<16xf32>
        %add3A_642 = arith.addf %add3A_640, %mul3A_641 : vector<16xf32>
        %reduce_sum3A_643 = arith.constant true
        %reduce_sum3A_644 = vector.broadcast %reduce_sum3A_643 : i1 to vector<16xi1>
        %reduce_sum3A_645 = tpu.scan <sum>, %add3A_642 masked %reduce_sum3A_644 : vector<16xf32>, vector<16xi1> -> vector<16xf32>
        %reduce_sum3A_646 = vector.extract %reduce_sum3A_645[15] : f32 from vector<16xf32>
        %eq3A_647 = arith.constant 11 : i32
        %eq3A_648 = vector.broadcast %eq3A_647 : i32 to vector<16xi32>
        %eq3A_649 = arith.cmpi eq, %iota3A, %eq3A_648 : vector<16xi32>
        %broadcast_in_dim3A_650 = vector.broadcast %reduce_sum3A_646 : f32 to vector<16xf32>
        %select_n3A_651 = arith.select %eq3A_649, %broadcast_in_dim3A_650, %select_n3A_604 : vector<16xi1>, vector<16xf32>
        %mul3A_652 = arith.constant 16 : i32
        %mul3A_653 = arith.muli %scan3A_92, %mul3A_652 : i32
        %add3A_654 = arith.constant 11 : i32
        %add3A_655 = arith.addi %mul3A_653, %add3A_654 : i32
        %gt3A_656 = arith.cmpf ogt, %reduce_sum3A_646, %select_n3A_610 : f32
        %select_n3A_657 = arith.select %gt3A_656, %reduce_sum3A_646, %select_n3A_610 : f32
        %select_n3A_658 = arith.select %gt3A_656, %add3A_655, %select_n3A_611 : i32
        %mul3A_659 = arith.constant 2 : i32
        %mul3A_660 = arith.muli %mul3A_659, %scan3A_92 : i32
        %add3A_661 = arith.constant 1 : i32
        %add3A_662 = arith.addi %mul3A_660, %add3A_661 : i32
        %get3A_663 = arith.constant 4 : i32
        %get3A_664 = arith.index_cast %add3A_662 : i32 to index
        %get3A_665 = arith.index_cast %get3A_663 : i32 to index
        %get3A_666 = arith.constant 0 : index
        %get3A_667 = tpu.vector_load %arg6[%get3A_664, %get3A_665, %get3A_666] {strides = array<i32>} : memref<64x8x64xf32, #tpu.memory_space<vmem>>, vector<16xf32>,
        %get3A_668 = arith.constant 4 : i32
        %get3A_669 = arith.index_cast %add3A_662 : i32 to index
        %get3A_670 = arith.index_cast %get3A_668 : i32 to index
        %get3A_671 = arith.constant 16 : index
        %get3A_672 = tpu.vector_load %arg6[%get3A_669, %get3A_670, %get3A_671] {strides = array<i32>} : memref<64x8x64xf32, #tpu.memory_space<vmem>>, vector<16xf32>,
        %get3A_673 = arith.constant 4 : i32
        %get3A_674 = arith.index_cast %add3A_662 : i32 to index
        %get3A_675 = arith.index_cast %get3A_673 : i32 to index
        %get3A_676 = arith.constant 32 : index
        %get3A_677 = tpu.vector_load %arg6[%get3A_674, %get3A_675, %get3A_676] {strides = array<i32>} : memref<64x8x64xf32, #tpu.memory_space<vmem>>, vector<16xf32>,
        %get3A_678 = arith.constant 4 : i32
        %get3A_679 = arith.index_cast %add3A_662 : i32 to index
        %get3A_680 = arith.index_cast %get3A_678 : i32 to index
        %get3A_681 = arith.constant 48 : index
        %get3A_682 = tpu.vector_load %arg6[%get3A_679, %get3A_680, %get3A_681] {strides = array<i32>} : memref<64x8x64xf32, #tpu.memory_space<vmem>>, vector<16xf32>,
        %mul3A_683 = arith.mulf %get3A_667, %get3A_667 : vector<16xf32>
        %mul3A_684 = arith.mulf %get3A_672, %get3A_672 : vector<16xf32>
        %add3A_685 = arith.addf %mul3A_683, %mul3A_684 : vector<16xf32>
        %mul3A_686 = arith.mulf %get3A_677, %get3A_677 : vector<16xf32>
        %add3A_687 = arith.addf %add3A_685, %mul3A_686 : vector<16xf32>
        %mul3A_688 = arith.mulf %get3A_682, %get3A_682 : vector<16xf32>
        %add3A_689 = arith.addf %add3A_687, %mul3A_688 : vector<16xf32>
        %reduce_sum3A_690 = arith.constant true
        %reduce_sum3A_691 = vector.broadcast %reduce_sum3A_690 : i1 to vector<16xi1>
        %reduce_sum3A_692 = tpu.scan <sum>, %add3A_689 masked %reduce_sum3A_691 : vector<16xf32>, vector<16xi1> -> vector<16xf32>
        %reduce_sum3A_693 = vector.extract %reduce_sum3A_692[15] : f32 from vector<16xf32>
        %eq3A_694 = arith.constant 12 : i32
        %eq3A_695 = vector.broadcast %eq3A_694 : i32 to vector<16xi32>
        %eq3A_696 = arith.cmpi eq, %iota3A, %eq3A_695 : vector<16xi32>
        %broadcast_in_dim3A_697 = vector.broadcast %reduce_sum3A_693 : f32 to vector<16xf32>
        %select_n3A_698 = arith.select %eq3A_696, %broadcast_in_dim3A_697, %select_n3A_651 : vector<16xi1>, vector<16xf32>
        %mul3A_699 = arith.constant 16 : i32
        %mul3A_700 = arith.muli %scan3A_92, %mul3A_699 : i32
        %add3A_701 = arith.constant 12 : i32
        %add3A_702 = arith.addi %mul3A_700, %add3A_701 : i32
        %gt3A_703 = arith.cmpf ogt, %reduce_sum3A_693, %select_n3A_657 : f32
        %select_n3A_704 = arith.select %gt3A_703, %reduce_sum3A_693, %select_n3A_657 : f32
        %select_n3A_705 = arith.select %gt3A_703, %add3A_702, %select_n3A_658 : i32
        %mul3A_706 = arith.constant 2 : i32
        %mul3A_707 = arith.muli %mul3A_706, %scan3A_92 : i32
        %add3A_708 = arith.constant 1 : i32
        %add3A_709 = arith.addi %mul3A_707, %add3A_708 : i32
        %get3A_710 = arith.constant 5 : i32
        %get3A_711 = arith.index_cast %add3A_709 : i32 to index
        %get3A_712 = arith.index_cast %get3A_710 : i32 to index
        %get3A_713 = arith.constant 0 : index
        %get3A_714 = tpu.vector_load %arg6[%get3A_711, %get3A_712, %get3A_713] {strides = array<i32>} : memref<64x8x64xf32, #tpu.memory_space<vmem>>, vector<16xf32>,
        %get3A_715 = arith.constant 5 : i32
        %get3A_716 = arith.index_cast %add3A_709 : i32 to index
        %get3A_717 = arith.index_cast %get3A_715 : i32 to index
        %get3A_718 = arith.constant 16 : index
        %get3A_719 = tpu.vector_load %arg6[%get3A_716, %get3A_717, %get3A_718] {strides = array<i32>} : memref<64x8x64xf32, #tpu.memory_space<vmem>>, vector<16xf32>,
        %get3A_720 = arith.constant 5 : i32
        %get3A_721 = arith.index_cast %add3A_709 : i32 to index
        %get3A_722 = arith.index_cast %get3A_720 : i32 to index
        %get3A_723 = arith.constant 32 : index
        %get3A_724 = tpu.vector_load %arg6[%get3A_721, %get3A_722, %get3A_723] {strides = array<i32>} : memref<64x8x64xf32, #tpu.memory_space<vmem>>, vector<16xf32>,
        %get3A_725 = arith.constant 5 : i32
        %get3A_726 = arith.index_cast %add3A_709 : i32 to index
        %get3A_727 = arith.index_cast %get3A_725 : i32 to index
        %get3A_728 = arith.constant 48 : index
        %get3A_729 = tpu.vector_load %arg6[%get3A_726, %get3A_727, %get3A_728] {strides = array<i32>} : memref<64x8x64xf32, #tpu.memory_space<vmem>>, vector<16xf32>,
        %mul3A_730 = arith.mulf %get3A_714, %get3A_714 : vector<16xf32>
        %mul3A_731 = arith.mulf %get3A_719, %get3A_719 : vector<16xf32>
        %add3A_732 = arith.addf %mul3A_730, %mul3A_731 : vector<16xf32>
        %mul3A_733 = arith.mulf %get3A_724, %get3A_724 : vector<16xf32>
        %add3A_734 = arith.addf %add3A_732, %mul3A_733 : vector<16xf32>
        %mul3A_735 = arith.mulf %get3A_729, %get3A_729 : vector<16xf32>
        %add3A_736 = arith.addf %add3A_734, %mul3A_735 : vector<16xf32>
        %reduce_sum3A_737 = arith.constant true
        %reduce_sum3A_738 = vector.broadcast %reduce_sum3A_737 : i1 to vector<16xi1>
        %reduce_sum3A_739 = tpu.scan <sum>, %add3A_736 masked %reduce_sum3A_738 : vector<16xf32>, vector<16xi1> -> vector<16xf32>
        %reduce_sum3A_740 = vector.extract %reduce_sum3A_739[15] : f32 from vector<16xf32>
        %eq3A_741 = arith.constant 13 : i32
        %eq3A_742 = vector.broadcast %eq3A_741 : i32 to vector<16xi32>
        %eq3A_743 = arith.cmpi eq, %iota3A, %eq3A_742 : vector<16xi32>
        %broadcast_in_dim3A_744 = vector.broadcast %reduce_sum3A_740 : f32 to vector<16xf32>
        %select_n3A_745 = arith.select %eq3A_743, %broadcast_in_dim3A_744, %select_n3A_698 : vector<16xi1>, vector<16xf32>
        %mul3A_746 = arith.constant 16 : i32
        %mul3A_747 = arith.muli %scan3A_92, %mul3A_746 : i32
        %add3A_748 = arith.constant 13 : i32
        %add3A_749 = arith.addi %mul3A_747, %add3A_748 : i32
        %gt3A_750 = arith.cmpf ogt, %reduce_sum3A_740, %select_n3A_704 : f32
        %select_n3A_751 = arith.select %gt3A_750, %reduce_sum3A_740, %select_n3A_704 : f32
        %select_n3A_752 = arith.select %gt3A_750, %add3A_749, %select_n3A_705 : i32
        %mul3A_753 = arith.constant 2 : i32
        %mul3A_754 = arith.muli %mul3A_753, %scan3A_92 : i32
        %add3A_755 = arith.constant 1 : i32
        %add3A_756 = arith.addi %mul3A_754, %add3A_755 : i32
        %get3A_757 = arith.constant 6 : i32
        %get3A_758 = arith.index_cast %add3A_756 : i32 to index
        %get3A_759 = arith.index_cast %get3A_757 : i32 to index
        %get3A_760 = arith.constant 0 : index
        %get3A_761 = tpu.vector_load %arg6[%get3A_758, %get3A_759, %get3A_760] {strides = array<i32>} : memref<64x8x64xf32, #tpu.memory_space<vmem>>, vector<16xf32>,
        %get3A_762 = arith.constant 6 : i32
        %get3A_763 = arith.index_cast %add3A_756 : i32 to index
        %get3A_764 = arith.index_cast %get3A_762 : i32 to index
        %get3A_765 = arith.constant 16 : index
        %get3A_766 = tpu.vector_load %arg6[%get3A_763, %get3A_764, %get3A_765] {strides = array<i32>} : memref<64x8x64xf32, #tpu.memory_space<vmem>>, vector<16xf32>,
        %get3A_767 = arith.constant 6 : i32
        %get3A_768 = arith.index_cast %add3A_756 : i32 to index
        %get3A_769 = arith.index_cast %get3A_767 : i32 to index
        %get3A_770 = arith.constant 32 : index
        %get3A_771 = tpu.vector_load %arg6[%get3A_768, %get3A_769, %get3A_770] {strides = array<i32>} : memref<64x8x64xf32, #tpu.memory_space<vmem>>, vector<16xf32>,
        %get3A_772 = arith.constant 6 : i32
        %get3A_773 = arith.index_cast %add3A_756 : i32 to index
        %get3A_774 = arith.index_cast %get3A_772 : i32 to index
        %get3A_775 = arith.constant 48 : index
        %get3A_776 = tpu.vector_load %arg6[%get3A_773, %get3A_774, %get3A_775] {strides = array<i32>} : memref<64x8x64xf32, #tpu.memory_space<vmem>>, vector<16xf32>,
        %mul3A_777 = arith.mulf %get3A_761, %get3A_761 : vector<16xf32>
        %mul3A_778 = arith.mulf %get3A_766, %get3A_766 : vector<16xf32>
        %add3A_779 = arith.addf %mul3A_777, %mul3A_778 : vector<16xf32>
        %mul3A_780 = arith.mulf %get3A_771, %get3A_771 : vector<16xf32>
        %add3A_781 = arith.addf %add3A_779, %mul3A_780 : vector<16xf32>
        %mul3A_782 = arith.mulf %get3A_776, %get3A_776 : vector<16xf32>
        %add3A_783 = arith.addf %add3A_781, %mul3A_782 : vector<16xf32>
        %reduce_sum3A_784 = arith.constant true
        %reduce_sum3A_785 = vector.broadcast %reduce_sum3A_784 : i1 to vector<16xi1>
        %reduce_sum3A_786 = tpu.scan <sum>, %add3A_783 masked %reduce_sum3A_785 : vector<16xf32>, vector<16xi1> -> vector<16xf32>
        %reduce_sum3A_787 = vector.extract %reduce_sum3A_786[15] : f32 from vector<16xf32>
        %eq3A_788 = arith.constant 14 : i32
        %eq3A_789 = vector.broadcast %eq3A_788 : i32 to vector<16xi32>
        %eq3A_790 = arith.cmpi eq, %iota3A, %eq3A_789 : vector<16xi32>
        %broadcast_in_dim3A_791 = vector.broadcast %reduce_sum3A_787 : f32 to vector<16xf32>
        %select_n3A_792 = arith.select %eq3A_790, %broadcast_in_dim3A_791, %select_n3A_745 : vector<16xi1>, vector<16xf32>
        %mul3A_793 = arith.constant 16 : i32
        %mul3A_794 = arith.muli %scan3A_92, %mul3A_793 : i32
        %add3A_795 = arith.constant 14 : i32
        %add3A_796 = arith.addi %mul3A_794, %add3A_795 : i32
        %gt3A_797 = arith.cmpf ogt, %reduce_sum3A_787, %select_n3A_751 : f32
        %select_n3A_798 = arith.select %gt3A_797, %reduce_sum3A_787, %select_n3A_751 : f32
        %select_n3A_799 = arith.select %gt3A_797, %add3A_796, %select_n3A_752 : i32
        %mul3A_800 = arith.constant 2 : i32
        %mul3A_801 = arith.muli %mul3A_800, %scan3A_92 : i32
        %add3A_802 = arith.constant 1 : i32
        %add3A_803 = arith.addi %mul3A_801, %add3A_802 : i32
        %get3A_804 = arith.constant 7 : i32
        %get3A_805 = arith.index_cast %add3A_803 : i32 to index
        %get3A_806 = arith.index_cast %get3A_804 : i32 to index
        %get3A_807 = arith.constant 0 : index
        %get3A_808 = tpu.vector_load %arg6[%get3A_805, %get3A_806, %get3A_807] {strides = array<i32>} : memref<64x8x64xf32, #tpu.memory_space<vmem>>, vector<16xf32>,
        %get3A_809 = arith.constant 7 : i32
        %get3A_810 = arith.index_cast %add3A_803 : i32 to index
        %get3A_811 = arith.index_cast %get3A_809 : i32 to index
        %get3A_812 = arith.constant 16 : index
        %get3A_813 = tpu.vector_load %arg6[%get3A_810, %get3A_811, %get3A_812] {strides = array<i32>} : memref<64x8x64xf32, #tpu.memory_space<vmem>>, vector<16xf32>,
        %get3A_814 = arith.constant 7 : i32
        %get3A_815 = arith.index_cast %add3A_803 : i32 to index
        %get3A_816 = arith.index_cast %get3A_814 : i32 to index
        %get3A_817 = arith.constant 32 : index
        %get3A_818 = tpu.vector_load %arg6[%get3A_815, %get3A_816, %get3A_817] {strides = array<i32>} : memref<64x8x64xf32, #tpu.memory_space<vmem>>, vector<16xf32>,
        %get3A_819 = arith.constant 7 : i32
        %get3A_820 = arith.index_cast %add3A_803 : i32 to index
        %get3A_821 = arith.index_cast %get3A_819 : i32 to index
        %get3A_822 = arith.constant 48 : index
        %get3A_823 = tpu.vector_load %arg6[%get3A_820, %get3A_821, %get3A_822] {strides = array<i32>} : memref<64x8x64xf32, #tpu.memory_space<vmem>>, vector<16xf32>,
        %mul3A_824 = arith.mulf %get3A_808, %get3A_808 : vector<16xf32>
        %mul3A_825 = arith.mulf %get3A_813, %get3A_813 : vector<16xf32>
        %add3A_826 = arith.addf %mul3A_824, %mul3A_825 : vector<16xf32>
        %mul3A_827 = arith.mulf %get3A_818, %get3A_818 : vector<16xf32>
        %add3A_828 = arith.addf %add3A_826, %mul3A_827 : vector<16xf32>
        %mul3A_829 = arith.mulf %get3A_823, %get3A_823 : vector<16xf32>
        %add3A_830 = arith.addf %add3A_828, %mul3A_829 : vector<16xf32>
        %reduce_sum3A_831 = arith.constant true
        %reduce_sum3A_832 = vector.broadcast %reduce_sum3A_831 : i1 to vector<16xi1>
        %reduce_sum3A_833 = tpu.scan <sum>, %add3A_830 masked %reduce_sum3A_832 : vector<16xf32>, vector<16xi1> -> vector<16xf32>
        %reduce_sum3A_834 = vector.extract %reduce_sum3A_833[15] : f32 from vector<16xf32>
        %eq3A_835 = arith.constant 15 : i32
        %eq3A_836 = vector.broadcast %eq3A_835 : i32 to vector<16xi32>
        %eq3A_837 = arith.cmpi eq, %iota3A, %eq3A_836 : vector<16xi32>
        %broadcast_in_dim3A_838 = vector.broadcast %reduce_sum3A_834 : f32 to vector<16xf32>
        %select_n3A_839 = arith.select %eq3A_837, %broadcast_in_dim3A_838, %select_n3A_792 : vector<16xi1>, vector<16xf32>
        %mul3A_840 = arith.constant 16 : i32
        %mul3A_841 = arith.muli %scan3A_92, %mul3A_840 : i32
        %add3A_842 = arith.constant 15 : i32
        %add3A_843 = arith.addi %mul3A_841, %add3A_842 : i32
        %gt3A_844 = arith.cmpf ogt, %reduce_sum3A_834, %select_n3A_798 : f32
        %select_n3A_845 = arith.select %gt3A_844, %reduce_sum3A_834, %select_n3A_798 : f32
        %select_n3A_846 = arith.select %gt3A_844, %add3A_843, %select_n3A_799 : i32
        %mul3A_847 = arith.constant 16 : i32
        %mul3A_848 = arith.muli %scan3A_92, %mul3A_847 : i32
        %swap3A_849 = arith.index_cast %mul3A_848 : i32 to index
        %swap3A_850 = tpu.vector_load %arg7[%swap3A_849] {strides = array<i32>} : memref<512xf32, #tpu.memory_space<vmem>>, vector<16xf32>,
        tpu.vector_store %arg7[%swap3A_849], %select_n3A_839 {strides = array<i32>} : memref<512xf32, #tpu.memory_space<vmem>>, vector<16xf32>,
        scf.yield %select_n3A_845, %select_n3A_846 : f32, i32
      }
      %scan3A_34 = arith.constant 32 : i32
      %mul3A_35 = arith.constant 512 : i32
      %mul3A_36 = arith.muli %add3A_26, %mul3A_35 : i32
      "tpu.region"() ({
        %run_scoped3A = tpu.sem_alloc : memref<!tpu.dma_semaphore, #tpu.memory_space<semaphore_mem>>
        %dma_start3A = tpu.memref_slice %arg3[%mul3A_36] : memref<524288xf32, #tpu.memory_space<hbm>> -> memref<512xf32, #tpu.memory_space<hbm>>
        %dma_start3A_92 = tpu.memref_slice %arg3[%mul3A_36] : memref<524288xf32, #tpu.memory_space<hbm>> -> memref<512xf32, #tpu.memory_space<hbm>>
        tpu.enqueue_dma source(%arg7 : memref<512xf32, #tpu.memory_space<vmem>>) target(%dma_start3A_92 : memref<512xf32, #tpu.memory_space<hbm>>) target_semaphore(%run_scoped3A : memref<!tpu.dma_semaphore, #tpu.memory_space<semaphore_mem>>)
        %dma_wait3A = tpu.memref_slice %arg3[%mul3A_36] : memref<524288xf32, #tpu.memory_space<hbm>> -> memref<512xf32, #tpu.memory_space<hbm>>
        %dma_wait3A_93 = tpu.memref_slice %arg3[%mul3A_36] : memref<524288xf32, #tpu.memory_space<hbm>> -> memref<512xf32, #tpu.memory_space<hbm>>
        tpu.wait_dma2 semaphore(%run_scoped3A : memref<!tpu.dma_semaphore, #tpu.memory_space<semaphore_mem>>) src(%arg7 : memref<512xf32, #tpu.memory_space<vmem>>) dst(%dma_wait3A_93 : memref<512xf32, #tpu.memory_space<hbm>>)
        tpu.yield
      }) : () -> ()
      %shift_right_arithmetic3A = arith.constant 3 : i32
      %shift_right_arithmetic3A_37 = arith.shrsi %scan3A_33#1, %shift_right_arithmetic3A : i32
      %and3A = arith.constant 7 : i32
      %and3A_38 = arith.andi %scan3A_33#1, %and3A : i32
      %get3A = arith.index_cast %shift_right_arithmetic3A_37 : i32 to index
      %get3A_39 = arith.index_cast %and3A_38 : i32 to index
      %get3A_40 = arith.constant 0 : index
      %get3A_41 = tpu.vector_load %arg6[%get3A, %get3A_39, %get3A_40] {strides = array<i32>} : memref<64x8x64xf32, #tpu.memory_space<vmem>>, vector<16xf32>,
      %mul3A_42 = arith.constant 64 : i32
      %mul3A_43 = arith.muli %add3A_25, %mul3A_42 : i32
      %add3A_44 = arith.constant 0 : i32
      %add3A_45 = arith.addi %mul3A_43, %add3A_44 : i32
      %swap3A_46 = arith.index_cast %add3A_45 : i32 to index
      %swap3A_47 = tpu.vector_load %arg9[%swap3A_46] {strides = array<i32>} : memref<2048xf32, #tpu.memory_space<vmem>>, vector<16xf32>,
      tpu.vector_store %arg9[%swap3A_46], %get3A_41 {strides = array<i32>} : memref<2048xf32, #tpu.memory_space<vmem>>, vector<16xf32>,
      %shift_right_arithmetic3A_48 = arith.constant 3 : i32
      %shift_right_arithmetic3A_49 = arith.shrsi %scan3A_33#1, %shift_right_arithmetic3A_48 : i32
      %and3A_50 = arith.constant 7 : i32
      %and3A_51 = arith.andi %scan3A_33#1, %and3A_50 : i32
      %get3A_52 = arith.index_cast %shift_right_arithmetic3A_49 : i32 to index
      %get3A_53 = arith.index_cast %and3A_51 : i32 to index
      %get3A_54 = arith.constant 16 : index
      %get3A_55 = tpu.vector_load %arg6[%get3A_52, %get3A_53, %get3A_54] {strides = array<i32>} : memref<64x8x64xf32, #tpu.memory_space<vmem>>, vector<16xf32>,
      %mul3A_56 = arith.constant 64 : i32
      %mul3A_57 = arith.muli %add3A_25, %mul3A_56 : i32
      %add3A_58 = arith.constant 16 : i32
      %add3A_59 = arith.addi %mul3A_57, %add3A_58 : i32
      %swap3A_60 = arith.index_cast %add3A_59 : i32 to index
      %swap3A_61 = tpu.vector_load %arg9[%swap3A_60] {strides = array<i32>} : memref<2048xf32, #tpu.memory_space<vmem>>, vector<16xf32>,
      tpu.vector_store %arg9[%swap3A_60], %get3A_55 {strides = array<i32>} : memref<2048xf32, #tpu.memory_space<vmem>>, vector<16xf32>,
      %shift_right_arithmetic3A_62 = arith.constant 3 : i32
      %shift_right_arithmetic3A_63 = arith.shrsi %scan3A_33#1, %shift_right_arithmetic3A_62 : i32
      %and3A_64 = arith.constant 7 : i32
      %and3A_65 = arith.andi %scan3A_33#1, %and3A_64 : i32
      %get3A_66 = arith.index_cast %shift_right_arithmetic3A_63 : i32 to index
      %get3A_67 = arith.index_cast %and3A_65 : i32 to index
      %get3A_68 = arith.constant 32 : index
      %get3A_69 = tpu.vector_load %arg6[%get3A_66, %get3A_67, %get3A_68] {strides = array<i32>} : memref<64x8x64xf32, #tpu.memory_space<vmem>>, vector<16xf32>,
      %mul3A_70 = arith.constant 64 : i32
      %mul3A_71 = arith.muli %add3A_25, %mul3A_70 : i32
      %add3A_72 = arith.constant 32 : i32
      %add3A_73 = arith.addi %mul3A_71, %add3A_72 : i32
      %swap3A_74 = arith.index_cast %add3A_73 : i32 to index
      %swap3A_75 = tpu.vector_load %arg9[%swap3A_74] {strides = array<i32>} : memref<2048xf32, #tpu.memory_space<vmem>>, vector<16xf32>,
      tpu.vector_store %arg9[%swap3A_74], %get3A_69 {strides = array<i32>} : memref<2048xf32, #tpu.memory_space<vmem>>, vector<16xf32>,
      %shift_right_arithmetic3A_76 = arith.constant 3 : i32
      %shift_right_arithmetic3A_77 = arith.shrsi %scan3A_33#1, %shift_right_arithmetic3A_76 : i32
      %and3A_78 = arith.constant 7 : i32
      %and3A_79 = arith.andi %scan3A_33#1, %and3A_78 : i32
      %get3A_80 = arith.index_cast %shift_right_arithmetic3A_77 : i32 to index
      %get3A_81 = arith.index_cast %and3A_79 : i32 to index
      %get3A_82 = arith.constant 48 : index
      %get3A_83 = tpu.vector_load %arg6[%get3A_80, %get3A_81, %get3A_82] {strides = array<i32>} : memref<64x8x64xf32, #tpu.memory_space<vmem>>, vector<16xf32>,
      %mul3A_84 = arith.constant 64 : i32
      %mul3A_85 = arith.muli %add3A_25, %mul3A_84 : i32
      %add3A_86 = arith.constant 48 : i32
      %add3A_87 = arith.addi %mul3A_85, %add3A_86 : i32
      %swap3A_88 = arith.index_cast %add3A_87 : i32 to index
      %swap3A_89 = tpu.vector_load %arg9[%swap3A_88] {strides = array<i32>} : memref<2048xf32, #tpu.memory_space<vmem>>, vector<16xf32>,
      tpu.vector_store %arg9[%swap3A_88], %get3A_83 {strides = array<i32>} : memref<2048xf32, #tpu.memory_space<vmem>>, vector<16xf32>,
      %eq3A = vector.broadcast %scan3A_22 : i32 to vector<16xi32>
      %eq3A_90 = arith.cmpi eq, %iota3A, %eq3A : vector<16xi32>
      %broadcast_in_dim3A_91 = vector.broadcast %scan3A_33#1 : i32 to vector<16xi32>
      %select_n3A = arith.select %eq3A_90, %broadcast_in_dim3A_91, %scan3A_23 : vector<16xi1>, vector<16xi32>
      scf.yield %select_n3A : vector<16xi32>
    }
    %scan3A_17 = arith.constant 16 : i32
    %swap3A_18 = arith.constant 16 : index
    %swap3A_19 = tpu.vector_load %arg8[%swap3A_18] {strides = array<i32>} : memref<32xi32, #tpu.memory_space<vmem>>, vector<16xi32>,
    tpu.vector_store %arg8[%swap3A_18], %scan3A_16 {strides = array<i32>} : memref<32xi32, #tpu.memory_space<vmem>>, vector<16xi32>,
    "tpu.region"() ({
      %run_scoped3A = tpu.sem_alloc : memref<!tpu.dma_semaphore, #tpu.memory_space<semaphore_mem>>
      %dma_start3A = tpu.memref_slice %arg4[%mul3A_2] : memref<1024xi32, #tpu.memory_space<hbm>> -> memref<32xi32, #tpu.memory_space<hbm>>
      %dma_start3A_22 = tpu.memref_slice %arg4[%mul3A_2] : memref<1024xi32, #tpu.memory_space<hbm>> -> memref<32xi32, #tpu.memory_space<hbm>>
      tpu.enqueue_dma source(%arg8 : memref<32xi32, #tpu.memory_space<vmem>>) target(%dma_start3A_22 : memref<32xi32, #tpu.memory_space<hbm>>) target_semaphore(%run_scoped3A : memref<!tpu.dma_semaphore, #tpu.memory_space<semaphore_mem>>)
      %dma_wait3A = tpu.memref_slice %arg4[%mul3A_2] : memref<1024xi32, #tpu.memory_space<hbm>> -> memref<32xi32, #tpu.memory_space<hbm>>
      %dma_wait3A_23 = tpu.memref_slice %arg4[%mul3A_2] : memref<1024xi32, #tpu.memory_space<hbm>> -> memref<32xi32, #tpu.memory_space<hbm>>
      tpu.wait_dma2 semaphore(%run_scoped3A : memref<!tpu.dma_semaphore, #tpu.memory_space<semaphore_mem>>) src(%arg8 : memref<32xi32, #tpu.memory_space<vmem>>) dst(%dma_wait3A_23 : memref<32xi32, #tpu.memory_space<hbm>>)
      tpu.yield
    }) : () -> ()
    %mul3A_20 = arith.constant 64 : i32
    %mul3A_21 = arith.muli %mul3A_2, %mul3A_20 : i32
    "tpu.region"() ({
      %run_scoped3A = tpu.sem_alloc : memref<!tpu.dma_semaphore, #tpu.memory_space<semaphore_mem>>
      %dma_start3A = tpu.memref_slice %arg5[%mul3A_21] : memref<65536xf32, #tpu.memory_space<hbm>> -> memref<2048xf32, #tpu.memory_space<hbm>>
      %dma_start3A_22 = tpu.memref_slice %arg5[%mul3A_21] : memref<65536xf32, #tpu.memory_space<hbm>> -> memref<2048xf32, #tpu.memory_space<hbm>>
      tpu.enqueue_dma source(%arg9 : memref<2048xf32, #tpu.memory_space<vmem>>) target(%dma_start3A_22 : memref<2048xf32, #tpu.memory_space<hbm>>) target_semaphore(%run_scoped3A : memref<!tpu.dma_semaphore, #tpu.memory_space<semaphore_mem>>)
      %dma_wait3A = tpu.memref_slice %arg5[%mul3A_21] : memref<65536xf32, #tpu.memory_space<hbm>> -> memref<2048xf32, #tpu.memory_space<hbm>>
      %dma_wait3A_23 = tpu.memref_slice %arg5[%mul3A_21] : memref<65536xf32, #tpu.memory_space<hbm>> -> memref<2048xf32, #tpu.memory_space<hbm>>
      tpu.wait_dma2 semaphore(%run_scoped3A : memref<!tpu.dma_semaphore, #tpu.memory_space<semaphore_mem>>) src(%arg9 : memref<2048xf32, #tpu.memory_space<vmem>>) dst(%dma_wait3A_23 : memref<2048xf32, #tpu.memory_space<hbm>>)
      tpu.yield
    }) : () -> ()
    return
  }
}

module attributes {stable_mosaic.version = 14 : i64} {
  func.func @_sqrt_body(%arg0: i32, %arg1: memref<1024x128xf32, #tpu.memory_space<vmem>>, %arg2: memref<1024x128xf32, #tpu.memory_space<vmem>>) attributes {dimension_semantics = [#tpu.dimension_semantics<arbitrary>], iteration_bounds = array<i64: 4>, scalar_prefetch = 0 : i64, scratch_operands = 0 : i64, tpu.core_type = #tpu.core_type<tc>, window_params = [{transform_indices = @transform_0, window_bounds = array<i64: 1024, 128>}, {transform_indices = @transform_1, window_bounds = array<i64: 1024, 128>}]} {
    %get3A = arith.constant 0 : index
    %get3A_0 = arith.constant 0 : index
    %get3A_1 = vector.load %arg1[%get3A, %get3A_0] : memref<1024x128xf32, #tpu.memory_space<vmem>>, vector<1024x128xf32>
    %sqrt3A = math.sqrt %get3A_1 : vector<1024x128xf32>
    %swap3A = arith.constant 0 : index
    %swap3A_2 = arith.constant 0 : index
    %swap3A_3 = vector.load %arg2[%swap3A, %swap3A_2] : memref<1024x128xf32, #tpu.memory_space<vmem>>, vector<1024x128xf32>
    tpu.vector_store %arg2[%swap3A, %swap3A_2], %sqrt3A {strides = array<i32>} : memref<1024x128xf32, #tpu.memory_space<vmem>>, vector<1024x128xf32>,
    return
  }
  func.func @transform_0(%arg0: i32) -> (i32, i32) {
    %c0_i32 = arith.constant 0 : i32
    %c0_i32_0 = arith.constant 0 : i32
    return %arg0, %c0_i32 : i32, i32
  }
  func.func @transform_1(%arg0: i32) -> (i32, i32) {
    %c0_i32 = arith.constant 0 : i32
    %c0_i32_0 = arith.constant 0 : i32
    return %arg0, %c0_i32 : i32, i32
  }
}

</mosaic_0001>

<sc_bundles>
// kernel: kernel.4.cloned.1.call-start
scs
__scs_entry_jumppad:
0x0: {  	(pc) =	sbr.rel $0x88, $3  }
0x1: {  	(tag) =	ssettag $0x0;
	lr =	simm.s32 $0x1  }
0x2: {  	[smem:$0x3FA0] =	sst lr;
	_ =	strace $0xD0000000  }
0x3: {  	_ = 	snop  }
0x4: {  	_ = 	snop  }
0x5: {  	_ = 	snop  }
0x6: {  	_ = 	snop  }
0x7: {  	_ = 	snop  }
__scs_overlays_trampoline_lowered:
0x8: {  	[smem:$0x3FAF] =	sst s0  }
0x9: {  	[smem:$0x3FB0] =	sst s1  }
0xa: {  	[smem:$0x3FB1] =	sst s2  }
0xb: {  	[smem:$0x3FB2] =	sst s3  }
0xc: {  	[smem:$0x3FB3] =	sst s4  }
0xd: {  	[smem:$0x3FB4] =	sst s5  }
0xe: {  	[smem:$0x3FB5] =	sst s6  }
0xf: {  	[smem:$0x3FB6] =	sst s7  }
0x10: {  	[smem:$0x3FB7] =	sst s8  }
0x11: {  	[smem:$0x3FB8] =	sst s9;
	s0 =	simm.s32 @!p0 $0x0  }
0x12: {  	s1 =	sld [smem:$0x3F9E];
	s0 =	simm.s32 @p0 $0x1  }
0x13: {  	[smem:$0x3FB9] =	sst s0;
	s0 =	simm.s32 @!p1 $0x0  }
0x14: {  	s2 =	sld [smem:$0x3F9D];
	s0 =	simm.s32 @p1 $0x1  }
0x15: {  	[smem:$0x3FBA] =	sst s0;
	s0 =	simm.s32 @!p2 $0x0  }
0x16: {  	s3 =	sld [smem:$0x3FDB];
	s0 =	simm.s32 @p2 $0x1  }
0x17: {  	s4 =	simm.s32 $0x1BF5;
	[smem:$0x3FBC] =	sst s0  }
0x18: {  	s0 =	sld [smem:$0x3F9F];
	_ =	swait.ge [sflag:s4], $0x0  }
0x19: {  	s7 =	sld [smem:$0x3FA0]  }
0x1a: {  	s8 =	sadd.s32 $0xFFFFE003, lr  }
0x1b: {  	s9 =	sadd.s32 $0xFFFFFEF7, lr;
	s5 =	simm.s32 $0xFFFFFFFF;
	p2 =	slt.u32 s8, $0xFFFFF086  }
0x1c: {  	p1 =	slt.u32 s9, $0xF7A;
	s5 =	simm.s32 @!p2 $0x0  }
0x1d: {  	s5 =	simm.s32 @p1 $0x1;
	p0 =	seq.s32 s7, s2  }
0x1e: {  	s7 =	smul.u32 @!p0 $0xF7A, s2;
	p2 =	seq.s32 @!p0 s5, $0x0  }
0x1f: {  	s9 =	smul.u32 $0xF7A, s1;
	s8 =	simm.s32 @!p0 $0x1BF5;
	p2 =	por !p2, p0  }
0x20: {  	[sflag:s8] =	ssyncset.s32 @!p0 $0xFFFFF086;
	s6 =	sadd.s32 @!p0 s3, s7;
	s7 =	simm.s32 @!p0 $0x108  }
0x21: {  	s3 =	sadd.s32 s3, s9;
	s6 =	sadd.s32 @!p0 $0x88, s6;
	s7 =	simm.s32 @p2 $0x1082  }
0x22: {  	[simem:s7], [sflag:s8] =	dma.local @!p0 [hbm:s6], $0xF7A  }
0x23: {  	s9 =	sor.u32 $0xD0000000, s2;
	s6 =	simm.s32 $0x108;
	_ =	swait.ge @!p0 [sflag:s8], $0x0  }
0x24: {  	s3 =	sadd.s32 $0x88, s3;
	s6 =	simm.s32 @!p1 $0x1082;
	[sflag:s4] =	ssyncset.s32 $0xFFFFF086  }
0x25: {  	[simem:s6], [sflag:s4] =	dma.local [hbm:s3], $0xF7A  }
0x26: {  	[smem:$0x3FA0] =	sst s1;
	(tag) =	ssettag s2;
	_ =	strace s9  }
0x27: {  	s1 =	sld [smem:$0x3FB0]  }
0x28: {  	s2 =	sld [smem:$0x3FB1]  }
0x29: {  	s4 =	sld [smem:$0x3FB3]  }
0x2a: {  	p0 =	seq.s32 s5, $0x0;
	s5 =	sld [smem:$0x3FB4]  }
0x2b: {  	s6 =	sld [smem:$0x3FB5]  }
0x2c: {  	s7 =	sld [smem:$0x3FB6]  }
0x2d: {  	s3 =	simm.s32 $0x108;
	s8 =	sld [smem:$0x3FB7]  }
0x2e: {  	s3 =	simm.s32 @!p0 $0x1082;
	s9 =	sld [smem:$0x3FB8]  }
0x2f: {  	lr =	sadd.s32 s0, s3;
	s0 =	sld [smem:$0x3FAF]  }
0x30: {  	s3 =	sld [smem:$0x3FB2]  }
0x31: {  	[smem:$0x3FBB] =	sst s10  }
0x32: {  	s10 =	sld [smem:$0x3FB9];
	_ =	sdelay $0x3  }
0x33: {  	p0 =	seq.s32 s10, $0x1;
	s10 =	sld [smem:$0x3FBB];
	_ =	sdelay $0x3  }
0x34: {  	[smem:$0x3FBB] =	sst s10  }
0x35: {  	s10 =	sld [smem:$0x3FBA];
	_ =	sdelay $0x3  }
0x36: {  	p1 =	seq.s32 s10, $0x1;
	s10 =	sld [smem:$0x3FBB];
	_ =	sdelay $0x3  }
0x37: {  	[smem:$0x3FBB] =	sst s10  }
0x38: {  	s10 =	sld [smem:$0x3FBC]  }
0x39: {  	_ = 	snop;
	(pc) =	sbr.ind lr, $3  }
0x3a: {  	_ = 	snop  }
0x3b: {  	_ = 	snop  }
0x3c: {  	p2 =	seq.s32 s10, $0x1;
	s10 =	sld [smem:$0x3FBB]  }
0x3d: {  	_ =	shalt  }
0x3e: {  	_ =	shalt  }
0x3f: {  	_ =	shalt  }
0x40: {  	_ =	shalt  }
0x41: {  	_ =	shalt  }
0x42: {  	_ =	shalt  }
0x43: {  	_ =	shalt  }
0x44: {  	_ =	shalt  }
0x45: {  	_ =	shalt  }
0x46: {  	_ =	shalt  }
0x47: {  	_ =	shalt  }
0x48: {  	_ =	shalt  }
0x49: {  	_ =	shalt  }
0x4a: {  	_ =	shalt  }
0x4b: {  	_ =	shalt  }
0x4c: {  	_ =	shalt  }
0x4d: {  	_ =	shalt  }
0x4e: {  	_ =	shalt  }
0x4f: {  	_ =	shalt  }
0x50: {  	_ =	shalt  }
0x51: {  	_ =	shalt  }
0x52: {  	_ =	shalt  }
0x53: {  	_ =	shalt  }
0x54: {  	_ =	shalt  }
0x55: {  	_ =	shalt  }
0x56: {  	_ =	shalt  }
0x57: {  	_ =	shalt  }
0x58: {  	_ =	shalt  }
0x59: {  	_ =	shalt  }
0x5a: {  	_ =	shalt  }
0x5b: {  	_ =	shalt  }
0x5c: {  	_ =	shalt  }
0x5d: {  	_ =	shalt  }
0x5e: {  	_ =	shalt  }
0x5f: {  	_ =	shalt  }
0x60: {  	_ =	shalt  }
0x61: {  	_ =	shalt  }
0x62: {  	_ =	shalt  }
0x63: {  	_ =	shalt  }
0x64: {  	_ =	shalt  }
0x65: {  	_ =	shalt  }
0x66: {  	_ =	shalt  }
0x67: {  	_ =	shalt  }
0x68: {  	_ =	shalt  }
0x69: {  	_ =	shalt  }
0x6a: {  	_ =	shalt  }
0x6b: {  	_ =	shalt  }
0x6c: {  	_ =	shalt  }
0x6d: {  	_ =	shalt  }
0x6e: {  	_ =	shalt  }
0x6f: {  	_ =	shalt  }
0x70: {  	_ =	shalt  }
0x71: {  	_ =	shalt  }
0x72: {  	_ =	shalt  }
0x73: {  	_ =	shalt  }
0x74: {  	_ =	shalt  }
0x75: {  	_ =	shalt  }
0x76: {  	_ =	shalt  }
0x77: {  	_ =	shalt  }
0x78: {  	_ =	shalt  }
0x79: {  	_ =	shalt  }
0x7a: {  	_ =	shalt  }
0x7b: {  	_ =	shalt  }
0x7c: {  	_ =	shalt  }
0x7d: {  	_ =	shalt  }
0x7e: {  	_ =	shalt  }
0x7f: {  	_ =	shalt  }
0x80: {  	_ =	shalt  }
0x81: {  	_ =	shalt  }
0x82: {  	_ =	shalt  }
0x83: {  	_ =	shalt  }
0x84: {  	_ =	shalt  }
0x85: {  	_ =	shalt  }
0x86: {  	_ =	shalt  }
0x87: {  	_ =	shalt  }
.Lfunc_end0:
.L_simem_size_0:
called_computation_lowered:
.L_overlay_start_0:
0x88: {  	s2 =	sld [smem:$0x3FD9]  }
0x89: {  	s3 =	sld [smem:$0x3FFE];
	_ =	sdelay $0x1  }
0x8a: {  	s1 =	srdreg.scid  }
0x8b: {  	s0 =	sand.u32 $0x1, s1  }
0x8c: {  	s14 =	sshll.u32 s0, $0xA;
	s2 =	sadd.s32 s3, s2  }
0x8d: {  	s2 =	sadd.s32 s2, s14  }
0x8e: {  	[smem:$0x3FC7] =	sst s2  }
0x8f: {  	_ = 	snop  }
0x90: {  	s2 =	sld [smem:$0x3FD0];
	_ =	sdelay $0x2  }
0x91: {  	s15 =	simm.s32 $0xA;
	s4 =	simm.s32 $0x10  }
0x92: {  	[smem:s4], [sflag:s15] =	dma.local [hbm:s2], $0x1  }
0x93: {  	_ =	swait.eq [sflag:s15], $0x1  }
0x94: {  	s16 =	sld [smem:$0x10];
	[sflag:s15] =	ssyncset.done $0x0  }
0x95: {  	s17 =	sld [smem:$0x11];
	[sflag:s15] =	ssyncadd.s32 $0xFFFFFFFF  }
0x96: {  	s18 =	sld [smem:$0x12];
	(tm) =	ssettm $0x1  }
0x97: {  	s5 =	sld [smem:$0x3FFB];
	_ =	sdelay $0x3  }
0x98: {  	_ =	strace s5  }
0x99: {  	s5 =	sld [smem:$0x3FFC];
	_ =	sdelay $0x3  }
0x9a: {  	_ =	strace s5  }
0x9b: {  	s5 =	sld [smem:$0x3FFD];
	_ =	sdelay $0x3  }
0x9c: {  	_ =	strace s5  }
0x9d: {  	_ =	strace $0x8FFFFFFF  }
0x9e: {  	s19 =	sld [smem:$0x3FDB];
	_ =	sdelay $0x1  }
0x9f: {  	s6 =	simm.s32 $_scs_section_size  }
0xa0: {  	s7 =	simm.s32 $_size__tile_overlayer_lowered;
	s8 =	simm.s32 $_tile_overlayer_lowered  }
0xa1: {  	s22 =	simm.s32 $0x1BFF;
	s21 =	sshll.u32 s8, $0x1;
	s5 =	sadd.s32 s6, s19  }
0xa2: {  	s9 =	simm.s32 $0x0;
	s20 =	sshll.u32 s7, $0x1;
	s7 =	sadd.s32 s21, s5  }
0xa3: {  	[timem:s9], [sflag:s22] =	dma.local [hbm:s7], s20  }
0xa4: {  	_ =	swait.ge [sflag:s22], s20  }
0xa5: {  	s6 =	ssub.s32 $0x0, s20;
	[sflag:s22] =	ssyncset.done $0x0  }
0xa6: {  	[sflag:s22] =	ssyncadd.s32 s6;
	_ =	sdelay $0x1  }
0xa7: {  	s23 =	simm.s32 $0x1B8B  }
0xa8: {  	_ =	swait.ge [sflag:s23], $0x1  }
0xa9: {  	[sflag:s23] =	ssyncset.done $0x0  }
0xaa: {  	s25 =	simm.s32 $0x1B8E;
	s24 =	sld [smem:$0x3FFE];
	[sflag:s23] =	ssyncadd.s32 $0xFFFFFFFF  }
0xab: {  	s26 =	simm.s32 $execute0_lowered;
	[smem:$0x3FD2] =	sst s25  }
0xac: {  	s7 =	sshll.u32 s26, $0x1;
	_ =	strace $0x80000046;
	[dreg:$0x1] =	wrdreg $0xFFFFFFFF  }
0xad: {  	s28 =	simm.s32 $_size_execute0_lowered;
	s5 =	sadd.s32 s5, s7;
	[dreg:$0x0] =	wrdreg $0x0  }
0xae: {  	s7 =	sshll.u32 s28, $0x1;
	[dreg:$0x2] =	wrdreg s5  }
0xaf: {  	[dreg:$0x3] =	wrdreg s7  }
0xb0: {  	[dreg:$0x4] =	wrdreg $0xC0  }
0xb1: {  	_ =	task [dreg:s9], $0x5FFFF  }
0xb2: {  	[dreg:$0x1] =	wrdreg $0xFFFFFFFF  }
0xb3: {  	[dreg:$0x0] =	wrdreg $0x60  }
0xb4: {  	[dreg:$0x2] =	wrdreg s24  }
0xb5: {  	[dreg:$0x3] =	wrdreg s18  }
0xb6: {  	[dreg:$0x4] =	wrdreg s17  }
0xb7: {  	[dreg:$0x5] =	wrdreg s16  }
0xb8: {  	[dreg:$0x6] =	wrdreg $0x9  }
0xb9: {  	_ =	task.clear_ibuf [dreg:s9], $0x7FFFF;
	_ =	strace $0x90000046  }
0xba: {  	s29 =	simm.s32 $0x9;
	_ =	strace $0x80000048  }
0xbb: {  	_ =	swait.ge [sflag:s29], $0x1  }
0xbc: {  	[sflag:s29] =	ssyncadd.s32 $0xFFFFFFFF  }
0xbd: {  	_ =	strace $0x90000048  }
0xbe: {  	_ =	sfence  }
0xbf: {  	s30 =	sld [smem:$0x0];
	_ =	sdelay $0x2  }
0xc0: {  	s31 =	sshll.u32 s1, $0xD;
	s1 =	sshrl.u32 s1, $0x2  }
0xc1: {  	s3 =	sand.u32 $0x4000, s31;
	s1 =	sadd.s32 s1, s30  }
0xc2: {  	s0 =	sor.u32 s3, s0;
	s1 =	sshll.u32 s1, $0x11  }
0xc3: {  	s0 =	sor.u32 s1, s0  }
0xc4: {  	s0 =	sadd.s32 $0x8F2B, s0  }
0xc5: {  	[sflag:s0] =	ssyncadd.remote.s32 $0x1  }
0xc6: {  	_ =	sfence.sel $0xFFFF  }
0xc7: {  	[dreg:$0x0] =	wrdreg $0xFFFFFFFF;
	(pc) =	sbr.abs _section_cstart, $3  }
0xc8: {  	[dreg:$0x1] =	wrdreg $0xFFFFFFFF  }
0xc9: {  	_ =	task.clear_ibuf [dreg:s9], $0x2FFFF;
	_ =	strace $0x9FFFFFFF  }
0xca: {  	(tm) =	ssettm $0x7FFFFFFF  }
0xcb: {  	_ =	shalt  }
tec
execute0_lowered:
.L_overlay_start_1:
0x0: {  	(tag) =	ssettag $0x1  }
0x1: {  	s4 =	rddreg [dreg:$0x0]  }
0x2: {  	s1 =	rddreg [dreg:$0x1]  }
0x3: {  	s6 =	rddreg [dreg:$0x2]  }
0x4: {  	s7 =	rddreg [dreg:$0x3]  }
0x5: {  	s0 =	rddreg [dreg:$0x4];
	s3 =	simm.s32 $0x0;
	s5 =	srdreg.scid  }
0x6: {  	s2 =	stileid.u32;
	s11 =	simm.s32 $0x10200;
	s12 =	simm.s32 $0x10280  }
0x7: {  	vm0 =	vmmov $0x1;
	s13 =	simm.s32 $0x0;
	[smem:$0x7FF] =	sst s3;
	s5 =	sand.u32 $0x1, s5  }
0x8: {  	vm1 =	vmmov $0x3;
	vm2 =	vmmov $0x7;
	vm3 =	vmmov $0xf;
	s9 =	sshll.u32 s2, $0x1;
	s4 =	sadd.s32 $0xA00, s4;
	s8 =	ssub.s32 $0x2, s5  }
0x9: {  	vm4 =	vmmov $0x1f;
	vm5 =	vmmov $0x3f;
	vm6 =	vmmov $0x7f;
	_ =	strace $0x80000047;
	s5 =	sor.u32 s5, s9;
	s10 =	sshrl.u32 s8, $0x1  }
0xa: {  	vm7 =	vmmov $0xff;
	vm8 =	vmmov $0x1ff;
	vm9 =	vmmov $0x3ff;
	s9 =	sshll.u32 s5, $0x2;
	s31 =	sshll.u32 s5, $0x8;
	s5 =	sshll.u32 s5, $0x5  }
0xb: {  	vm10 =	vmmov $0x7ff;
	vm11 =	vmmov $0xfff;
	vm12 =	vmmov $0x1fff;
	s8 =	ssub.s32 s8, s10;
	s6 =	sadd.s32 s6, s9;
	s7 =	sadd.s32 s7, s31  }
0xc: {  	vm13 =	vmmov $0x3fff;
	vm14 =	vmmov $0x7fff;
	v0 =	vlaneseq.u32;
	s9 =	simm.s32 $0x1;
	s10 =	simm.s32 $0x10000;
	s8 =	smax.u32 s8, $0x1  }
.LBB2_1:
0xd: {  	v1 =	vimm.s32 $0x0;
	s14 =	simm.s32 $0x0  }
.LBB2_2:
0xe: {  	s16 =	sor.u32 s5, s14  }
0xf: {  	s15 =	sshll.u32 s16, $0xD  }
0x10: {  	s15 =	sand.u32 $0x1FFDE000, s15  }
0x11: {  	s17 =	sadd.s32 s4, s15;
	s15 =	simm.s32 $0x0  }
0x12: {  	[tilespmem:s15], [sflag:$0x1] =	stream.linear.gather [hbm4b:s17+s15], $0x10000, $0x38;
	[tilespmem:$0x10A80] =	vst v63  }
0x13: {  	_ =	swait.ge [sflag:s9], $0x10000  }
0x14: {  	[sflag:s9] =	ssyncset.done $0x0  }
0x15: {  	s31 =	simm.s32 $0x400;
	[sflag:s9] =	ssyncadd.s32 $0xFFFF0000  }
0x16: {  	v2 =	vld [tilespmem:s31+$0x0]  }
0x17: {  	v3 =	vld [tilespmem:s31+$0xFFFFFDB0]  }
0x18: {  	v4 =	vld [tilespmem:s31+$0xFFFFFE00]  }
0x19: {  	v5 =	vld [tilespmem:s31+$0xFFFFFDA0]  }
0x1a: {  	v6 =	vld [tilespmem:s31+$0xFFFFFD30]  }
0x1b: {  	v7 =	vld [tilespmem:s31+$0xFFFFFD80]  }
0x1c: {  	v8 =	vld [tilespmem:s31+$0xFFFFFD20]  }
0x1d: {  	v9 =	vld [tilespmem:s31+$0xFFFFFCB0]  }
0x1e: {  	v10 =	vld [tilespmem:s31+$0xFFFFFD00]  }
0x1f: {  	v11 =	vld [tilespmem:s31+$0xFFFFFCA0]  }
0x20: {  	v12 =	vld [tilespmem:s31+$0xFFFFFC30]  }
0x21: {  	v13 =	vld [tilespmem:s31+$0xFFFFFC80]  }
0x22: {  	v14 =	vld [tilespmem:s31+$0xFFFFFC20]  }
0x23: {  	v15 =	vld [tilespmem:s31+$0xFFFFFC90]  }
0x24: {  	v16 =	vld [tilespmem:s31+$0xFFFFFC10]  }
0x25: {  	v17 =	vld [tilespmem:s31+$0xFFFFFC00]  }
0x26: {  	v18 =	vld [tilespmem:s31+$0xFFFFFD10]  }
0x27: {  	v19 =	vld [tilespmem:s31+$0xFFFFFD90]  }
0x28: {  	v20 =	vld [tilespmem:s31+$0xFFFFFE10]  }
0x29: {  	v21 =	vld [tilespmem:s31+$0xFFFFFE90]  }
0x2a: {  	v22 =	vld [tilespmem:s31+$0xFFFFFF10]  }
0x2b: {  	v23 =	vld [tilespmem:s31+$0xFFFFFF90]  }
0x2c: {  	v24 =	vld [tilespmem:s31+$0x20]  }
0x2d: {  	v25 =	vld [tilespmem:s31+$0x10];
	v13 =	vmul.f32 v13, v13  }
0x2e: {  	v26 =	vld [tilespmem:s31+$0xFFFFFE20];
	v17 =	vmul.f32 v17, v17;
	v11 =	vmul.f32 v11, v11  }
0x2f: {  	v27 =	vld [tilespmem:s31+$0xFFFFFE80];
	v15 =	vmul.f32 v15, v15;
	v19 =	vmul.f32 v19, v19  }
0x30: {  	v28 =	vld [tilespmem:s31+$0xFFFFFE30];
	v7 =	vmul.f32 v7, v7;
	v20 =	vmul.f32 v20, v20  }
0x31: {  	v46 =	vld [tilespmem:s31+$0xFFFFFEA0];
	v16 =	vmul.f32 v16, v16;
	v5 =	vmul.f32 v5, v5  }
0x32: {  	v47 =	vld [tilespmem:s31+$0xFFFFFF00];
	v4 =	vmul.f32 v4, v4;
	v14 =	vmul.f32 v14, v14  }
0x33: {  	v48 =	vld [tilespmem:s31+$0xFFFFFEB0];
	v2 =	vmul.f32 v2, v2;
	v50 =	vmul.f32 v26, v26  }
0x34: {  	v49 =	vld [tilespmem:s31+$0xFFFFFF20];
	v12 =	vmul.f32 v12, v12;
	v10 =	vmul.f32 v10, v10  }
0x35: {  	v51 =	vld [tilespmem:s31+$0xFFFFFF80];
	v53 =	vmul.f32 v27, v27;
	v21 =	vmul.f32 v21, v21  }
0x36: {  	v52 =	vld [tilespmem:s31+$0xFFFFFF30];
	v8 =	vmul.f32 v8, v8;
	v25 =	vmul.f32 v25, v25  }
0x37: {  	v54 =	vld [tilespmem:s31+$0x30];
	v18 =	vmul.f32 v18, v18;
	v23 =	vmul.f32 v23, v23  }
0x38: {  	v55 =	vld [tilespmem:s31+$0xFFFFFFA0];
	v3 =	vmul.f32 v3, v3;
	v13 =	vadd.f32 v15, v13;
	v7 =	vadd.f32 v19, v7  }
0x39: {  	v56 =	vld [tilespmem:s31+$0xFFFFFFB0];
	v24 =	vmul.f32 v24, v24;
	v16 =	vadd.f32 v16, v17;
	v4 =	vadd.f32 v20, v4  }
0x3a: {  	v57 =	vld [tilespmem:s31+$0x1B0];
	v58 =	vmul.f32 v28, v28;
	v20 =	vadd.f32 v21, v53;
	v2 =	vadd.f32 v25, v2  }
0x3b: {  	v59 =	vld [tilespmem:s31+$0x1A0];
	v10 =	vadd.f32 v18, v10;
	v15 =	vmul.f32 v46, v46;
	v14 =	vadd.f32 v14, v16  }
0x3c: {  	v60 =	vld [tilespmem:s31+$0x190];
	v11 =	vadd.f32 v11, v13;
	v5 =	vadd.f32 v5, v7;
	v7 =	vmul.f32 v9, v9  }
0x3d: {  	v62 =	vld [tilespmem:s31+$0x180];
	v4 =	vadd.f32 v50, v4;
	v16 =	vmul.f32 v51, v51;
	v12 =	vadd.f32 v12, v14  }
0x3e: {  	v29 =	vld [tilespmem:s31+$0x130];
	v17 =	vmul.f32 v54, v54;
	v2 =	vadd.f32 v24, v2;
	v7 =	vadd.f32 v7, v11  }
0x3f: {  	v30 =	vld [tilespmem:s31+$0x290];
	v61 =	vmul.f32 v55, v55;
	v3 =	vadd.f32 v3, v5;
	v5 =	vadd.f32 v23, v16;
	(xrf2) =	vadd.scan.msk.f32 $0xffff, v12  }
0x40: {  	v33 =	vld [tilespmem:s31+$0x210];
	v15 =	vadd.f32 v15, v20;
	v13 =	vmul.f32 v48, v48;
	v2 =	vadd.f32 v17, v2;
	(xrf2) =	vadd.scan.msk.f32 $0xffff, v7  }
0x41: {  	v37 =	vld [tilespmem:s31+$0x200];
	v63 =	vmul.f32 v56, v56;
	v4 =	vadd.f32 v58, v4;
	v5 =	vadd.f32 v61, v5;
	(xrf2) =	vadd.scan.msk.f32 $0xffff, v3  }
0x42: {  	v39 =	vld [tilespmem:s31+$0x280];
	v6 =	vmul.f32 v6, v6;
	v8 =	vadd.f32 v8, v10;
	v20 =	vadd.f32 v13, v15;
	(xrf2) =	vadd.scan.msk.f32 $0xffff, v2  }
0x43: {  	v41 =	vld [tilespmem:s31+$0x220];
	v5 =	vadd.f32 v63, v5;
	(xrf2) =	vadd.scan.msk.f32 $0xffff, v4  }
0x44: {  	v6 =	vadd.f32 v6, v8;
	v7 =	vld [tilespmem:s31+$0x110];
	(xrf2) =	vadd.scan.msk.f32 $0xffff, v20  }
0x45: {  	v21 =	vmul.f32 v47, v47;
	v23 =	vmul.f32 v22, v22;
	v3 =	vld [tilespmem:s31+$0x90];
	(xrf2) =	vadd.scan.msk.f32 $0xffff, v5  }
0x46: {  	v28 =	vmul.f32 v52, v52;
	v32 =	vmul.f32 v60, v60;
	v2 =	vld [tilespmem:s31+$0x80];
	(xrf2) =	vadd.scan.msk.f32 $0xffff, v6  }
0x47: {  	v35 =	vmul.f32 v59, v59;
	v9 =	vmul.f32 v49, v49;
	v26 =	vadd.f32 v23, v21;
	v4 =	vld [tilespmem:s31+$0x100]  }
0x48: {  	v36 =	vmul.f32 v57, v57;
	v8 =	vld [tilespmem:s31+$0xA0];
	v14 =	vmul.f32 v62, v62  }
0x49: {  	v27 =	vld [tilespmem:s31+$0x120];
	v10 =	vmul.f32 v29, v29;
	v48 =	vmul.f32 v41, v41;
	v6 =	vadd.f32 v9, v26;
	v31, _, _ =	vpop (xrf2)  }
0x4a: {  	v15 =	vmul.f32 v33, v33;
	v5 =	vld [tilespmem:s31+$0xB0];
	v9 =	vadd.f32 v32, v14;
	v3 =	vmul.f32 v3, v3;
	v34, _, _ =	vpop (xrf2)  }
0x4b: {  	v52 =	vld [tilespmem:s31+$0x380];
	v2 =	vmul.f32 v2, v2;
	v6 =	vadd.f32 v28, v6;
	(v2sf) =	vpush v31, $0xF;
	v38, _, _ =	vpop (xrf2)  }
0x4c: {  	v47 =	vld [tilespmem:s31+$0x300];
	v7 =	vmul.f32 v7, v7;
	v4 =	vmul.f32 v4, v4;
	v40, _, _ =	vpop (xrf2)  }
0x4d: {  	v49 =	vld [tilespmem:s31+$0x390];
	v9 =	vadd.f32 v35, v9;
	v2 =	vadd.f32 v3, v2;
	v3 =	vmul.f32 v8, v8;
	v8, _, _ =	vpop (xrf2);
	(xrf2) =	vadd.scan.msk.f32 $0xffff, v6  }
0x4e: {  	v11 =	vmul.f32 v30, v30;
	v4 =	vadd.f32 v7, v4;
	(v2sf) =	vpush v34, $0xF;
	v6 =	vld [tilespmem:s31+$0x2A0];
	v42, _, _ =	vpop (xrf2)  }
0x4f: {  	v7 =	vmul.f32 v27, v27;
	v2 =	vadd.f32 v3, v2;
	v3 =	vmul.f32 v5, v5;
	v5 =	vld [tilespmem:s31+$0x310];
	v44, _, _ =	vpop (xrf2)  }
0x50: {  	v45 =	vld [tilespmem:s31+$0x2B0];
	v58 =	vmul.f32 v52, v52;
	v14 =	vmul.f32 v39, v39;
	v9 =	vadd.f32 v36, v9;
	v46, _, _ =	vpop (xrf2)  }
0x51: {  	v43 =	vld [tilespmem:s31+$0x230];
	v4 =	vadd.f32 v7, v4;
	v7 =	vmul.f32 v37, v37;
	(v2sf) =	vpush v46, $0xF  }
0x52: {  	v50 =	vld [tilespmem:s31+$0x320];
	v54 =	vmul.f32 v47, v47;
	v2 =	vadd.f32 v3, v2;
	v3 =	vadd.f32 v11, v14  }
0x53: {  	v7 =	vadd.f32 v15, v7;
	v4 =	vadd.f32 v10, v4;
	(xrf2) =	vadd.scan.msk.f32 $0xffff, v9;
	v6 =	vmul.f32 v6, v6  }
0x54: {  	v53 =	vld [tilespmem:s31+$0x330];
	(xrf2) =	vadd.scan.msk.f32 $0xffff, v2;
	v2 =	vmul.f32 v49, v49;
	v5 =	vmul.f32 v5, v5;
	(v2sf) =	vpush v38, $0xF  }
0x55: {  	v55 =	vld [tilespmem:s31+$0x3A0];
	v7 =	vadd.f32 v48, v7;
	v3 =	vadd.f32 v6, v3;
	v6 =	vmul.f32 v45, v45  }
0x56: {  	v51 =	vmul.f32 v43, v43;
	v2 =	vadd.f32 v2, v58;
	v5 =	vadd.f32 v5, v54  }
0x57: {  	v57 =	vld [tilespmem:s31+$0x3B0];
	(v2sf) =	vpush v8, $0xF;
	v3 =	vadd.f32 v6, v3;
	v6 =	vmul.f32 v50, v50;
	v56, _, _ =	vpop (xrf2)  }
0x58: {  	v59 =	vbroadcast v31, $0xF;
	v7 =	vadd.f32 v51, v7;
	(v2sf) =	vpush v56, $0xF  }
0x59: {  	(xrf2) =	vadd.scan.msk.f32 $0xffff, v4;
	v4 =	vadd.f32 v6, v5;
	v5 =	vmul.f32 v53, v53;
	(v2sf) =	vpush v44, $0xF  }
0x5a: {  	s17 =	simm.f32 $-1.000000000e+00;
	(xrf2) =	vadd.scan.msk.f32 $0xffff, v3;
	v3 =	vmul.f32 v55, v55;
	v6 =	vbroadcast v34, $0xF;
	s18 =	spop (v2sf);
	(v2sf) =	vpush v42, $0xF  }
0x5b: {  	(xrf2) =	vadd.scan.msk.f32 $0xffff, v7;
	v7 =	vbroadcast v38, $0xF;
	p0 =	sgt.f32 s18, s17;
	v4 =	vadd.f32 v5, v4;
	v5 =	vbroadcast v46, $0xF  }
0x5c: {  	v2 =	vadd.f32 v3, v2;
	v3 =	vmul.f32 v57, v57;
	v6 =	vsel vm0, v59, v6  }
0x5d: {  	(v2sf) =	vpush v40, $0xF;
	s17 =	smov.u32 @p0 s18;
	s18 =	spop (v2sf);
	(xrf2) =	vadd.scan.msk.f32 $0xffff, v4;
	v4 =	vbroadcast v8, $0xF;
	v5 =	vsel vm1, v6, v5  }
0x5e: {  	v2 =	vadd.f32 v3, v2;
	v3 =	vbroadcast v42, $0xF;
	p2 =	sgt.f32 s18, s17;
	v5 =	vsel vm2, v5, v7  }
0x5f: {  	v6 =	vbroadcast v56, $0xF;
	v4 =	vsel vm3, v5, v4  }
0x60: {  	(xrf2) =	vadd.scan.msk.f32 $0xffff, v2;
	v2 =	vbroadcast v44, $0xF;
	s17 =	smov.u32 @p2 s18;
	v3 =	vsel vm4, v4, v3;
	s18 =	spop (v2sf)  }
0x61: {  	s19 =	simm.s32 @!p0 $0x0;
	v7, _, _ =	vpop (xrf2);
	v4 =	vbroadcast v40, $0xF;
	v3 =	vsel vm5, v3, v6;
	p3 =	sgt.f32 s18, s17  }
0x62: {  	s19 =	simm.s32 @p0 $0x1;
	v5, _, _ =	vpop (xrf2);
	v2 =	vsel vm6, v3, v2  }
0x63: {  	[smem:$0x7FD] =	sst s19;
	s19 =	spop (v2sf);
	v8, _, _ =	vpop (xrf2);
	v2 =	vsel vm7, v2, v4;
	s17 =	smov.u32 @p3 s18  }
0x64: {  	v3 =	vbroadcast v5, $0xF;
	v6 =	vbroadcast v8, $0xF;
	p4 =	sgt.f32 s19, s17  }
0x65: {  	v4, _, _ =	vpop (xrf2)  }
0x66: {  	v60 =	vbroadcast v7, $0xF;
	v3 =	vsel vm8, v2, v3;
	s18 =	spop (v2sf);
	v2, _, _ =	vpop (xrf2);
	s17 =	smov.u32 @p4 s19  }
0x67: {  	v3 =	vsel vm9, v3, v6;
	v61 =	vbroadcast v2, $0xF;
	s25 =	spop (v2sf);
	p5 =	sgt.f32 s18, s17  }
0x68: {  	v62 =	vbroadcast v4, $0xF;
	v3 =	vsel vm10, v3, v60;
	v6, _, _ =	vpop (xrf2);
	s24 =	spop (v2sf)  }
0x69: {  	v63 =	vbroadcast v6, $0xF;
	v3 =	vsel vm11, v3, v61;
	s21 =	spop (v2sf);
	s17 =	smov.u32 @p5 s18  }
0x6a: {  	v3 =	vsel vm12, v3, v62;
	p6 =	sgt.f32 s21, s17  }
0x6b: {  	s20 =	simm.s32 $0x1F;
	(v2sf) =	vpush v5, $0xF;
	v5, _, _ =	vpop (xrf2);
	v3 =	vsel vm13, v3, v63  }
0x6c: {  	(v2sf) =	vpush v8, $0xF;
	s19 =	simm.s32 $0x10000;
	s18 =	simm.s32 $0xF;
	v3 =	vsel vm14, v3, v5;
	s17 =	smov.u32 @p6 s21  }
0x6d: {  	(v2sf) =	vpush v7, $0xF;
	s23 =	spop (v2sf);
	[tilespmem:s19+$0x0] =	vst v3;
	s21 =	simm.s32 $0xC00;
	p0 =	sgt.f32 s25, s17  }
.LBB2_3:
0x6e: {  	v7 =	vld [tilespmem:s21+$0x0]  }
0x6f: {  	v3 =	vld [tilespmem:s21+$0xFFFFFDB0]  }
0x70: {  	v8 =	vld [tilespmem:s21+$0xFFFFFE00]  }
0x71: {  	v9 =	vld [tilespmem:s21+$0xFFFFFDA0]  }
0x72: {  	v10 =	vld [tilespmem:s21+$0xFFFFFD30]  }
0x73: {  	v11 =	vld [tilespmem:s21+$0xFFFFFD80]  }
0x74: {  	v12 =	vld [tilespmem:s21+$0xFFFFFD00]  }
0x75: {  	v13 =	vld [tilespmem:s21+$0xFFFFFC30]  }
0x76: {  	s22 =	simm.s32 @!p6 $0x0;
	p1 =	sne.s32 s20, $0x1FF;
	s26 =	sld [smem:$0x7FD];
	v14 =	vld [tilespmem:s21+$0xFFFFFC80]  }
0x77: {  	v15 =	vld [tilespmem:s21+$0xFFFFFC90];
	s22 =	simm.s32 @p6 $0x1;
	s17 =	smov.u32 @p0 s25;
	s25 =	sadd.s32 $0xFFFFFFF1, s18  }
0x78: {  	v16 =	vld [tilespmem:s21+$0xFFFFFC10];
	p6 =	por p5, p5;
	p5 =	por p4, p4;
	p4 =	por p3, p3  }
0x79: {  	v17 =	vld [tilespmem:s21+$0xFFFFFC00];
	p3 =	por p2, p2;
	[smem:$0x7FB] =	sst s22;
	s22 =	simm.s32 @!p1 $0x0  }
0x7a: {  	v18 =	vld [tilespmem:s21+$0xFFFFFD10];
	s22 =	simm.s32 @p1 $0x1;
	p1 =	sgt.f32 s24, s17;
	p2 =	seq.s32 s26, $0x1  }
0x7b: {  	v19 =	vld [tilespmem:s21+$0xFFFFFD90];
	s30 =	sld [smem:$0x7FB];
	s15 =	smov.u32 @p2 s25;
	s25 =	sadd.s32 $0xFFFFFFF2, s18  }
0x7c: {  	v20 =	vld [tilespmem:s21+$0xFFFFFE10];
	s17 =	smov.u32 @p1 s24;
	s15 =	smov.u32 @p3 s25;
	s24 =	sadd.s32 $0xFFFFFFF3, s18  }
0x7d: {  	(v2sf) =	vpush v2, $0xF;
	v21 =	vld [tilespmem:s21+$0xFFFFFE90];
	s15 =	smov.u32 @p4 s24;
	s24 =	sadd.s32 $0xFFFFFFF4, s18  }
0x7e: {  	v45 =	vld [tilespmem:s21+$0xFFFFFE20];
	s15 =	smov.u32 @p5 s24;
	s24 =	sadd.s32 $0xFFFFFFF5, s18;
	s25 =	spop (v2sf);
	(v2sf) =	vpush v4, $0xF  }
0x7f: {  	p3 =	seq.s32 s30, $0x1;
	s15 =	smov.u32 @p6 s24;
	s24 =	sadd.s32 $0xFFFFFFF6, s18;
	(v2sf) =	vpush v6, $0xF;
	v6 =	vld [tilespmem:s21+$0xFFFFFCA0]  }
0x80: {  	v2 =	vmul.f32 v7, v7;
	s15 =	smov.u32 @p3 s24;
	s24 =	spop (v2sf);
	(v2sf) =	vpush v5, $0xF;
	v5 =	vld [tilespmem:s21+$0xFFFFFC20]  }
0x81: {  	v7 =	vld [tilespmem:s21+$0xFFFFFCB0];
	v14 =	vmul.f32 v14, v14;
	v17 =	vmul.f32 v17, v17  }
0x82: {  	v22 =	vld [tilespmem:s21+$0xFFFFFF10];
	v15 =	vmul.f32 v15, v15;
	v20 =	vmul.f32 v20, v20  }
0x83: {  	v46 =	vld [tilespmem:s21+$0xFFFFFE30];
	v16 =	vmul.f32 v16, v16;
	v8 =	vmul.f32 v8, v8  }
0x84: {  	v23 =	vld [tilespmem:s21+$0xFFFFFF90];
	p2 =	sgt.f32 s23, s17;
	v14 =	vadd.f32 v15, v14;
	v6 =	vmul.f32 v6, v6  }
0x85: {  	v48 =	vld [tilespmem:s21+$0xFFFFFF00];
	v16 =	vadd.f32 v16, v17;
	v8 =	vadd.f32 v20, v8;
	v5 =	vmul.f32 v5, v5  }
0x86: {  	v25 =	vld [tilespmem:s21+$0x10];
	v15 =	vmul.f32 v45, v45;
	s17 =	smov.u32 @p2 s23;
	v7 =	vmul.f32 v7, v7;
	v6 =	vadd.f32 v6, v14  }
0x87: {  	v53 =	vld [tilespmem:s21+$0xFFFFFF20];
	v13 =	vmul.f32 v13, v13;
	s23 =	sadd.s32 $0xFFFFFFF7, s18;
	p3 =	sgt.f32 s25, s17;
	v5 =	vadd.f32 v5, v16  }
0x88: {  	v24 =	vld [tilespmem:s21+$0x20];
	s15 =	smov.u32 @p0 s23;
	s23 =	sadd.s32 $0xFFFFFFF8, s18;
	v6 =	vadd.f32 v7, v6;
	v7 =	vadd.f32 v15, v8;
	v8 =	vmul.f32 v46, v46  }
0x89: {  	v56 =	vld [tilespmem:s21+$0xFFFFFF30];
	v57 =	vmul.f32 v22, v22;
	s15 =	smov.u32 @p1 s23;
	s23 =	sadd.s32 $0xFFFFFFF9, s18;
	s17 =	smov.u32 @p3 s25  }
0x8a: {  	v26 =	vld [tilespmem:s21+$0xFFFFFE80];
	s15 =	smov.u32 @p2 s23;
	s23 =	sadd.s32 $0xFFFFFFFA, s18;
	p0 =	sgt.f32 s24, s17;
	v5 =	vadd.f32 v13, v5;
	v7 =	vadd.f32 v8, v7;
	v8 =	vmul.f32 v48, v48  }
0x8b: {  	v60 =	vld [tilespmem:s21+$0x30];
	v19 =	vmul.f32 v19, v19;
	v11 =	vmul.f32 v11, v11;
	s15 =	smov.u32 @p3 s23  }
0x8c: {  	v47 =	vld [tilespmem:s21+$0xFFFFFEA0];
	v51 =	vmul.f32 v25, v25;
	s23 =	sadd.s32 $0xFFFFFFFB, s18;
	s25 =	spop (v2sf);
	s17 =	smov.u32 @p0 s24;
	(xrf2) =	vadd.scan.msk.f32 $0xffff, v5;
	v5 =	vadd.f32 v57, v8;
	v8 =	vmul.f32 v53, v53  }
0x8d: {  	v54 =	vld [tilespmem:s21+$0xFFFFFF80];
	v9 =	vmul.f32 v9, v9;
	v49 =	vmul.f32 v24, v24;
	v11 =	vadd.f32 v19, v11;
	s15 =	smov.u32 @p0 s23;
	p0 =	sgt.f32 s25, s17  }
0x8e: {  	v2 =	vadd.f32 v51, v2;
	v4 =	vld [tilespmem:s21+$0xFFFFFD20];
	v5 =	vadd.f32 v8, v5;
	v8 =	vmul.f32 v56, v56  }
0x8f: {  	v58 =	vld [tilespmem:s21+$0xFFFFFFA0];
	v12 =	vmul.f32 v12, v12;
	v3 =	vmul.f32 v3, v3;
	v9 =	vadd.f32 v9, v11;
	s23 =	sadd.s32 $0xFFFFFFFC, s18;
	s24 =	spop (v2sf);
	s17 =	smov.u32 @p0 s25  }
0x90: {  	v50 =	vld [tilespmem:s21+$0xFFFFFEB0];
	v2 =	vadd.f32 v49, v2;
	s15 =	smov.u32 @p0 s23;
	p0 =	sgt.f32 s24, s17;
	(xrf2) =	vadd.scan.msk.f32 $0xffff, v6;
	v5 =	vadd.f32 v8, v5;
	v8 =	vmul.f32 v60, v60  }
0x91: {  	v61 =	vld [tilespmem:s21+$0xFFFFFFB0];
	v18 =	vmul.f32 v18, v18;
	v23 =	vmul.f32 v23, v23;
	v3 =	vadd.f32 v3, v9  }
0x92: {  	v27 =	vld [tilespmem:s21+$0x100];
	v52 =	vmul.f32 v26, v26;
	v63 =	vmul.f32 v54, v54;
	s23 =	sadd.s32 $0xFFFFFFFD, s18;
	s17 =	smov.u32 @p0 s24;
	s24 =	spop (v2sf);
	v2 =	vadd.f32 v8, v2  }
0x93: {  	v21 =	vmul.f32 v21, v21;
	v22 =	vld [tilespmem:s21+$0x180];
	v12 =	vadd.f32 v18, v12;
	v4 =	vmul.f32 v4, v4;
	s15 =	smov.u32 @p0 s23;
	(xrf2) =	vadd.scan.msk.f32 $0xffff, v3;
	p0 =	sgt.f32 s24, s17  }
0x94: {  	v10 =	vmul.f32 v10, v10;
	v20 =	vmul.f32 v58, v58;
	v6 =	vadd.f32 v23, v63;
	(xrf2) =	vadd.scan.msk.f32 $0xffff, v2;
	v2 =	vld [tilespmem:s21+$0x190]  }
0x95: {  	v28 =	vld [tilespmem:s21+$0xA0];
	v55 =	vadd.f32 v21, v52;
	v4 =	vadd.f32 v4, v12;
	v14 =	vmul.f32 v47, v47;
	s23 =	spop (v2sf);
	s17 =	smov.u32 @p0 s24  }
0x96: {  	v9 =	vmul.f32 v61, v61;
	v6 =	vadd.f32 v20, v6;
	p1 =	sgt.f32 s23, s17;
	v8 =	vld [tilespmem:s21+$0x1A0]  }
0x97: {  	v30 =	vld [tilespmem:s21+$0x120];
	v59 =	vmul.f32 v50, v50;
	v4 =	vadd.f32 v10, v4;
	v13 =	vadd.f32 v14, v55;
	v21, _, _ =	vpop (xrf2)  }
0x98: {  	v3 =	vadd.f32 v9, v6;
	v6 =	vld [tilespmem:s21+$0x1B0];
	s17 =	smov.u32 @p1 s23;
	s23 =	spop (v2sf);
	(v2sf) =	vpush v21, $0xF  }
0x99: {  	v26 =	vld [tilespmem:s21+$0x80];
	v10 =	vmul.f32 v22, v22;
	v62 =	vadd.f32 v59, v13;
	v2 =	vmul.f32 v2, v2  }
0x9a: {  	(xrf2) =	vadd.scan.msk.f32 $0xffff, v7;
	v7 =	vld [tilespmem:s21+$0x90];
	v24, _, _ =	vpop (xrf2)  }
0x9b: {  	v31 =	vld [tilespmem:s21+$0xB0];
	(xrf2) =	vadd.scan.msk.f32 $0xffff, v62;
	(v2sf) =	vpush v24, $0xF;
	v8 =	vmul.f32 v8, v8;
	v2 =	vadd.f32 v2, v10  }
0x9c: {  	v35 =	vld [tilespmem:s21+$0x210]  }
0x9d: {  	v39 =	vld [tilespmem:s21+$0x220];
	v6 =	vmul.f32 v6, v6;
	v2 =	vadd.f32 v8, v2  }
0x9e: {  	v23 =	vld [tilespmem:s21+$0x110];
	v29, _, _ =	vpop (xrf2);
	(xrf2) =	vadd.scan.msk.f32 $0xffff, v3  }
0x9f: {  	v3 =	vmul.f32 v26, v26;
	v7 =	vmul.f32 v7, v7;
	v33, _, _ =	vpop (xrf2);
	(xrf2) =	vadd.scan.msk.f32 $0xffff, v4;
	v2 =	vadd.f32 v6, v2;
	v6 =	vld [tilespmem:s21+$0x200]  }
0xa0: {  	v8 =	vld [tilespmem:s21+$0x290]  }
0xa1: {  	v38 =	vld [tilespmem:s21+$0x280];
	v34 =	vmul.f32 v27, v27;
	v3 =	vadd.f32 v7, v3;
	v7 =	vmul.f32 v28, v28  }
0xa2: {  	v32 =	vld [tilespmem:s21+$0x130];
	v36 =	vmul.f32 v30, v30;
	v44 =	vmul.f32 v39, v39  }
0xa3: {  	v41 =	vld [tilespmem:s21+$0x230];
	v12 =	vmul.f32 v23, v23;
	v3 =	vadd.f32 v7, v3;
	v7 =	vmul.f32 v31, v31  }
0xa4: {  	v11 =	vmul.f32 v35, v35;
	s24 =	sadd.s32 $0xFFFFFFFE, s18;
	v37, _, _ =	vpop (xrf2);
	(xrf2) =	vadd.scan.msk.f32 $0xffff, v5;
	v5 =	vld [tilespmem:s21+$0x2A0];
	v6 =	vmul.f32 v6, v6  }
0xa5: {  	v45 =	vld [tilespmem:s21+$0x300];
	s15 =	smov.u32 @p0 s24;
	p0 =	sgt.f32 s23, s17;
	v4 =	vadd.f32 v12, v34;
	v3 =	vadd.f32 v7, v3;
	v7 =	vmul.f32 v8, v8;
	v8, _, _ =	vpop (xrf2);
	(xrf2) =	vadd.scan.msk.f32 $0xffff, v2  }
0xa6: {  	[smem:$0x7FC] =	sst s22;
	v17 =	vmul.f32 v38, v38;
	s24 =	sadd.s32 $0xFFFFFFFF, s18;
	v9 =	vbroadcast v21, $0xF;
	v2 =	vld [tilespmem:s21+$0x2B0];
	v6 =	vadd.f32 v11, v6  }
0xa7: {  	v42 =	vld [tilespmem:s21+$0x310];
	s15 =	smov.u32 @p1 s24;
	s17 =	smov.u32 @p0 s23;
	v25 =	vbroadcast v24, $0xF;
	v10 =	vmul.f32 v32, v32;
	v4 =	vadd.f32 v36, v4;
	s22 =	spop (v2sf)  }
0xa8: {  	s15 =	smov.u32 @p0 s18;
	v40 =	vbroadcast v29, $0xF;
	v43, _, _ =	vpop (xrf2);
	(xrf2) =	vadd.scan.msk.f32 $0xffff, v3;
	p0 =	sgt.f32 s22, s17;
	v3 =	vadd.f32 v44, v6;
	v6 =	vmul.f32 v41, v41  }
0xa9: {  	v4 =	vadd.f32 v10, v4;
	v7 =	vadd.f32 v7, v17;
	v5 =	vmul.f32 v5, v5;
	v46, _, _ =	vpop (xrf2)  }
0xaa: {  	v12 =	vmul.f32 v45, v45;
	s17 =	smov.u32 @p0 s22;
	s22 =	spop (v2sf);
	(v2sf) =	vpush v46, $0xF;
	v3 =	vadd.f32 v6, v3;
	v6 =	vld [tilespmem:s21+$0x320]  }
0xab: {  	v5 =	vadd.f32 v5, v7;
	v2 =	vmul.f32 v2, v2;
	v47 =	vbroadcast v46, $0xF  }
0xac: {  	v51 =	vld [tilespmem:s21+$0x380];
	v9 =	vsel vm0, v9, v25;
	v49 =	vbroadcast v37, $0xF;
	v7 =	vmul.f32 v42, v42  }
0xad: {  	v48 =	vld [tilespmem:s21+$0x390];
	(xrf2) =	vadd.scan.msk.f32 $0xffff, v4;
	v2 =	vadd.f32 v2, v5;
	(v2sf) =	vpush v29, $0xF;
	v4 =	vsel vm1, v9, v47  }
0xae: {  	v52, _, _ =	vpop (xrf2);
	v5 =	vld [tilespmem:s21+$0x330];
	v4 =	vsel vm2, v4, v40  }
0xaf: {  	v55 =	vld [tilespmem:s21+$0x3A0];
	v58, _, _ =	vpop (xrf2);
	(xrf2) =	vadd.scan.msk.f32 $0xffff, v2;
	v2 =	vsel vm3, v4, v49;
	v4 =	vadd.f32 v7, v12;
	v6 =	vmul.f32 v6, v6  }
0xb0: {  	(v2sf) =	vpush v37, $0xF  }
0xb1: {  	(v2sf) =	vpush v52, $0xF;
	v4 =	vadd.f32 v6, v4;
	v6 =	vld [tilespmem:s21+$0x3B0]  }
0xb2: {  	v57 =	vmul.f32 v48, v48;
	v7 =	vmul.f32 v51, v51;
	(v2sf) =	vpush v43, $0xF  }
0xb3: {  	v50 =	vbroadcast v8, $0xF;
	(v2sf) =	vpush v8, $0xF;
	v5 =	vmul.f32 v5, v5  }
0xb4: {  	v54 =	vbroadcast v43, $0xF;
	v59, _, _ =	vpop (xrf2);
	(xrf2) =	vadd.scan.msk.f32 $0xffff, v3;
	v3 =	vmul.f32 v55, v55;
	v7 =	vadd.f32 v57, v7  }
0xb5: {  	v53 =	vbroadcast v52, $0xF;
	v2 =	vsel vm4, v2, v50;
	v63 =	vadd.f32 v5, v4  }
0xb6: {  	(v2sf) =	vpush v33, $0xF;
	v3 =	vadd.f32 v3, v7;
	v5 =	vmul.f32 v6, v6  }
0xb7: {  	v56 =	vbroadcast v33, $0xF;
	p2 =	sgt.f32 s22, s17;
	v2 =	vsel vm5, v2, v53;
	v61, _, _ =	vpop (xrf2);
	(xrf2) =	vadd.scan.msk.f32 $0xffff, v63  }
0xb8: {  	v60 =	vbroadcast v59, $0xF;
	v2 =	vsel vm6, v2, v54;
	v3 =	vadd.f32 v5, v3  }
0xb9: {  	s17 =	smov.u32 @p2 s22;
	v2 =	vsel vm7, v2, v56;
	v62 =	vbroadcast v61, $0xF;
	s22 =	spop (v2sf)  }
0xba: {  	s23 =	simm.s32 @!p0 $0x0;
	v2 =	vsel vm8, v2, v60;
	v4, _, _ =	vpop (xrf2);
	p3 =	sgt.f32 s22, s17;
	(xrf2) =	vadd.scan.msk.f32 $0xffff, v3  }
0xbb: {  	s23 =	simm.s32 @p0 $0x1;
	v2 =	vsel vm9, v2, v62  }
0xbc: {  	[smem:$0x7FD] =	sst s23;
	v8 =	vbroadcast v58, $0xF;
	s23 =	spop (v2sf);
	s17 =	smov.u32 @p3 s22  }
0xbd: {  	p4 =	sgt.f32 s23, s17  }
0xbe: {  	s31 =	sld [smem:$0x7FC];
	v6 =	vsel vm10, v2, v8;
	v2, _, _ =	vpop (xrf2)  }
0xbf: {  	v3 =	vbroadcast v2, $0xF;
	s26 =	spop (v2sf);
	s17 =	smov.u32 @p4 s23  }
0xc0: {  	v5 =	vbroadcast v4, $0xF;
	s25 =	spop (v2sf);
	p5 =	sgt.f32 s26, s17  }
0xc1: {  	p1 =	seq.s32 s31, $0x1;
	v3 =	vsel vm11, v6, v3;
	s24 =	spop (v2sf);
	v6, _, _ =	vpop (xrf2)  }
.Ltmp0:
0xc2: {  	s22 =	spop (v2sf);
	v7 =	vbroadcast v6, $0xF;
	s17 =	smov.u32 @p5 s26;
	(pc) =	sbr.rel @p1 .LBB2_3-.Ltmp0, $4  }
0xc3: {  	v3 =	vsel vm12, v3, v5;
	p6 =	sgt.f32 s22, s17  }
0xc4: {  	s19 =	sadd.s32 $0x10, s19;
	s29 =	smov.u32 s20;
	(v2sf) =	vpush v59, $0xF;
	v3 =	vsel vm13, v3, v7;
	v5, _, _ =	vpop (xrf2)  }
0xc5: {  	s20 =	sadd.s32 $0x10, s20;
	s23 =	spop (v2sf);
	(v2sf) =	vpush v61, $0xF;
	s17 =	smov.u32 @p6 s22;
	v3 =	vsel vm14, v3, v5  }
0xc6: {  	s18 =	smov.u32 s29;
	s21 =	sadd.s32 $0x800, s21;
	(v2sf) =	vpush v58, $0xF;
	p0 =	sgt.f32 s25, s17;
	[tilespmem:s19+$0x0] =	vst v3  }
0xc7: {  	_ = 	snop  }
0xc8: {  	s17 =	smov.u32 @p0 s25  }
0xc9: {  	p1 =	sgt.f32 s24, s17;
	_ =	sdelay $0x1  }
0xca: {  	s19 =	simm.s32 @!p1 $0x0;
	s17 =	smov.u32 @p1 s24  }
0xcb: {  	s19 =	simm.s32 @p1 $0x1;
	p1 =	sgt.f32 s23, s17;
	_ =	sdelay $0x1  }
0xcc: {  	s20 =	simm.s32 @!p1 $0x0  }
0xcd: {  	(v2sf) =	vpush v2, $0xF;
	s26 =	sld [smem:$0x7FD];
	s16 =	sshll.u32 s16, $0x6;
	s20 =	simm.s32 @p1 $0x1  }
0xce: {  	s16 =	sand.u32 $0x1FFFFBC0, s16;
	[smem:$0x7F9] =	sst s20  }
0xcf: {  	s16 =	sadd.s32 s1, s16;
	s21 =	sld [smem:$0x7F9]  }
0xd0: {  	(v2sf) =	vpush v4, $0xF;
	[hbm4b:s16+s3] =	stream.linear.scatter [tilespmem:s10], [sflag:$0x1], $0x200, $0x38;
	[tilespmem:$0x10A80] =	vst v63  }
0xd1: {  	[smem:$0x7FA] =	sst s19;
	s19 =	sadd.s32 $0xFFFFFFF1, s18;
	p1 =	seq.s32 s26, $0x1  }
0xd2: {  	s15 =	smov.u32 @p1 s19;
	p1 =	seq.s32 s21, $0x1  }
0xd3: {  	s19 =	sadd.s32 $0xFFFFFFF2, s18;
	s20 =	spop (v2sf);
	(v2sf) =	vpush v6, $0xF;
	s17 =	smov.u32 @p1 s23  }
0xd4: {  	s15 =	smov.u32 @p2 s19;
	s19 =	sadd.s32 $0xFFFFFFF3, s18;
	p2 =	sgt.f32 s20, s17  }
0xd5: {  	s15 =	smov.u32 @p3 s19  }
0xd6: {  	s19 =	sadd.s32 $0xFFFFFFF4, s18;
	s21 =	spop (v2sf);
	(v2sf) =	vpush v5, $0xF;
	s17 =	smov.u32 @p2 s20  }
0xd7: {  	s15 =	smov.u32 @p4 s19;
	s19 =	sadd.s32 $0xFFFFFFF5, s18;
	p3 =	sgt.f32 s21, s17  }
0xd8: {  	s28 =	sld [smem:$0x7FA];
	s15 =	smov.u32 @p5 s19  }
0xd9: {  	s19 =	sadd.s32 $0xFFFFFFF6, s18;
	s20 =	spop (v2sf);
	s17 =	smov.u32 @p3 s21  }
0xda: {  	s15 =	smov.u32 @p6 s19;
	s19 =	sadd.s32 $0xFFFFFFF7, s18;
	p4 =	sgt.f32 s20, s17  }
0xdb: {  	s15 =	smov.u32 @p0 s19;
	s19 =	sadd.s32 $0xFFFFFFF8, s18  }
0xdc: {  	p0 =	seq.s32 s28, $0x1;
	s17 =	smov.u32 @p4 s20;
	s20 =	spop (v2sf)  }
0xdd: {  	s15 =	smov.u32 @p0 s19;
	s19 =	sadd.s32 $0xFFFFFFF9, s18;
	p0 =	sgt.f32 s20, s17  }
0xde: {  	s15 =	smov.u32 @p1 s19  }
0xdf: {  	s19 =	sadd.s32 $0xFFFFFFFA, s18;
	s17 =	smov.u32 @p0 s20;
	s20 =	spop (v2sf)  }
0xe0: {  	s15 =	smov.u32 @p2 s19;
	s19 =	sadd.s32 $0xFFFFFFFB, s18;
	p1 =	sgt.f32 s20, s17  }
0xe1: {  	s15 =	smov.u32 @p3 s19  }
0xe2: {  	s19 =	sadd.s32 $0xFFFFFFFC, s18;
	s17 =	smov.u32 @p1 s20;
	s20 =	spop (v2sf)  }
0xe3: {  	s15 =	smov.u32 @p4 s19;
	s19 =	sadd.s32 $0xFFFFFFFD, s18;
	p2 =	sgt.f32 s20, s17  }
0xe4: {  	s15 =	smov.u32 @p0 s19  }
0xe5: {  	s19 =	sadd.s32 $0xFFFFFFFE, s18;
	s29 =	spop (v2sf);
	s17 =	smov.u32 @p2 s20  }
0xe6: {  	s15 =	smov.u32 @p1 s19;
	s20 =	sadd.s32 $0xFFFFFFFF, s18;
	p0 =	sgt.f32 s29, s17  }
0xe7: {  	s15 =	smov.u32 @p2 s20  }
0xe8: {  	_ =	swait.ge [sflag:s9], $0x200;
	s15 =	smov.u32 @p0 s18  }
0xe9: {  	[sflag:s9] =	ssyncset.done $0x0;
	s30 =	sshll.u32 s15, $0x9  }
0xea: {  	[sflag:s9] =	ssyncadd.s32 $0xFFFFFE00;
	s16 =	sshra.s32 s30, $0x2  }
0xeb: {  	v2 =	vld [tilespmem:s16+$0x0];
	_ =	sdelay $0x2  }
0xec: {  	s31 =	sshll.u32 s14, $0x6  }
0xed: {  	s17 =	sand.u32 $0x3FFFFFC0, s31  }
0xee: {  	[tilespmem:s17+$0x10280] =	vst v2  }
0xef: {  	v2 =	vld [tilespmem:s16+$0x10];
	_ =	sdelay $0x4  }
0xf0: {  	[tilespmem:s17+$0x10290] =	vst v2  }
0xf1: {  	v2 =	vld [tilespmem:s16+$0x20];
	_ =	sdelay $0x4  }
0xf2: {  	v3 =	vmov s14;
	s14 =	sadd.s32 $0x1, s14;
	[tilespmem:s17+$0x102A0] =	vst v2  }
0xf3: {  	p0 =	sne.s32 s14, $0x10;
	v2 =	vld [tilespmem:s16+$0x30]  }
.Ltmp1:
0xf4: {  	_ = 	snop;
	(pc) =	sbr.rel @p0 .LBB2_2-.Ltmp1, $3  }
0xf5: {  	_ =	sdelay $0x1  }
0xf6: {  	vm15 =	veq.s32 v3, v0  }
0xf7: {  	v1 =	vsel vm15, s15, v1;
	[tilespmem:s17+$0x102B0] =	vst v2  }
0xf8: {  	[tilespmem:$0x10200] =	vst v1;
	s14 =	simm.s32 $0x0;
	v1 =	vimm.s32 $0x0;
	s15 =	simm.s32 $0x0  }
.LBB2_6:
0xf9: {  	s16 =	sor.u32 $0x10, s15  }
0xfa: {  	s17 =	sor.u32 s5, s16  }
0xfb: {  	s18 =	sshll.u32 s17, $0xD  }
0xfc: {  	s18 =	sand.u32 $0x1FFFE000, s18  }
0xfd: {  	s18 =	sadd.s32 s4, s18  }
0xfe: {  	[tilespmem:s14], [sflag:$0x1] =	stream.linear.gather [hbm4b:s18+s14], $0x10000, $0x38;
	[tilespmem:$0x10A80] =	vst v63  }
0xff: {  	_ =	swait.ge [sflag:s9], $0x10000  }
0x100: {  	[sflag:s9] =	ssyncset.done $0x0  }
0x101: {  	s31 =	simm.s32 $0x400;
	[sflag:s9] =	ssyncadd.s32 $0xFFFF0000  }
0x102: {  	v2 =	vld [tilespmem:s31+$0x0]  }
0x103: {  	v3 =	vld [tilespmem:s31+$0xFFFFFDB0]  }
0x104: {  	v4 =	vld [tilespmem:s31+$0xFFFFFE00]  }
0x105: {  	v5 =	vld [tilespmem:s31+$0xFFFFFDA0]  }
0x106: {  	v6 =	vld [tilespmem:s31+$0xFFFFFD30]  }
0x107: {  	v7 =	vld [tilespmem:s31+$0xFFFFFD80]  }
0x108: {  	v8 =	vld [tilespmem:s31+$0xFFFFFD20]  }
0x109: {  	v9 =	vld [tilespmem:s31+$0xFFFFFCB0]  }
0x10a: {  	v10 =	vld [tilespmem:s31+$0xFFFFFD00]  }
0x10b: {  	v11 =	vld [tilespmem:s31+$0xFFFFFCA0]  }
0x10c: {  	v12 =	vld [tilespmem:s31+$0xFFFFFC30]  }
0x10d: {  	v13 =	vld [tilespmem:s31+$0xFFFFFC80]  }
0x10e: {  	v14 =	vld [tilespmem:s31+$0xFFFFFC20]  }
0x10f: {  	v15 =	vld [tilespmem:s31+$0xFFFFFC90]  }
0x110: {  	v16 =	vld [tilespmem:s31+$0xFFFFFC10]  }
0x111: {  	v17 =	vld [tilespmem:s31+$0xFFFFFC00]  }
0x112: {  	v18 =	vld [tilespmem:s31+$0xFFFFFD10]  }
0x113: {  	v19 =	vld [tilespmem:s31+$0xFFFFFD90]  }
0x114: {  	v20 =	vld [tilespmem:s31+$0xFFFFFE10]  }
0x115: {  	v21 =	vld [tilespmem:s31+$0xFFFFFE90]  }
0x116: {  	v22 =	vld [tilespmem:s31+$0xFFFFFF10]  }
0x117: {  	v23 =	vld [tilespmem:s31+$0xFFFFFF90]  }
0x118: {  	v24 =	vld [tilespmem:s31+$0x20]  }
0x119: {  	v25 =	vld [tilespmem:s31+$0x10];
	v13 =	vmul.f32 v13, v13  }
0x11a: {  	v26 =	vld [tilespmem:s31+$0xFFFFFE20];
	v17 =	vmul.f32 v17, v17;
	v11 =	vmul.f32 v11, v11  }
0x11b: {  	v27 =	vld [tilespmem:s31+$0xFFFFFE80];
	v15 =	vmul.f32 v15, v15;
	v19 =	vmul.f32 v19, v19  }
0x11c: {  	v28 =	vld [tilespmem:s31+$0xFFFFFE30];
	v7 =	vmul.f32 v7, v7;
	v20 =	vmul.f32 v20, v20  }
0x11d: {  	v46 =	vld [tilespmem:s31+$0xFFFFFEA0];
	v16 =	vmul.f32 v16, v16;
	v5 =	vmul.f32 v5, v5  }
0x11e: {  	v47 =	vld [tilespmem:s31+$0xFFFFFF00];
	v4 =	vmul.f32 v4, v4;
	v14 =	vmul.f32 v14, v14  }
0x11f: {  	v48 =	vld [tilespmem:s31+$0xFFFFFEB0];
	v2 =	vmul.f32 v2, v2;
	v50 =	vmul.f32 v26, v26  }
0x120: {  	v49 =	vld [tilespmem:s31+$0xFFFFFF20];
	v12 =	vmul.f32 v12, v12;
	v10 =	vmul.f32 v10, v10  }
0x121: {  	v51 =	vld [tilespmem:s31+$0xFFFFFF80];
	v53 =	vmul.f32 v27, v27;
	v21 =	vmul.f32 v21, v21  }
0x122: {  	v52 =	vld [tilespmem:s31+$0xFFFFFF30];
	v8 =	vmul.f32 v8, v8;
	v25 =	vmul.f32 v25, v25  }
0x123: {  	v54 =	vld [tilespmem:s31+$0x30];
	v18 =	vmul.f32 v18, v18;
	v23 =	vmul.f32 v23, v23  }
0x124: {  	v55 =	vld [tilespmem:s31+$0xFFFFFFA0];
	v3 =	vmul.f32 v3, v3;
	v13 =	vadd.f32 v15, v13;
	v7 =	vadd.f32 v19, v7  }
0x125: {  	v56 =	vld [tilespmem:s31+$0xFFFFFFB0];
	v24 =	vmul.f32 v24, v24;
	v16 =	vadd.f32 v16, v17;
	v4 =	vadd.f32 v20, v4  }
0x126: {  	v57 =	vld [tilespmem:s31+$0x1B0];
	v58 =	vmul.f32 v28, v28;
	v20 =	vadd.f32 v21, v53;
	v2 =	vadd.f32 v25, v2  }
0x127: {  	v59 =	vld [tilespmem:s31+$0x1A0];
	v10 =	vadd.f32 v18, v10;
	v15 =	vmul.f32 v46, v46;
	v14 =	vadd.f32 v14, v16  }
0x128: {  	v60 =	vld [tilespmem:s31+$0x190];
	v11 =	vadd.f32 v11, v13;
	v5 =	vadd.f32 v5, v7;
	v7 =	vmul.f32 v9, v9  }
0x129: {  	v62 =	vld [tilespmem:s31+$0x180];
	v4 =	vadd.f32 v50, v4;
	v16 =	vmul.f32 v51, v51;
	v12 =	vadd.f32 v12, v14  }
0x12a: {  	v29 =	vld [tilespmem:s31+$0x290];
	v17 =	vmul.f32 v54, v54;
	v2 =	vadd.f32 v24, v2;
	v7 =	vadd.f32 v7, v11  }
0x12b: {  	v32 =	vld [tilespmem:s31+$0x210];
	v61 =	vmul.f32 v55, v55;
	v3 =	vadd.f32 v3, v5;
	v5 =	vadd.f32 v23, v16;
	(xrf2) =	vadd.scan.msk.f32 $0xffff, v12  }
0x12c: {  	v36 =	vld [tilespmem:s31+$0x200];
	v15 =	vadd.f32 v15, v20;
	v13 =	vmul.f32 v48, v48;
	v2 =	vadd.f32 v17, v2;
	(xrf2) =	vadd.scan.msk.f32 $0xffff, v7  }
0x12d: {  	v38 =	vld [tilespmem:s31+$0x280];
	v63 =	vmul.f32 v56, v56;
	v4 =	vadd.f32 v58, v4;
	v5 =	vadd.f32 v61, v5;
	(xrf2) =	vadd.scan.msk.f32 $0xffff, v3  }
0x12e: {  	v40 =	vld [tilespmem:s31+$0x220];
	v6 =	vmul.f32 v6, v6;
	v8 =	vadd.f32 v8, v10;
	v20 =	vadd.f32 v13, v15;
	(xrf2) =	vadd.scan.msk.f32 $0xffff, v2  }
0x12f: {  	v28 =	vld [tilespmem:s31+$0x130];
	v5 =	vadd.f32 v63, v5;
	(xrf2) =	vadd.scan.msk.f32 $0xffff, v4  }
0x130: {  	v6 =	vadd.f32 v6, v8;
	v3 =	vld [tilespmem:s31+$0x90];
	(xrf2) =	vadd.scan.msk.f32 $0xffff, v20  }
0x131: {  	v22 =	vmul.f32 v22, v22;
	v21 =	vmul.f32 v47, v47;
	v2 =	vld [tilespmem:s31+$0x80];
	(xrf2) =	vadd.scan.msk.f32 $0xffff, v5  }
0x132: {  	v27 =	vmul.f32 v52, v52;
	v8 =	vld [tilespmem:s31+$0xA0];
	(xrf2) =	vadd.scan.msk.f32 $0xffff, v6  }
0x133: {  	v31 =	vmul.f32 v60, v60;
	v9 =	vmul.f32 v49, v49;
	v23 =	vadd.f32 v22, v21;
	v7 =	vld [tilespmem:s31+$0x110]  }
0x134: {  	v34 =	vmul.f32 v59, v59;
	v14 =	vmul.f32 v62, v62;
	v4 =	vld [tilespmem:s31+$0x100]  }
0x135: {  	v35 =	vmul.f32 v57, v57;
	v47 =	vmul.f32 v40, v40;
	v5 =	vld [tilespmem:s31+$0xB0];
	v6 =	vadd.f32 v9, v23;
	v30, _, _ =	vpop (xrf2)  }
0x136: {  	v26 =	vld [tilespmem:s31+$0x120];
	v9 =	vadd.f32 v31, v14;
	v3 =	vmul.f32 v3, v3;
	v2 =	vmul.f32 v2, v2;
	v33, _, _ =	vpop (xrf2)  }
0x137: {  	v46 =	vld [tilespmem:s31+$0x300];
	v10 =	vmul.f32 v28, v28;
	v6 =	vadd.f32 v27, v6;
	(v2sf) =	vpush v30, $0xF;
	v37, _, _ =	vpop (xrf2)  }
0x138: {  	v51 =	vld [tilespmem:s31+$0x380];
	v15 =	vmul.f32 v32, v32;
	v2 =	vadd.f32 v3, v2;
	v3 =	vmul.f32 v8, v8;
	v39, _, _ =	vpop (xrf2)  }
0x139: {  	v7 =	vmul.f32 v7, v7;
	v4 =	vmul.f32 v4, v4;
	v9 =	vadd.f32 v34, v9;
	v8, _, _ =	vpop (xrf2);
	(xrf2) =	vadd.scan.msk.f32 $0xffff, v6;
	v6 =	vld [tilespmem:s31+$0x2A0]  }
0x13a: {  	(v2sf) =	vpush v33, $0xF;
	v2 =	vadd.f32 v3, v2;
	v3 =	vmul.f32 v5, v5;
	v5 =	vld [tilespmem:s31+$0x310];
	v41, _, _ =	vpop (xrf2)  }
0x13b: {  	v44 =	vld [tilespmem:s31+$0x2B0];
	v11 =	vmul.f32 v29, v29;
	v4 =	vadd.f32 v7, v4;
	v7 =	vmul.f32 v26, v26;
	v43, _, _ =	vpop (xrf2)  }
0x13c: {  	v48 =	vld [tilespmem:s31+$0x390];
	v53 =	vmul.f32 v46, v46;
	v14 =	vmul.f32 v38, v38;
	v9 =	vadd.f32 v35, v9;
	v45, _, _ =	vpop (xrf2)  }
0x13d: {  	v49 =	vld [tilespmem:s31+$0x320];
	v4 =	vadd.f32 v7, v4;
	v7 =	vmul.f32 v36, v36;
	(v2sf) =	vpush v45, $0xF  }
0x13e: {  	v42 =	vld [tilespmem:s31+$0x230];
	v2 =	vadd.f32 v3, v2;
	v3 =	vadd.f32 v11, v14;
	v6 =	vmul.f32 v6, v6  }
0x13f: {  	v52 =	vld [tilespmem:s31+$0x330];
	v57 =	vmul.f32 v51, v51;
	v7 =	vadd.f32 v15, v7;
	v5 =	vmul.f32 v5, v5  }
0x140: {  	v54 =	vld [tilespmem:s31+$0x3A0];
	(xrf2) =	vadd.scan.msk.f32 $0xffff, v9;
	(v2sf) =	vpush v37, $0xF;
	v3 =	vadd.f32 v6, v3;
	v6 =	vmul.f32 v44, v44  }
0x141: {  	v4 =	vadd.f32 v10, v4;
	(xrf2) =	vadd.scan.msk.f32 $0xffff, v2;
	v2 =	vmul.f32 v48, v48;
	v7 =	vadd.f32 v47, v7  }
0x142: {  	v5 =	vadd.f32 v5, v53;
	v3 =	vadd.f32 v6, v3;
	v6 =	vmul.f32 v49, v49  }
0x143: {  	v56 =	vld [tilespmem:s31+$0x3B0];
	v50 =	vmul.f32 v42, v42;
	v2 =	vadd.f32 v2, v57;
	(v2sf) =	vpush v8, $0xF;
	v55, _, _ =	vpop (xrf2)  }
0x144: {  	v58 =	vbroadcast v30, $0xF;
	(xrf2) =	vadd.scan.msk.f32 $0xffff, v4;
	(v2sf) =	vpush v55, $0xF;
	v4 =	vadd.f32 v6, v5  }
0x145: {  	v5 =	vmul.f32 v52, v52;
	(xrf2) =	vadd.scan.msk.f32 $0xffff, v3;
	v3 =	vmul.f32 v54, v54;
	(v2sf) =	vpush v43, $0xF  }
0x146: {  	s18 =	simm.f32 $-1.000000000e+00;
	v7 =	vadd.f32 v50, v7;
	v6 =	vbroadcast v33, $0xF;
	s19 =	spop (v2sf);
	(v2sf) =	vpush v41, $0xF  }
0x147: {  	v59 =	vbroadcast v45, $0xF;
	p0 =	sgt.f32 s19, s18;
	v4 =	vadd.f32 v5, v4;
	v2 =	vadd.f32 v3, v2  }
0x148: {  	(xrf2) =	vadd.scan.msk.f32 $0xffff, v7;
	v3 =	vmul.f32 v56, v56;
	v5 =	vsel vm0, v58, v6;
	v6 =	vbroadcast v37, $0xF  }
0x149: {  	v5 =	vsel vm1, v5, v59;
	s18 =	smov.u32 @p0 s19;
	s19 =	spop (v2sf);
	(v2sf) =	vpush v39, $0xF;
	(xrf2) =	vadd.scan.msk.f32 $0xffff, v4;
	v4 =	vbroadcast v8, $0xF  }
0x14a: {  	v2 =	vadd.f32 v3, v2;
	v3 =	vbroadcast v41, $0xF;
	v5 =	vsel vm2, v5, v6;
	p2 =	sgt.f32 s19, s18  }
0x14b: {  	v6 =	vbroadcast v55, $0xF;
	v4 =	vsel vm3, v5, v4  }
0x14c: {  	(xrf2) =	vadd.scan.msk.f32 $0xffff, v2;
	v2 =	vbroadcast v43, $0xF;
	s18 =	smov.u32 @p2 s19;
	v3 =	vsel vm4, v4, v3;
	s19 =	spop (v2sf)  }
0x14d: {  	v7, _, _ =	vpop (xrf2);
	s20 =	simm.s32 @!p0 $0x0;
	v4 =	vbroadcast v39, $0xF;
	v3 =	vsel vm5, v3, v6;
	p3 =	sgt.f32 s19, s18  }
0x14e: {  	s20 =	simm.s32 @p0 $0x1;
	v5, _, _ =	vpop (xrf2);
	v2 =	vsel vm6, v3, v2  }
0x14f: {  	[smem:$0x7F8] =	sst s20;
	v8, _, _ =	vpop (xrf2);
	s20 =	spop (v2sf);
	v2 =	vsel vm7, v2, v4;
	s18 =	smov.u32 @p3 s19  }
0x150: {  	v3 =	vbroadcast v5, $0xF;
	v6 =	vbroadcast v8, $0xF;
	p4 =	sgt.f32 s20, s18  }
0x151: {  	v4, _, _ =	vpop (xrf2)  }
0x152: {  	v60 =	vbroadcast v7, $0xF;
	v3 =	vsel vm8, v2, v3;
	s19 =	spop (v2sf);
	v2, _, _ =	vpop (xrf2);
	s18 =	smov.u32 @p4 s20  }
0x153: {  	v3 =	vsel vm9, v3, v6;
	v61 =	vbroadcast v2, $0xF;
	s28 =	spop (v2sf);
	p5 =	sgt.f32 s19, s18  }
0x154: {  	v62 =	vbroadcast v4, $0xF;
	v3 =	vsel vm10, v3, v60;
	v6, _, _ =	vpop (xrf2);
	s26 =	spop (v2sf)  }
0x155: {  	v63 =	vbroadcast v6, $0xF;
	v3 =	vsel vm11, v3, v61;
	s23 =	spop (v2sf);
	s18 =	smov.u32 @p5 s19  }
0x156: {  	v3 =	vsel vm12, v3, v62;
	p6 =	sgt.f32 s23, s18  }
0x157: {  	s21 =	simm.s32 $0x10000;
	s22 =	simm.s32 $0x1F;
	(v2sf) =	vpush v5, $0xF;
	v5, _, _ =	vpop (xrf2);
	v3 =	vsel vm13, v3, v63  }
0x158: {  	s20 =	simm.s32 $0xF;
	s25 =	spop (v2sf);
	(v2sf) =	vpush v8, $0xF;
	v3 =	vsel vm14, v3, v5;
	s18 =	smov.u32 @p6 s23  }
0x159: {  	s19 =	simm.s32 $0x0;
	[tilespmem:s21+$0x0] =	vst v3;
	(v2sf) =	vpush v7, $0xF;
	s23 =	simm.s32 $0xC00;
	p0 =	sgt.f32 s28, s18  }
.LBB2_7:
0x15a: {  	v7 =	vld [tilespmem:s23+$0x0]  }
0x15b: {  	v3 =	vld [tilespmem:s23+$0xFFFFFDB0]  }
0x15c: {  	v8 =	vld [tilespmem:s23+$0xFFFFFE00]  }
0x15d: {  	v9 =	vld [tilespmem:s23+$0xFFFFFDA0]  }
0x15e: {  	v10 =	vld [tilespmem:s23+$0xFFFFFD30]  }
0x15f: {  	v11 =	vld [tilespmem:s23+$0xFFFFFD80]  }
0x160: {  	v12 =	vld [tilespmem:s23+$0xFFFFFD00]  }
0x161: {  	v13 =	vld [tilespmem:s23+$0xFFFFFC30]  }
0x162: {  	s24 =	simm.s32 @!p6 $0x0;
	p1 =	sne.s32 s22, $0x1FF;
	s29 =	sld [smem:$0x7F8];
	v14 =	vld [tilespmem:s23+$0xFFFFFC80]  }
0x163: {  	v15 =	vld [tilespmem:s23+$0xFFFFFC90];
	s24 =	simm.s32 @p6 $0x1;
	s18 =	smov.u32 @p0 s28;
	s28 =	sadd.s32 $0xFFFFFFF1, s20  }
0x164: {  	v16 =	vld [tilespmem:s23+$0xFFFFFC10];
	p6 =	por p5, p5;
	p5 =	por p4, p4;
	p4 =	por p3, p3  }
0x165: {  	v17 =	vld [tilespmem:s23+$0xFFFFFC00];
	p3 =	por p2, p2;
	[smem:$0x7F6] =	sst s24;
	s24 =	simm.s32 @!p1 $0x0  }
0x166: {  	v18 =	vld [tilespmem:s23+$0xFFFFFD10];
	s24 =	simm.s32 @p1 $0x1;
	p1 =	sgt.f32 s26, s18;
	p2 =	seq.s32 s29, $0x1  }
0x167: {  	v19 =	vld [tilespmem:s23+$0xFFFFFD90];
	s30 =	sld [smem:$0x7F6];
	s19 =	smov.u32 @p2 s28;
	s28 =	sadd.s32 $0xFFFFFFF2, s20  }
0x168: {  	v20 =	vld [tilespmem:s23+$0xFFFFFE10];
	s18 =	smov.u32 @p1 s26;
	s19 =	smov.u32 @p3 s28;
	s26 =	sadd.s32 $0xFFFFFFF3, s20  }
0x169: {  	(v2sf) =	vpush v2, $0xF;
	v21 =	vld [tilespmem:s23+$0xFFFFFE90];
	s19 =	smov.u32 @p4 s26;
	s26 =	sadd.s32 $0xFFFFFFF4, s20  }
0x16a: {  	v45 =	vld [tilespmem:s23+$0xFFFFFE20];
	s19 =	smov.u32 @p5 s26;
	s26 =	sadd.s32 $0xFFFFFFF5, s20;
	s28 =	spop (v2sf);
	(v2sf) =	vpush v4, $0xF  }
0x16b: {  	p3 =	seq.s32 s30, $0x1;
	s19 =	smov.u32 @p6 s26;
	s26 =	sadd.s32 $0xFFFFFFF6, s20;
	(v2sf) =	vpush v6, $0xF;
	v6 =	vld [tilespmem:s23+$0xFFFFFCA0]  }
0x16c: {  	v2 =	vmul.f32 v7, v7;
	s19 =	smov.u32 @p3 s26;
	s26 =	spop (v2sf);
	(v2sf) =	vpush v5, $0xF;
	v5 =	vld [tilespmem:s23+$0xFFFFFC20]  }
0x16d: {  	v7 =	vld [tilespmem:s23+$0xFFFFFCB0];
	v14 =	vmul.f32 v14, v14;
	v17 =	vmul.f32 v17, v17  }
0x16e: {  	v22 =	vld [tilespmem:s23+$0xFFFFFF10];
	v15 =	vmul.f32 v15, v15;
	v20 =	vmul.f32 v20, v20  }
0x16f: {  	v46 =	vld [tilespmem:s23+$0xFFFFFE30];
	v16 =	vmul.f32 v16, v16;
	v8 =	vmul.f32 v8, v8  }
0x170: {  	v23 =	vld [tilespmem:s23+$0xFFFFFF90];
	p2 =	sgt.f32 s25, s18;
	v14 =	vadd.f32 v15, v14;
	v6 =	vmul.f32 v6, v6  }
0x171: {  	v48 =	vld [tilespmem:s23+$0xFFFFFF00];
	v16 =	vadd.f32 v16, v17;
	v8 =	vadd.f32 v20, v8;
	v5 =	vmul.f32 v5, v5  }
0x172: {  	v25 =	vld [tilespmem:s23+$0x10];
	v15 =	vmul.f32 v45, v45;
	s18 =	smov.u32 @p2 s25;
	v7 =	vmul.f32 v7, v7;
	v6 =	vadd.f32 v6, v14  }
0x173: {  	v53 =	vld [tilespmem:s23+$0xFFFFFF20];
	v13 =	vmul.f32 v13, v13;
	s25 =	sadd.s32 $0xFFFFFFF7, s20;
	p3 =	sgt.f32 s28, s18;
	v5 =	vadd.f32 v5, v16  }
0x174: {  	v24 =	vld [tilespmem:s23+$0x20];
	s19 =	smov.u32 @p0 s25;
	s25 =	sadd.s32 $0xFFFFFFF8, s20;
	v6 =	vadd.f32 v7, v6;
	v7 =	vadd.f32 v15, v8;
	v8 =	vmul.f32 v46, v46  }
0x175: {  	v56 =	vld [tilespmem:s23+$0xFFFFFF30];
	v57 =	vmul.f32 v22, v22;
	s19 =	smov.u32 @p1 s25;
	s25 =	sadd.s32 $0xFFFFFFF9, s20;
	s18 =	smov.u32 @p3 s28  }
0x176: {  	v26 =	vld [tilespmem:s23+$0xFFFFFE80];
	s19 =	smov.u32 @p2 s25;
	s25 =	sadd.s32 $0xFFFFFFFA, s20;
	p0 =	sgt.f32 s26, s18;
	v5 =	vadd.f32 v13, v5;
	v7 =	vadd.f32 v8, v7;
	v8 =	vmul.f32 v48, v48  }
0x177: {  	v60 =	vld [tilespmem:s23+$0x30];
	v19 =	vmul.f32 v19, v19;
	v11 =	vmul.f32 v11, v11;
	s19 =	smov.u32 @p3 s25  }
0x178: {  	v47 =	vld [tilespmem:s23+$0xFFFFFEA0];
	v51 =	vmul.f32 v25, v25;
	s25 =	sadd.s32 $0xFFFFFFFB, s20;
	s28 =	spop (v2sf);
	s18 =	smov.u32 @p0 s26;
	(xrf2) =	vadd.scan.msk.f32 $0xffff, v5;
	v5 =	vadd.f32 v57, v8;
	v8 =	vmul.f32 v53, v53  }
0x179: {  	v54 =	vld [tilespmem:s23+$0xFFFFFF80];
	v9 =	vmul.f32 v9, v9;
	v49 =	vmul.f32 v24, v24;
	v11 =	vadd.f32 v19, v11;
	s19 =	smov.u32 @p0 s25;
	p0 =	sgt.f32 s28, s18  }
0x17a: {  	v2 =	vadd.f32 v51, v2;
	v4 =	vld [tilespmem:s23+$0xFFFFFD20];
	v5 =	vadd.f32 v8, v5;
	v8 =	vmul.f32 v56, v56  }
0x17b: {  	v58 =	vld [tilespmem:s23+$0xFFFFFFA0];
	v12 =	vmul.f32 v12, v12;
	v3 =	vmul.f32 v3, v3;
	v9 =	vadd.f32 v9, v11;
	s25 =	sadd.s32 $0xFFFFFFFC, s20;
	s26 =	spop (v2sf);
	s18 =	smov.u32 @p0 s28  }
0x17c: {  	v50 =	vld [tilespmem:s23+$0xFFFFFEB0];
	v2 =	vadd.f32 v49, v2;
	s19 =	smov.u32 @p0 s25;
	p0 =	sgt.f32 s26, s18;
	(xrf2) =	vadd.scan.msk.f32 $0xffff, v6;
	v5 =	vadd.f32 v8, v5;
	v8 =	vmul.f32 v60, v60  }
0x17d: {  	v61 =	vld [tilespmem:s23+$0xFFFFFFB0];
	v18 =	vmul.f32 v18, v18;
	v23 =	vmul.f32 v23, v23;
	v3 =	vadd.f32 v3, v9  }
0x17e: {  	v27 =	vld [tilespmem:s23+$0x100];
	v52 =	vmul.f32 v26, v26;
	v63 =	vmul.f32 v54, v54;
	s25 =	sadd.s32 $0xFFFFFFFD, s20;
	s18 =	smov.u32 @p0 s26;
	s26 =	spop (v2sf);
	v2 =	vadd.f32 v8, v2  }
0x17f: {  	v21 =	vmul.f32 v21, v21;
	v22 =	vld [tilespmem:s23+$0x180];
	v12 =	vadd.f32 v18, v12;
	v4 =	vmul.f32 v4, v4;
	s19 =	smov.u32 @p0 s25;
	(xrf2) =	vadd.scan.msk.f32 $0xffff, v3;
	p0 =	sgt.f32 s26, s18  }
0x180: {  	v10 =	vmul.f32 v10, v10;
	v20 =	vmul.f32 v58, v58;
	v6 =	vadd.f32 v23, v63;
	(xrf2) =	vadd.scan.msk.f32 $0xffff, v2;
	v2 =	vld [tilespmem:s23+$0x190]  }
0x181: {  	v28 =	vld [tilespmem:s23+$0xA0];
	v55 =	vadd.f32 v21, v52;
	v4 =	vadd.f32 v4, v12;
	v14 =	vmul.f32 v47, v47;
	s25 =	spop (v2sf);
	s18 =	smov.u32 @p0 s26  }
0x182: {  	v9 =	vmul.f32 v61, v61;
	v6 =	vadd.f32 v20, v6;
	p1 =	sgt.f32 s25, s18;
	v8 =	vld [tilespmem:s23+$0x1A0]  }
0x183: {  	v30 =	vld [tilespmem:s23+$0x120];
	v59 =	vmul.f32 v50, v50;
	v4 =	vadd.f32 v10, v4;
	v13 =	vadd.f32 v14, v55;
	v21, _, _ =	vpop (xrf2)  }
0x184: {  	v3 =	vadd.f32 v9, v6;
	v6 =	vld [tilespmem:s23+$0x1B0];
	s18 =	smov.u32 @p1 s25;
	s25 =	spop (v2sf);
	(v2sf) =	vpush v21, $0xF  }
0x185: {  	v26 =	vld [tilespmem:s23+$0x80];
	v10 =	vmul.f32 v22, v22;
	v62 =	vadd.f32 v59, v13;
	v2 =	vmul.f32 v2, v2  }
0x186: {  	(xrf2) =	vadd.scan.msk.f32 $0xffff, v7;
	v7 =	vld [tilespmem:s23+$0x90];
	v24, _, _ =	vpop (xrf2)  }
0x187: {  	v31 =	vld [tilespmem:s23+$0xB0];
	(xrf2) =	vadd.scan.msk.f32 $0xffff, v62;
	(v2sf) =	vpush v24, $0xF;
	v8 =	vmul.f32 v8, v8;
	v2 =	vadd.f32 v2, v10  }
0x188: {  	v35 =	vld [tilespmem:s23+$0x210]  }
0x189: {  	v39 =	vld [tilespmem:s23+$0x220];
	v6 =	vmul.f32 v6, v6;
	v2 =	vadd.f32 v8, v2  }
0x18a: {  	v23 =	vld [tilespmem:s23+$0x110];
	v29, _, _ =	vpop (xrf2);
	(xrf2) =	vadd.scan.msk.f32 $0xffff, v3  }
0x18b: {  	v3 =	vmul.f32 v26, v26;
	v7 =	vmul.f32 v7, v7;
	v33, _, _ =	vpop (xrf2);
	(xrf2) =	vadd.scan.msk.f32 $0xffff, v4;
	v2 =	vadd.f32 v6, v2;
	v6 =	vld [tilespmem:s23+$0x200]  }
0x18c: {  	v8 =	vld [tilespmem:s23+$0x290]  }
0x18d: {  	v38 =	vld [tilespmem:s23+$0x280];
	v34 =	vmul.f32 v27, v27;
	v3 =	vadd.f32 v7, v3;
	v7 =	vmul.f32 v28, v28  }
0x18e: {  	v32 =	vld [tilespmem:s23+$0x130];
	v36 =	vmul.f32 v30, v30;
	v44 =	vmul.f32 v39, v39  }
0x18f: {  	v41 =	vld [tilespmem:s23+$0x230];
	v12 =	vmul.f32 v23, v23;
	v3 =	vadd.f32 v7, v3;
	v7 =	vmul.f32 v31, v31  }
0x190: {  	v11 =	vmul.f32 v35, v35;
	s26 =	sadd.s32 $0xFFFFFFFE, s20;
	v37, _, _ =	vpop (xrf2);
	(xrf2) =	vadd.scan.msk.f32 $0xffff, v5;
	v5 =	vld [tilespmem:s23+$0x2A0];
	v6 =	vmul.f32 v6, v6  }
0x191: {  	v45 =	vld [tilespmem:s23+$0x300];
	s19 =	smov.u32 @p0 s26;
	p0 =	sgt.f32 s25, s18;
	v4 =	vadd.f32 v12, v34;
	v3 =	vadd.f32 v7, v3;
	v7 =	vmul.f32 v8, v8;
	v8, _, _ =	vpop (xrf2);
	(xrf2) =	vadd.scan.msk.f32 $0xffff, v2  }
0x192: {  	[smem:$0x7F7] =	sst s24;
	v17 =	vmul.f32 v38, v38;
	s26 =	sadd.s32 $0xFFFFFFFF, s20;
	v9 =	vbroadcast v21, $0xF;
	v2 =	vld [tilespmem:s23+$0x2B0];
	v6 =	vadd.f32 v11, v6  }
0x193: {  	v42 =	vld [tilespmem:s23+$0x310];
	s19 =	smov.u32 @p1 s26;
	s18 =	smov.u32 @p0 s25;
	v25 =	vbroadcast v24, $0xF;
	v10 =	vmul.f32 v32, v32;
	v4 =	vadd.f32 v36, v4;
	s24 =	spop (v2sf)  }
0x194: {  	s19 =	smov.u32 @p0 s20;
	v40 =	vbroadcast v29, $0xF;
	v43, _, _ =	vpop (xrf2);
	(xrf2) =	vadd.scan.msk.f32 $0xffff, v3;
	p0 =	sgt.f32 s24, s18;
	v3 =	vadd.f32 v44, v6;
	v6 =	vmul.f32 v41, v41  }
0x195: {  	v4 =	vadd.f32 v10, v4;
	v7 =	vadd.f32 v7, v17;
	v5 =	vmul.f32 v5, v5;
	v46, _, _ =	vpop (xrf2)  }
0x196: {  	v12 =	vmul.f32 v45, v45;
	s18 =	smov.u32 @p0 s24;
	s24 =	spop (v2sf);
	(v2sf) =	vpush v46, $0xF;
	v3 =	vadd.f32 v6, v3;
	v6 =	vld [tilespmem:s23+$0x320]  }
0x197: {  	v5 =	vadd.f32 v5, v7;
	v2 =	vmul.f32 v2, v2;
	v47 =	vbroadcast v46, $0xF  }
0x198: {  	v51 =	vld [tilespmem:s23+$0x380];
	v9 =	vsel vm0, v9, v25;
	v49 =	vbroadcast v37, $0xF;
	v7 =	vmul.f32 v42, v42  }
0x199: {  	v48 =	vld [tilespmem:s23+$0x390];
	(xrf2) =	vadd.scan.msk.f32 $0xffff, v4;
	v2 =	vadd.f32 v2, v5;
	(v2sf) =	vpush v29, $0xF;
	v4 =	vsel vm1, v9, v47  }
0x19a: {  	v52, _, _ =	vpop (xrf2);
	v5 =	vld [tilespmem:s23+$0x330];
	v4 =	vsel vm2, v4, v40  }
0x19b: {  	v55 =	vld [tilespmem:s23+$0x3A0];
	v58, _, _ =	vpop (xrf2);
	(xrf2) =	vadd.scan.msk.f32 $0xffff, v2;
	v2 =	vsel vm3, v4, v49;
	v4 =	vadd.f32 v7, v12;
	v6 =	vmul.f32 v6, v6  }
0x19c: {  	(v2sf) =	vpush v37, $0xF  }
0x19d: {  	(v2sf) =	vpush v52, $0xF;
	v4 =	vadd.f32 v6, v4;
	v6 =	vld [tilespmem:s23+$0x3B0]  }
0x19e: {  	v57 =	vmul.f32 v48, v48;
	v7 =	vmul.f32 v51, v51;
	(v2sf) =	vpush v43, $0xF  }
0x19f: {  	v50 =	vbroadcast v8, $0xF;
	(v2sf) =	vpush v8, $0xF;
	v5 =	vmul.f32 v5, v5  }
0x1a0: {  	v54 =	vbroadcast v43, $0xF;
	v59, _, _ =	vpop (xrf2);
	(xrf2) =	vadd.scan.msk.f32 $0xffff, v3;
	v3 =	vmul.f32 v55, v55;
	v7 =	vadd.f32 v57, v7  }
0x1a1: {  	v53 =	vbroadcast v52, $0xF;
	v2 =	vsel vm4, v2, v50;
	v63 =	vadd.f32 v5, v4  }
0x1a2: {  	(v2sf) =	vpush v33, $0xF;
	v3 =	vadd.f32 v3, v7;
	v5 =	vmul.f32 v6, v6  }
0x1a3: {  	v56 =	vbroadcast v33, $0xF;
	p2 =	sgt.f32 s24, s18;
	v2 =	vsel vm5, v2, v53;
	v61, _, _ =	vpop (xrf2);
	(xrf2) =	vadd.scan.msk.f32 $0xffff, v63  }
0x1a4: {  	v60 =	vbroadcast v59, $0xF;
	v2 =	vsel vm6, v2, v54;
	v3 =	vadd.f32 v5, v3  }
0x1a5: {  	s18 =	smov.u32 @p2 s24;
	v2 =	vsel vm7, v2, v56;
	v62 =	vbroadcast v61, $0xF;
	s24 =	spop (v2sf)  }
0x1a6: {  	s25 =	simm.s32 @!p0 $0x0;
	v2 =	vsel vm8, v2, v60;
	v4, _, _ =	vpop (xrf2);
	p3 =	sgt.f32 s24, s18;
	(xrf2) =	vadd.scan.msk.f32 $0xffff, v3  }
0x1a7: {  	s25 =	simm.s32 @p0 $0x1;
	v2 =	vsel vm9, v2, v62  }
0x1a8: {  	[smem:$0x7F8] =	sst s25;
	v8 =	vbroadcast v58, $0xF;
	s25 =	spop (v2sf);
	s18 =	smov.u32 @p3 s24  }
0x1a9: {  	s31 =	smov.u32 s22;
	p4 =	sgt.f32 s25, s18  }
0x1aa: {  	s20 =	smov.u32 s31;
	s31 =	sld [smem:$0x7F7];
	v6 =	vsel vm10, v2, v8;
	v2, _, _ =	vpop (xrf2)  }
0x1ab: {  	v3 =	vbroadcast v2, $0xF;
	s29 =	spop (v2sf);
	s18 =	smov.u32 @p4 s25  }
0x1ac: {  	v5 =	vbroadcast v4, $0xF;
	s28 =	spop (v2sf);
	p5 =	sgt.f32 s29, s18  }
0x1ad: {  	p1 =	seq.s32 s31, $0x1;
	v3 =	vsel vm11, v6, v3;
	s26 =	spop (v2sf);
	v6, _, _ =	vpop (xrf2)  }
.Ltmp2:
0x1ae: {  	s24 =	spop (v2sf);
	v7 =	vbroadcast v6, $0xF;
	s18 =	smov.u32 @p5 s29;
	(pc) =	sbr.rel @p1 .LBB2_7-.Ltmp2, $4  }
0x1af: {  	v3 =	vsel vm12, v3, v5;
	p6 =	sgt.f32 s24, s18  }
0x1b0: {  	(v2sf) =	vpush v59, $0xF;
	v3 =	vsel vm13, v3, v7;
	v5, _, _ =	vpop (xrf2)  }
0x1b1: {  	s21 =	sadd.s32 $0x10, s21;
	s25 =	spop (v2sf);
	(v2sf) =	vpush v61, $0xF;
	s18 =	smov.u32 @p6 s24;
	v3 =	vsel vm14, v3, v5  }
0x1b2: {  	s22 =	sadd.s32 $0x10, s22;
	s23 =	sadd.s32 $0x800, s23;
	(v2sf) =	vpush v58, $0xF;
	p0 =	sgt.f32 s28, s18;
	[tilespmem:s21+$0x0] =	vst v3  }
0x1b3: {  	_ = 	snop  }
0x1b4: {  	s18 =	smov.u32 @p0 s28  }
0x1b5: {  	p1 =	sgt.f32 s26, s18;
	_ =	sdelay $0x1  }
0x1b6: {  	s21 =	simm.s32 @!p1 $0x0;
	s18 =	smov.u32 @p1 s26  }
0x1b7: {  	s21 =	simm.s32 @p1 $0x1;
	p1 =	sgt.f32 s25, s18;
	_ =	sdelay $0x1  }
0x1b8: {  	s22 =	simm.s32 @!p1 $0x0  }
0x1b9: {  	(v2sf) =	vpush v2, $0xF;
	s17 =	sshll.u32 s17, $0x6;
	s28 =	sld [smem:$0x7F8];
	s22 =	simm.s32 @p1 $0x1  }
0x1ba: {  	s17 =	sand.u32 $0x1FFFFFC0, s17;
	[smem:$0x7F4] =	sst s22  }
0x1bb: {  	s17 =	sadd.s32 s1, s17;
	s23 =	sld [smem:$0x7F4]  }
0x1bc: {  	(v2sf) =	vpush v4, $0xF;
	[hbm4b:s17+s3] =	stream.linear.scatter [tilespmem:s10], [sflag:$0x1], $0x200, $0x38;
	[tilespmem:$0x10A80] =	vst v63  }
0x1bd: {  	[smem:$0x7F5] =	sst s21;
	s21 =	sadd.s32 $0xFFFFFFF1, s20;
	p1 =	seq.s32 s28, $0x1  }
0x1be: {  	s19 =	smov.u32 @p1 s21;
	p1 =	seq.s32 s23, $0x1  }
0x1bf: {  	s21 =	sadd.s32 $0xFFFFFFF2, s20;
	s22 =	spop (v2sf);
	(v2sf) =	vpush v6, $0xF;
	s18 =	smov.u32 @p1 s25  }
0x1c0: {  	s19 =	smov.u32 @p2 s21;
	s21 =	sadd.s32 $0xFFFFFFF3, s20;
	p2 =	sgt.f32 s22, s18  }
0x1c1: {  	s19 =	smov.u32 @p3 s21  }
0x1c2: {  	s21 =	sadd.s32 $0xFFFFFFF4, s20;
	s23 =	spop (v2sf);
	(v2sf) =	vpush v5, $0xF;
	s18 =	smov.u32 @p2 s22  }
0x1c3: {  	s19 =	smov.u32 @p4 s21;
	s21 =	sadd.s32 $0xFFFFFFF5, s20;
	p3 =	sgt.f32 s23, s18  }
0x1c4: {  	s29 =	sld [smem:$0x7F5];
	s19 =	smov.u32 @p5 s21  }
0x1c5: {  	s21 =	sadd.s32 $0xFFFFFFF6, s20;
	s22 =	spop (v2sf);
	s18 =	smov.u32 @p3 s23  }
0x1c6: {  	s19 =	smov.u32 @p6 s21;
	s21 =	sadd.s32 $0xFFFFFFF7, s20;
	p4 =	sgt.f32 s22, s18  }
0x1c7: {  	s19 =	smov.u32 @p0 s21;
	s21 =	sadd.s32 $0xFFFFFFF8, s20  }
0x1c8: {  	p0 =	seq.s32 s29, $0x1;
	s18 =	smov.u32 @p4 s22;
	s22 =	spop (v2sf)  }
0x1c9: {  	s19 =	smov.u32 @p0 s21;
	s21 =	sadd.s32 $0xFFFFFFF9, s20;
	p0 =	sgt.f32 s22, s18  }
0x1ca: {  	s19 =	smov.u32 @p1 s21  }
0x1cb: {  	s21 =	sadd.s32 $0xFFFFFFFA, s20;
	s18 =	smov.u32 @p0 s22;
	s22 =	spop (v2sf)  }
0x1cc: {  	s19 =	smov.u32 @p2 s21;
	s21 =	sadd.s32 $0xFFFFFFFB, s20;
	p1 =	sgt.f32 s22, s18  }
0x1cd: {  	s19 =	smov.u32 @p3 s21  }
0x1ce: {  	s21 =	sadd.s32 $0xFFFFFFFC, s20;
	s18 =	smov.u32 @p1 s22;
	s22 =	spop (v2sf)  }
0x1cf: {  	s19 =	smov.u32 @p4 s21;
	s21 =	sadd.s32 $0xFFFFFFFD, s20;
	p2 =	sgt.f32 s22, s18  }
0x1d0: {  	s19 =	smov.u32 @p0 s21  }
0x1d1: {  	s21 =	sadd.s32 $0xFFFFFFFE, s20;
	s30 =	spop (v2sf);
	s18 =	smov.u32 @p2 s22  }
0x1d2: {  	s19 =	smov.u32 @p1 s21;
	s22 =	sadd.s32 $0xFFFFFFFF, s20;
	p0 =	sgt.f32 s30, s18  }
0x1d3: {  	s19 =	smov.u32 @p2 s22  }
0x1d4: {  	_ =	swait.ge [sflag:s9], $0x200;
	s19 =	smov.u32 @p0 s20  }
0x1d5: {  	[sflag:s9] =	ssyncset.done $0x0;
	s31 =	sshll.u32 s19, $0x9  }
0x1d6: {  	[sflag:s9] =	ssyncadd.s32 $0xFFFFFE00;
	s17 =	sshra.s32 s31, $0x2  }
0x1d7: {  	v2 =	vld [tilespmem:s17+$0x0];
	_ =	sdelay $0x2  }
0x1d8: {  	s16 =	sshll.u32 s16, $0x6  }
0x1d9: {  	s16 =	sand.u32 $0x3FFFFFC0, s16  }
0x1da: {  	[tilespmem:s16+$0x10280] =	vst v2  }
0x1db: {  	v2 =	vld [tilespmem:s17+$0x10];
	_ =	sdelay $0x4  }
0x1dc: {  	[tilespmem:s16+$0x10290] =	vst v2  }
0x1dd: {  	v2 =	vld [tilespmem:s17+$0x20];
	_ =	sdelay $0x4  }
0x1de: {  	v3 =	vmov s15;
	s15 =	sadd.s32 $0x1, s15;
	[tilespmem:s16+$0x102A0] =	vst v2  }
0x1df: {  	p0 =	sne.s32 s15, $0x10;
	v2 =	vld [tilespmem:s17+$0x30]  }
.Ltmp3:
0x1e0: {  	_ = 	snop;
	(pc) =	sbr.rel @p0 .LBB2_6-.Ltmp3, $3  }
0x1e1: {  	_ =	sdelay $0x1  }
0x1e2: {  	vm15 =	veq.s32 v3, v0  }
0x1e3: {  	v1 =	vsel vm15, s19, v1;
	[tilespmem:s16+$0x102B0] =	vst v2  }
0x1e4: {  	[tilespmem:$0x10210] =	vst v1  }
0x1e5: {  	[hbm4b:s6+s3] =	stream.linear.scatter [tilespmem:s11], [sflag:$0x1], $0x20, $0x38;
	[tilespmem:$0x10A80] =	vst v63  }
0x1e6: {  	s13 =	sadd.s32 $0x1, s13;
	_ =	swait.ge [sflag:s9], $0x20  }
0x1e7: {  	p0 =	sne.s32 s13, s8;
	[sflag:s9] =	ssyncset.done $0x0  }
.Ltmp4:
0x1e8: {  	[sflag:s9] =	ssyncadd.s32 $0xFFFFFFE0;
	(pc) =	sbr.rel @p0 .LBB2_1-.Ltmp4, $4  }
0x1e9: {  	[hbm4b:s7+s3] =	stream.linear.scatter [tilespmem:s12], [sflag:$0x1], $0x800, $0x38;
	[tilespmem:$0x10A80] =	vst v63  }
0x1ea: {  	_ =	swait.ge [sflag:s9], $0x800  }
0x1eb: {  	[sflag:s9] =	ssyncset.done $0x0  }
0x1ec: {  	[sflag:s9] =	ssyncadd.s32 $0xFFFFF800  }
0x1ed: {  	_ =	sfence.sel $0x180000  }
0x1ee: {  	[bflag:$0x0] =	sbarrier.arrive $0xFFFF  }
0x1ef: {  	p0 =	sne.s32 s2, $0x0;
	_ =	strace $0x90000047  }
0x1f0: {  	s0 =	sadd.s32 @!p0 $0x100000, s0;
	[bflag:$0x2] =	sbarrier.arrive $0xFFFF  }
0x1f1: {  	[sflag:s0] =	ssyncadd.tile.s32 @!p0 $0x1;
	_ =	shalt  }
.Lfunc_end2:
_tile_overlayer_lowered:
.L_overlay_start_2:
0x1f2: {  	(tag) =	ssettag $0x2  }
0x1f3: {  	s0 =	rddreg [dreg:$0x0];
	s2 =	stileid.u32  }
0x1f4: {  	s1 =	rddreg [dreg:$0x1];
	p0 =	sne.s32 s2, $0x0  }
0x1f5: {  	s3 =	rddreg [dreg:$0x2];
	[bflag:$0x3] =	sbarrier.arrive $0xFFFF;
	s2 =	simm.s32 @!p0 $0x1C01  }
0x1f6: {  	[timem:s3], [sflag:s2] =	dma.local @!p0 [hbm:s0], s1  }
0x1f7: {  	s0 =	simm.s32 @!p0 $0x1  }
0x1f8: {  	_ =	swait.ge @!p0 [sflag:s0], s1  }
0x1f9: {  	s1 =	ssub.s32 @!p0 $0x0, s1;
	[sflag:s0] =	ssyncset.done @!p0 $0x0  }
0x1fa: {  	[sflag:s0] =	ssyncadd.s32 @!p0 s1  }
0x1fb: {  	[bflag:$0x3] =	sbarrier.arrive $0xFFFF  }
0x1fc: {  	_ =	shalt  }

</sc_bundles>
